<compile_context>
chip_gen: v7x
topology: tpu7x:2x2x1
jax: 0.10.2.dev20260603
libtpu: 0.0.44.dev20260713+nightly
codegen_flags: <defaults>
</compile_context>

<pallas_src>
import functools

import jax
import jax.numpy as jnp
from jax import lax
from jax.experimental import pallas as pl
from jax.experimental.pallas import tpu as pltpu
from jax.experimental.pallas import tpu_sc as plsc

N = 10000
E = 320000
D = 128
H = 128
C = 40

NC = 2
NS = 16
NW = NC * NS
EPT = E // NW
CH = 80
NCHP = 128
EPT2 = NCHP * CH
EPAD = NW * EPT2
NPAD = N + 8
NDEG = 10240
CSL = NDEG // NS
NBUF = 3
LOOK = 2
DHALF = NCHP // 2
OUTER = (NCHP + NBUF - 1) // NBUF

_MESH = plsc.VectorSubcoreMesh(core_axis_name="c", subcore_axis_name="s")


@functools.partial(
    pl.kernel,
    out_type=jax.ShapeDtypeStruct((NC, NDEG), jnp.float32),
    mesh=_MESH,
    compiler_params=pltpu.CompilerParams(needs_layout_passes=False),
    scratch_types=[
        pltpu.VMEM((EPT,), jnp.int32),
        pltpu.VMEM((NDEG,), jnp.float32),
        pltpu.VMEM((NS, CSL), jnp.float32),
        pltpu.VMEM((CSL,), jnp.float32),
        pltpu.VMEM_SHARED((NS, NDEG), jnp.float32),
    ],
)
def _sc_deg(dst_hbm, pdeg_out, dst_v, pdeg_v, red_v, out_v, stage_sh):
    c = lax.axis_index("c")
    s = lax.axis_index("s")
    tid = c * NS + s
    pltpu.sync_copy(dst_hbm.at[pl.ds(tid * EPT, EPT)], dst_v)
    ones = jnp.full((16,), 1.0, dtype=jnp.float32)
    zeros = jnp.zeros((16,), dtype=jnp.float32)

    def zero_body(i, _):
        pdeg_v[pl.ds(i * 16, 16)] = zeros
        return 0

    lax.fori_loop(0, NDEG // 16, zero_body, 0)

    def count_body(i, _):
        idx = dst_v[pl.ds(i * 16, 16)]
        plsc.addupdate_scatter(pdeg_v, [idx], ones)
        return 0

    lax.fori_loop(0, EPT // 16, count_body, 0)
    pltpu.sync_copy(pdeg_v, stage_sh.at[s])
    plsc.subcore_barrier()

    pltpu.sync_copy(stage_sh.at[:, pl.ds(s * CSL, CSL)], red_v)

    def red_body(i, _):
        sl = pl.ds(i * 16, 16)
        acc = red_v[0, sl]
        for r in range(1, NS):
            acc = acc + red_v[r, sl]
        out_v[sl] = acc
        return 0

    lax.fori_loop(0, CSL // 16, red_body, 0)
    pltpu.sync_copy(out_v, pdeg_out.at[c, pl.ds(s * CSL, CSL)])


@functools.partial(
    pl.kernel,
    out_type=jax.ShapeDtypeStruct((NC, N, H), jnp.float32),
    mesh=_MESH,
    compiler_params=pltpu.CompilerParams(needs_layout_passes=False),
    scratch_types=[
        pltpu.VMEM((EPT2,), jnp.int32),
        pltpu.VMEM((DHALF, CH), jnp.int32),
        pltpu.VMEM((NBUF, CH, H), jnp.float32),
        pltpu.VMEM_SHARED((NPAD, H), jnp.float32),
        pltpu.SemaphoreType.DMA,
        pltpu.SemaphoreType.DMA,
        pltpu.SemaphoreType.DMA,
        pltpu.SemaphoreType.DMA,
        pltpu.SemaphoreType.DMA,
        pltpu.SemaphoreType.DMA,
    ],
)
def _sc_agg(hp_hbm, src_hbm, dst_hbm, zeros_hbm, acc_out,
            src_v, dst_v, rows_v, acc_sh,
            g0, g1, g2, s0, s1, s2):
    gsem = (g0, g1, g2)
    ssem = (s0, s1, s2)
    c = lax.axis_index("c")
    s = lax.axis_index("s")
    tid = c * NS + s
    pltpu.sync_copy(src_hbm.at[pl.ds(tid * EPT2, EPT2)], src_v)
    pltpu.sync_copy(dst_hbm.at[tid, pl.ds(0, DHALF)], dst_v)
    nch = jnp.minimum((E - tid * EPT2) // CH, NCHP)

    for b in range(LOOK):
        pltpu.async_copy(hp_hbm.at[src_v.at[pl.ds(b * CH, CH)]],
                         rows_v.at[b], gsem[b])

    @pl.when(s < NS - 1)
    def _():
        pltpu.sync_copy(zeros_hbm.at[pl.ds(s * 624, 624)],
                        acc_sh.at[pl.ds(s * 624, 624)])

    @pl.when(s == NS - 1)
    def _():
        pltpu.sync_copy(zeros_hbm.at[pl.ds(9360, 640)],
                        acc_sh.at[pl.ds(9360, 640)])
    plsc.subcore_barrier()

    def outer(i, _):
        g = i * NBUF
        for b in range(NBUF):
            j = g + b
            k = j + LOOK
            kb = (b + LOOK) % NBUF

            @pl.when(k < nch)
            def _():
                @pl.when(k >= NBUF)
                def _():
                    pltpu.make_async_copy(
                        hp_hbm.at[pl.ds(0, CH)], rows_v.at[kb],
                        ssem[kb]).wait()
                pltpu.async_copy(hp_hbm.at[src_v.at[pl.ds(k * CH, CH)]],
                                 rows_v.at[kb], gsem[kb])

            @pl.when((j == DHALF) & (DHALF < nch))
            def _():
                pltpu.sync_copy(dst_hbm.at[tid, pl.ds(DHALF, DHALF)], dst_v)

            @pl.when(j < nch)
            def _():
                pltpu.make_async_copy(
                    hp_hbm.at[pl.ds(0, CH)], rows_v.at[b], gsem[b]).wait()
                jr = jnp.where(j >= DHALF, j - DHALF, j)
                pltpu.async_copy(rows_v.at[b], acc_sh.at[dst_v.at[jr]],
                                 ssem[b], add=True)
        return 0

    lax.fori_loop(0, OUTER, outer, 0)
    for b in range(NBUF):
        pltpu.make_async_copy(
            hp_hbm.at[pl.ds(0, CH)], rows_v.at[b], ssem[b]).wait()
    plsc.subcore_barrier()

    @pl.when(s < NS - 1)
    def _():
        pltpu.sync_copy(acc_sh.at[pl.ds(s * 624, 624)],
                        acc_out.at[c, pl.ds(s * 624, 624)])

    @pl.when(s == NS - 1)
    def _():
        pltpu.sync_copy(acc_sh.at[pl.ds(9360, 640)],
                        acc_out.at[c, pl.ds(9360, 640)])


RB = 1000
GRID = N // RB


def _dis_block(pdeg_ref):
    deg = 1.0 + pdeg_ref[:, 0] + pdeg_ref[:, 1]
    return lax.rsqrt(deg)


def _tc_m1_body(x_ref, w_ref, o_ref, z_ref):
    o_ref[...] = jnp.dot(x_ref[...], w_ref[...],
                         preferred_element_type=jnp.float32)
    z_ref[...] = jnp.zeros((RB, H), jnp.float32)


def _tc_m1(x, w_in):
    return pl.pallas_call(
        _tc_m1_body,
        grid=(GRID,),
        in_specs=[
            pl.BlockSpec((RB, D), lambda i: (i, 0)),
            pl.BlockSpec((D, H), lambda i: (0, 0)),
        ],
        out_specs=[
            pl.BlockSpec((RB, H), lambda i: (i, 0)),
            pl.BlockSpec((RB, H), lambda i: (i, 0)),
        ],
        out_shape=[
            jax.ShapeDtypeStruct((N, H), jnp.float32),
            jax.ShapeDtypeStruct((N, H), jnp.float32),
        ],
    )(x, w_in)


def _tc_s1_body(h_ref, pdeg_ref, o_ref, dis_ref):
    deg = 1.0 + pdeg_ref[:, 0] + pdeg_ref[:, 1]
    dis = lax.rsqrt(deg)
    dis_ref[...] = dis[:, None]
    o_ref[...] = h_ref[...] * dis[:, None]


def _tc_s1(h, pdeg):
    return pl.pallas_call(
        _tc_s1_body,
        grid=(GRID,),
        in_specs=[
            pl.BlockSpec((RB, H), lambda i: (i, 0)),
            pl.BlockSpec((RB, NC), lambda i: (i, 0)),
        ],
        out_specs=[
            pl.BlockSpec((RB, H), lambda i: (i, 0)),
            pl.BlockSpec((RB, 1), lambda i: (i, 0)),
        ],
        out_shape=[
            jax.ShapeDtypeStruct((N, H), jnp.float32),
            jax.ShapeDtypeStruct((N, 1), jnp.float32),
        ],
    )(h, pdeg)


def _tc_a2_body(acc_ref, hp_ref, dis_ref, b_ref, w_ref, o_ref):
    dis = dis_ref[...]
    agg = acc_ref[0] + acc_ref[1] + hp_ref[...]
    h1 = agg * dis + b_ref[...]
    h2 = jnp.dot(h1, w_ref[...], preferred_element_type=jnp.float32)
    o_ref[...] = h2 * dis


def _tc_a2(acc, hp, dis, b, w):
    return pl.pallas_call(
        _tc_a2_body,
        grid=(GRID,),
        in_specs=[
            pl.BlockSpec((NC, RB, H), lambda i: (0, i, 0)),
            pl.BlockSpec((RB, H), lambda i: (i, 0)),
            pl.BlockSpec((RB, 1), lambda i: (i, 0)),
            pl.BlockSpec((1, H), lambda i: (0, 0)),
            pl.BlockSpec((H, H), lambda i: (0, 0)),
        ],
        out_specs=pl.BlockSpec((RB, H), lambda i: (i, 0)),
        out_shape=jax.ShapeDtypeStruct((N, H), jnp.float32),
    )(acc, hp, dis, b, w)


def _tc_a3_body(acc_ref, hp_ref, dis_ref, b1_ref, wout_ref, bout_ref, o_ref):
    dis = dis_ref[...]
    agg = acc_ref[0] + acc_ref[1] + hp_ref[...]
    h2 = jnp.maximum(agg * dis + b1_ref[...], 0.0)
    logits = jnp.dot(h2, wout_ref[...], preferred_element_type=jnp.float32)
    logits = logits + bout_ref[...]
    m = jnp.max(logits, axis=1, keepdims=True)
    z = logits - m
    lse = jnp.log(jnp.sum(jnp.exp(z), axis=1, keepdims=True))
    o_ref[...] = z - lse


def _tc_a3(acc, hp, dis, b1, w_out, b_out):
    return pl.pallas_call(
        _tc_a3_body,
        grid=(GRID,),
        in_specs=[
            pl.BlockSpec((NC, RB, H), lambda i: (0, i, 0)),
            pl.BlockSpec((RB, H), lambda i: (i, 0)),
            pl.BlockSpec((RB, 1), lambda i: (i, 0)),
            pl.BlockSpec((1, H), lambda i: (0, 0)),
            pl.BlockSpec((H, C), lambda i: (0, 0)),
            pl.BlockSpec((1, C), lambda i: (0, 0)),
        ],
        out_specs=pl.BlockSpec((RB, C), lambda i: (i, 0)),
        out_shape=jax.ShapeDtypeStruct((N, C), jnp.float32),
    )(acc, hp, dis, b1, w_out, b_out)


def kernel(x, edge_index, W_in, b_in, W1, b1, W_out, b_out):
    src = edge_index[0]
    dst = edge_index[1]
    pad = EPAD - E
    src_r = jnp.concatenate([src, jnp.zeros((pad,), jnp.int32)])
    dst_r = jnp.concatenate(
        [dst, jnp.full((pad,), N, jnp.int32)]).reshape(NW, NCHP, CH)
    pdeg = _sc_deg(dst).T[:N]
    h0, zeros_big = _tc_m1(x, W_in)
    h1p, dis = _tc_s1(h0, pdeg)
    acc1 = _sc_agg(h1p, src_r, dst_r, zeros_big)
    h2p = _tc_a2(acc1, h1p, dis, b_in.reshape(1, H), W1)
    acc2 = _sc_agg(h2p, src_r, dst_r, zeros_big)
    out = _tc_a3(acc2, h2p, dis, b1.reshape(1, H), W_out.reshape(H, C),
                 b_out.reshape(1, C))
    return out

# --- scband reference (transcript-rebuilt; emitter-appended) ---
"""Pipeline reference for scband-gcn-31696858644576 (READ-ONLY COPY).

The authoritative reference and input builder live on the scoring server;
editing this copy changes nothing except your own understanding.
"""

import jax, jax.numpy as jnp
import numpy as np

N = 10000
E = 320000
D = 128
H = 128
C = 40


def setup_inputs(seed: int = 0) -> dict:
    key = jax.random.key(seed)
    ks = jax.random.split(key, 8)
    x = jax.random.normal(ks[0], (N, D), dtype=jnp.float32)
    edge_index = jax.random.randint(ks[1], (2, E), 0, N, dtype=jnp.int32)
    W_in = jax.random.normal(ks[2], (D, H), dtype=jnp.float32) * (1.0 / np.sqrt(D))
    b_in = jnp.zeros((H,), dtype=jnp.float32)
    W1 = jax.random.normal(ks[3], (H, H), dtype=jnp.float32) * (1.0 / np.sqrt(H))
    b1 = jnp.zeros((H,), dtype=jnp.float32)
    W_out = jax.random.normal(ks[4], (H, C), dtype=jnp.float32) * (1.0 / np.sqrt(H))
    b_out = jnp.zeros((C,), dtype=jnp.float32)
    return {"x": x, "edge_index": edge_index, "W_in": W_in, "b_in": b_in,
            "W1": W1, "b1": b1, "W_out": W_out, "b_out": b_out}


def _gcn_conv(x, src, dst, W, b, n_nodes):
    # GCNConv: x' = D^{-1/2} (A + I) D^{-1/2} X W + b (self loops already in src/dst)
    h = x @ W
    ones = jnp.ones(src.shape[0], dtype=h.dtype)
    deg = jax.ops.segment_sum(ones, dst, num_segments=n_nodes)
    dis = jnp.where(deg > 0, jax.lax.rsqrt(jnp.maximum(deg, 1e-12)), 0.0)
    norm = dis[src] * dis[dst]
    msg = h[src] * norm[:, None]
    out = jax.ops.segment_sum(msg, dst, num_segments=n_nodes)
    return out + b


def reference(x, edge_index, W_in, b_in, W1, b1, W_out, b_out):
    n = x.shape[0]
    loop = jnp.arange(n, dtype=edge_index.dtype)
    src = jnp.concatenate([edge_index[0], loop])
    dst = jnp.concatenate([edge_index[1], loop])
    # input_fc
    h = _gcn_conv(x, src, dst, W_in, b_in, n)
    # single hidden conv layer (dropout is identity in eval mode), then ReLU
    h = _gcn_conv(h, src, dst, W1, b1, n)
    h = jax.nn.relu(h)
    # output linear + log_softmax
    out = h @ W_out + b_out
    return jax.nn.log_softmax(out, axis=1)

if __name__ == "__main__":
    import jax
    _d = setup_inputs()
    print(jax.jit(kernel)(*tuple(_d.values())))

</pallas_src>

<mosaic_0001>
#map = affine_map<(d0, d1) -> (0, 0)>
#map1 = affine_map<(d0, d1) -> (0)>
#map2 = affine_map<(d0, d1) -> (0, 0, 0)>
module attributes {stable_mosaic.version = 14 : i64} {
  func.func @_sc_agg(%arg0: i32, %arg1: i32, %arg2: memref<10000x128xf32, #tpu.memory_space<hbm>>, %arg3: memref<327680xi32, #tpu.memory_space<hbm>>, %arg4: memref<32x128x80xi32, #tpu.memory_space<hbm>>, %arg5: memref<10000x128xf32, #tpu.memory_space<hbm>>, %arg6: memref<2x10000x128xf32, #tpu.memory_space<hbm>>, %arg7: memref<10240xi32, #tpu.memory_space<vmem>>, %arg8: memref<64x80xi32, #tpu.memory_space<vmem>>, %arg9: memref<3x80x128xf32, #tpu.memory_space<vmem>>, %arg10: memref<10008x128xf32, #tpu.memory_space<vmem_shared>>, %arg11: memref<!tpu.dma_semaphore, #tpu.memory_space<semaphore_mem>>, %arg12: memref<!tpu.dma_semaphore, #tpu.memory_space<semaphore_mem>>, %arg13: memref<!tpu.dma_semaphore, #tpu.memory_space<semaphore_mem>>, %arg14: memref<!tpu.dma_semaphore, #tpu.memory_space<semaphore_mem>>, %arg15: memref<!tpu.dma_semaphore, #tpu.memory_space<semaphore_mem>>, %arg16: memref<!tpu.dma_semaphore, #tpu.memory_space<semaphore_mem>>) attributes {dimension_semantics = [#tpu.dimension_semantics<core_parallel>, #tpu.dimension_semantics<subcore_parallel>], iteration_bounds = array<i64: 2, 16>, scalar_prefetch = 0 : i64, scratch_operands = 10 : i64, tpu.core_type = #tpu.core_type<sc_vector_subcore>, window_params = [{transform_indices = #map}, {transform_indices = #map1}, {transform_indices = #map2}, {transform_indices = #map}, {transform_indices = #map2}]} {
    %mul3A = arith.constant 16 : i32
    %mul3A_0 = arith.muli %arg0, %mul3A : i32
    %add3A = arith.addi %mul3A_0, %arg1 : i32
    %mul3A_1 = arith.constant 10240 : i32
    %mul3A_2 = arith.muli %add3A, %mul3A_1 : i32
    "tpu.region"() ({
      %run_scoped3A = tpu.sem_alloc : memref<!tpu.dma_semaphore, #tpu.memory_space<semaphore_mem>>
      %dma_start3A_110 = tpu.memref_slice %arg3[%mul3A_2] : memref<327680xi32, #tpu.memory_space<hbm>> -> memref<10240xi32, #tpu.memory_space<hbm>>
      %dma_start3A_111 = tpu.memref_slice %arg3[%mul3A_2] : memref<327680xi32, #tpu.memory_space<hbm>> -> memref<10240xi32, #tpu.memory_space<hbm>>
      tpu.enqueue_dma source(%dma_start3A_111 : memref<10240xi32, #tpu.memory_space<hbm>>) target(%arg7 : memref<10240xi32, #tpu.memory_space<vmem>>) target_semaphore(%run_scoped3A : memref<!tpu.dma_semaphore, #tpu.memory_space<semaphore_mem>>)
      %dma_wait3A_112 = tpu.memref_slice %arg3[%mul3A_2] : memref<327680xi32, #tpu.memory_space<hbm>> -> memref<10240xi32, #tpu.memory_space<hbm>>
      %dma_wait3A_113 = tpu.memref_slice %arg3[%mul3A_2] : memref<327680xi32, #tpu.memory_space<hbm>> -> memref<10240xi32, #tpu.memory_space<hbm>>
      tpu.wait_dma2 semaphore(%run_scoped3A : memref<!tpu.dma_semaphore, #tpu.memory_space<semaphore_mem>>) src(%dma_wait3A_113 : memref<10240xi32, #tpu.memory_space<hbm>>) dst(%arg7 : memref<10240xi32, #tpu.memory_space<vmem>>)
      tpu.yield
    }) : () -> ()
    "tpu.region"() ({
      %run_scoped3A = tpu.sem_alloc : memref<!tpu.dma_semaphore, #tpu.memory_space<semaphore_mem>>
      %dma_start3A_110 = arith.constant 0 : i32
      %dma_start3A_111 = arith.constant 0 : i32
      %dma_start3A_112 = tpu.memref_slice %arg4[%add3A, %dma_start3A_110, %dma_start3A_111] : memref<32x128x80xi32, #tpu.memory_space<hbm>> -> memref<1x64x80xi32, #tpu.memory_space<hbm>>
      %dma_start3A_113 = tpu.memref_squeeze %dma_start3A_112 : memref<1x64x80xi32, #tpu.memory_space<hbm>> -> memref<64x80xi32, #tpu.memory_space<hbm>>
      %dma_start3A_114 = arith.constant 0 : i32
      %dma_start3A_115 = arith.constant 0 : i32
      %dma_start3A_116 = tpu.memref_slice %arg4[%add3A, %dma_start3A_114, %dma_start3A_115] : memref<32x128x80xi32, #tpu.memory_space<hbm>> -> memref<1x64x80xi32, #tpu.memory_space<hbm>>
      %dma_start3A_117 = tpu.memref_squeeze %dma_start3A_116 : memref<1x64x80xi32, #tpu.memory_space<hbm>> -> memref<64x80xi32, #tpu.memory_space<hbm>>
      tpu.enqueue_dma source(%dma_start3A_117 : memref<64x80xi32, #tpu.memory_space<hbm>>) target(%arg8 : memref<64x80xi32, #tpu.memory_space<vmem>>) target_semaphore(%run_scoped3A : memref<!tpu.dma_semaphore, #tpu.memory_space<semaphore_mem>>)
      %dma_wait3A_118 = arith.constant 0 : i32
      %dma_wait3A_119 = arith.constant 0 : i32
      %dma_wait3A_120 = tpu.memref_slice %arg4[%add3A, %dma_wait3A_118, %dma_wait3A_119] : memref<32x128x80xi32, #tpu.memory_space<hbm>> -> memref<1x64x80xi32, #tpu.memory_space<hbm>>
      %dma_wait3A_121 = tpu.memref_squeeze %dma_wait3A_120 : memref<1x64x80xi32, #tpu.memory_space<hbm>> -> memref<64x80xi32, #tpu.memory_space<hbm>>
      %dma_wait3A_122 = arith.constant 0 : i32
      %dma_wait3A_123 = arith.constant 0 : i32
      %dma_wait3A_124 = tpu.memref_slice %arg4[%add3A, %dma_wait3A_122, %dma_wait3A_123] : memref<32x128x80xi32, #tpu.memory_space<hbm>> -> memref<1x64x80xi32, #tpu.memory_space<hbm>>
      %dma_wait3A_125 = tpu.memref_squeeze %dma_wait3A_124 : memref<1x64x80xi32, #tpu.memory_space<hbm>> -> memref<64x80xi32, #tpu.memory_space<hbm>>
      tpu.wait_dma2 semaphore(%run_scoped3A : memref<!tpu.dma_semaphore, #tpu.memory_space<semaphore_mem>>) src(%dma_wait3A_125 : memref<64x80xi32, #tpu.memory_space<hbm>>) dst(%arg8 : memref<64x80xi32, #tpu.memory_space<vmem>>)
      tpu.yield
    }) : () -> ()
    %mul3A_3 = arith.constant 10240 : i32
    %mul3A_4 = arith.muli %add3A, %mul3A_3 : i32
    %sub3A = arith.constant 320000 : i32
    %sub3A_5 = arith.subi %sub3A, %mul3A_4 : i32
    %jit3A = arith.constant 80 : i32
    %div3A = arith.divsi %sub3A_5, %jit3A : i32
    %sign3A = arith.constant 0 : i32
    %sign3A_6 = arith.cmpi sgt, %sub3A_5, %sign3A : i32
    %sign3A_7 = arith.extui %sign3A_6 : i1 to i32
    %sign3A_8 = arith.constant 0 : i32
    %sign3A_9 = arith.cmpi slt, %sub3A_5, %sign3A_8 : i32
    %sign3A_10 = arith.extui %sign3A_9 : i1 to i32
    %sign3A_11 = arith.subi %sign3A_7, %sign3A_10 : i32
    %sign3A_12 = arith.constant 0 : i32
    %sign3A_13 = arith.cmpi sgt, %jit3A, %sign3A_12 : i32
    %sign3A_14 = arith.extui %sign3A_13 : i1 to i32
    %sign3A_15 = arith.constant 0 : i32
    %sign3A_16 = arith.cmpi slt, %jit3A, %sign3A_15 : i32
    %sign3A_17 = arith.extui %sign3A_16 : i1 to i32
    %sign3A_18 = arith.subi %sign3A_14, %sign3A_17 : i32
    %ne3A = arith.cmpi ne, %sign3A_11, %sign3A_18 : i32
    %rem3A = arith.remsi %sub3A_5, %jit3A : i32
    %ne3A_19 = arith.constant 0 : i32
    %ne3A_20 = arith.cmpi ne, %rem3A, %ne3A_19 : i32
    %and3A = arith.andi %ne3A, %ne3A_20 : i1
    %sub3A_21 = arith.constant 1 : i32
    %sub3A_22 = arith.subi %div3A, %sub3A_21 : i32
    %select_n3A = arith.select %and3A, %sub3A_22, %div3A : i32
    %min3A = arith.constant 128 : i32
    %min3A_23 = arith.minsi %select_n3A, %min3A : i32
    %dma_start3A = arith.constant 0 : i32
    %dma_start3A_24 = arith.constant 0 : i32
    %dma_start3A_25 = arith.constant 0 : i32
    %dma_start3A_26 = tpu.memref_slice %arg9[%dma_start3A, %dma_start3A_24, %dma_start3A_25] : memref<3x80x128xf32, #tpu.memory_space<vmem>> -> memref<1x80x128xf32, #tpu.memory_space<vmem>>
    %dma_start3A_27 = tpu.memref_squeeze %dma_start3A_26 : memref<1x80x128xf32, #tpu.memory_space<vmem>> -> memref<80x128xf32, #tpu.memory_space<vmem>>
    %dma_start3A_28 = arith.constant 0 : i32
    %dma_start3A_29 = tpu.memref_slice %arg7[%dma_start3A_28] : memref<10240xi32, #tpu.memory_space<vmem>> -> memref<80xi32, #tpu.memory_space<vmem>>
    %dma_start3A_30 = arith.constant 0 : i32
    %dma_start3A_31 = arith.constant 0 : i32
    %dma_start3A_32 = tpu.memref_slice %arg2[%dma_start3A_30, %dma_start3A_31] : memref<10000x128xf32, #tpu.memory_space<hbm>> -> memref<10000x128xf32, #tpu.memory_space<hbm>>
    tpu.enqueue_indirect_dma source(%dma_start3A_32 : memref<10000x128xf32, #tpu.memory_space<hbm>>) target(%dma_start3A_27 : memref<80x128xf32, #tpu.memory_space<vmem>>) offsets(%dma_start3A_29 : memref<80xi32, #tpu.memory_space<vmem>>) semaphore(%arg11 : memref<!tpu.dma_semaphore, #tpu.memory_space<semaphore_mem>>)
    %dma_start3A_33 = arith.constant 1 : i32
    %dma_start3A_34 = arith.constant 0 : i32
    %dma_start3A_35 = arith.constant 0 : i32
    %dma_start3A_36 = tpu.memref_slice %arg9[%dma_start3A_33, %dma_start3A_34, %dma_start3A_35] : memref<3x80x128xf32, #tpu.memory_space<vmem>> -> memref<1x80x128xf32, #tpu.memory_space<vmem>>
    %dma_start3A_37 = tpu.memref_squeeze %dma_start3A_36 : memref<1x80x128xf32, #tpu.memory_space<vmem>> -> memref<80x128xf32, #tpu.memory_space<vmem>>
    %dma_start3A_38 = arith.constant 80 : i32
    %dma_start3A_39 = tpu.memref_slice %arg7[%dma_start3A_38] : memref<10240xi32, #tpu.memory_space<vmem>> -> memref<80xi32, #tpu.memory_space<vmem>>
    %dma_start3A_40 = arith.constant 0 : i32
    %dma_start3A_41 = arith.constant 0 : i32
    %dma_start3A_42 = tpu.memref_slice %arg2[%dma_start3A_40, %dma_start3A_41] : memref<10000x128xf32, #tpu.memory_space<hbm>> -> memref<10000x128xf32, #tpu.memory_space<hbm>>
    tpu.enqueue_indirect_dma source(%dma_start3A_42 : memref<10000x128xf32, #tpu.memory_space<hbm>>) target(%dma_start3A_37 : memref<80x128xf32, #tpu.memory_space<vmem>>) offsets(%dma_start3A_39 : memref<80xi32, #tpu.memory_space<vmem>>) semaphore(%arg12 : memref<!tpu.dma_semaphore, #tpu.memory_space<semaphore_mem>>)
    %lt3A = arith.constant 15 : i32
    %lt3A_43 = arith.cmpi slt, %arg1, %lt3A : i32
    %convert_element_type3A = arith.extui %lt3A_43 : i1 to i32
    %cond3A = arith.constant 0 : i32
    %cond3A_44 = arith.cmpi ne, %convert_element_type3A, %cond3A : i32
    scf.if %cond3A_44 {
      %mul3A_110 = arith.constant 624 : i32
      %mul3A_111 = arith.muli %arg1, %mul3A_110 : i32
      %mul3A_112 = arith.constant 624 : i32
      %mul3A_113 = arith.muli %arg1, %mul3A_112 : i32
      "tpu.region"() ({
        %run_scoped3A = tpu.sem_alloc : memref<!tpu.dma_semaphore, #tpu.memory_space<semaphore_mem>>
        %dma_start3A_114 = arith.constant 0 : i32
        %dma_start3A_115 = tpu.memref_slice %arg10[%mul3A_113, %dma_start3A_114] : memref<10008x128xf32, #tpu.memory_space<vmem_shared>> -> memref<624x128xf32, #tpu.memory_space<vmem_shared>>
        %dma_start3A_116 = arith.constant 0 : i32
        %dma_start3A_117 = tpu.memref_slice %arg5[%mul3A_111, %dma_start3A_116] : memref<10000x128xf32, #tpu.memory_space<hbm>> -> memref<624x128xf32, #tpu.memory_space<hbm>>
        tpu.enqueue_dma source(%dma_start3A_117 : memref<624x128xf32, #tpu.memory_space<hbm>>) target(%dma_start3A_115 : memref<624x128xf32, #tpu.memory_space<vmem_shared>>) target_semaphore(%run_scoped3A : memref<!tpu.dma_semaphore, #tpu.memory_space<semaphore_mem>>)
        %dma_wait3A_118 = arith.constant 0 : i32
        %dma_wait3A_119 = tpu.memref_slice %arg10[%mul3A_113, %dma_wait3A_118] : memref<10008x128xf32, #tpu.memory_space<vmem_shared>> -> memref<624x128xf32, #tpu.memory_space<vmem_shared>>
        %dma_wait3A_120 = arith.constant 0 : i32
        %dma_wait3A_121 = tpu.memref_slice %arg5[%mul3A_111, %dma_wait3A_120] : memref<10000x128xf32, #tpu.memory_space<hbm>> -> memref<624x128xf32, #tpu.memory_space<hbm>>
        tpu.wait_dma2 semaphore(%run_scoped3A : memref<!tpu.dma_semaphore, #tpu.memory_space<semaphore_mem>>) src(%dma_wait3A_121 : memref<624x128xf32, #tpu.memory_space<hbm>>) dst(%dma_wait3A_119 : memref<624x128xf32, #tpu.memory_space<vmem_shared>>)
        tpu.yield
      }) : () -> ()
    } else {
    }
    %eq3A = arith.constant 15 : i32
    %eq3A_45 = arith.cmpi eq, %arg1, %eq3A : i32
    %convert_element_type3A_46 = arith.extui %eq3A_45 : i1 to i32
    %cond3A_47 = arith.constant 0 : i32
    %cond3A_48 = arith.cmpi ne, %convert_element_type3A_46, %cond3A_47 : i32
    scf.if %cond3A_48 {
      "tpu.region"() ({
        %run_scoped3A = tpu.sem_alloc : memref<!tpu.dma_semaphore, #tpu.memory_space<semaphore_mem>>
        %dma_start3A_110 = arith.constant 9360 : i32
        %dma_start3A_111 = arith.constant 0 : i32
        %dma_start3A_112 = tpu.memref_slice %arg10[%dma_start3A_110, %dma_start3A_111] : memref<10008x128xf32, #tpu.memory_space<vmem_shared>> -> memref<640x128xf32, #tpu.memory_space<vmem_shared>>
        %dma_start3A_113 = arith.constant 9360 : i32
        %dma_start3A_114 = arith.constant 0 : i32
        %dma_start3A_115 = tpu.memref_slice %arg5[%dma_start3A_113, %dma_start3A_114] : memref<10000x128xf32, #tpu.memory_space<hbm>> -> memref<640x128xf32, #tpu.memory_space<hbm>>
        tpu.enqueue_dma source(%dma_start3A_115 : memref<640x128xf32, #tpu.memory_space<hbm>>) target(%dma_start3A_112 : memref<640x128xf32, #tpu.memory_space<vmem_shared>>) target_semaphore(%run_scoped3A : memref<!tpu.dma_semaphore, #tpu.memory_space<semaphore_mem>>)
        %dma_wait3A_116 = arith.constant 9360 : i32
        %dma_wait3A_117 = arith.constant 0 : i32
        %dma_wait3A_118 = tpu.memref_slice %arg10[%dma_wait3A_116, %dma_wait3A_117] : memref<10008x128xf32, #tpu.memory_space<vmem_shared>> -> memref<640x128xf32, #tpu.memory_space<vmem_shared>>
        %dma_wait3A_119 = arith.constant 9360 : i32
        %dma_wait3A_120 = arith.constant 0 : i32
        %dma_wait3A_121 = tpu.memref_slice %arg5[%dma_wait3A_119, %dma_wait3A_120] : memref<10000x128xf32, #tpu.memory_space<hbm>> -> memref<640x128xf32, #tpu.memory_space<hbm>>
        tpu.wait_dma2 semaphore(%run_scoped3A : memref<!tpu.dma_semaphore, #tpu.memory_space<semaphore_mem>>) src(%dma_wait3A_121 : memref<640x128xf32, #tpu.memory_space<hbm>>) dst(%dma_wait3A_118 : memref<640x128xf32, #tpu.memory_space<vmem_shared>>)
        tpu.yield
      }) : () -> ()
    } else {
    }
    %barrier3A = arith.constant 0 : index
    tpu.barrier barrier_id(%barrier3A)
    %scan3A = arith.constant 0 : i32
    %scan3A_49 = arith.constant 0 : i32
    %scan3A_50 = arith.constant 43 : i32
    %scan3A_51 = arith.addi %scan3A_49, %scan3A_50 : i32
    %scan3A_52 = arith.constant 1 : i32
    %scan3A_53 = scf.for %scan3A_110 = %scan3A_49 to %scan3A_51 step %scan3A_52 iter_args(%scan3A_111 = %scan3A) -> (i32)  : i32 {
      %mul3A_112 = arith.constant 3 : i32
      %mul3A_113 = arith.muli %scan3A_110, %mul3A_112 : i32
      %add3A_114 = arith.constant 0 : i32
      %add3A_115 = arith.addi %mul3A_113, %add3A_114 : i32
      %add3A_116 = arith.constant 2 : i32
      %add3A_117 = arith.addi %add3A_115, %add3A_116 : i32
      %lt3A_118 = arith.cmpi slt, %add3A_117, %min3A_23 : i32
      %convert_element_type3A_119 = arith.extui %lt3A_118 : i1 to i32
      %cond3A_120 = arith.constant 0 : i32
      %cond3A_121 = arith.cmpi ne, %convert_element_type3A_119, %cond3A_120 : i32
      scf.if %cond3A_121 {
        %ge3A = arith.constant 3 : i32
        %ge3A_174 = arith.cmpi sge, %add3A_117, %ge3A : i32
        %convert_element_type3A_175 = arith.extui %ge3A_174 : i1 to i32
        %cond3A_176 = arith.constant 0 : i32
        %cond3A_177 = arith.cmpi ne, %convert_element_type3A_175, %cond3A_176 : i32
        scf.if %cond3A_177 {
          %dma_wait3A_189 = arith.constant 2 : i32
          %dma_wait3A_190 = arith.constant 0 : i32
          %dma_wait3A_191 = arith.constant 0 : i32
          %dma_wait3A_192 = tpu.memref_slice %arg9[%dma_wait3A_189, %dma_wait3A_190, %dma_wait3A_191] : memref<3x80x128xf32, #tpu.memory_space<vmem>> -> memref<1x80x128xf32, #tpu.memory_space<vmem>>
          %dma_wait3A_193 = tpu.memref_squeeze %dma_wait3A_192 : memref<1x80x128xf32, #tpu.memory_space<vmem>> -> memref<80x128xf32, #tpu.memory_space<vmem>>
          %dma_wait3A_194 = arith.constant 0 : i32
          %dma_wait3A_195 = arith.constant 0 : i32
          %dma_wait3A_196 = tpu.memref_slice %arg2[%dma_wait3A_194, %dma_wait3A_195] : memref<10000x128xf32, #tpu.memory_space<hbm>> -> memref<80x128xf32, #tpu.memory_space<hbm>>
          %dma_wait3A_197 = arith.constant 0 : i32
          %dma_wait3A_198 = arith.constant 0 : i32
          %dma_wait3A_199 = tpu.memref_slice %arg9[%dma_wait3A_189, %dma_wait3A_197, %dma_wait3A_198] : memref<3x80x128xf32, #tpu.memory_space<vmem>> -> memref<1x80x128xf32, #tpu.memory_space<vmem>>
          %dma_wait3A_200 = tpu.memref_squeeze %dma_wait3A_199 : memref<1x80x128xf32, #tpu.memory_space<vmem>> -> memref<80x128xf32, #tpu.memory_space<vmem>>
          %dma_wait3A_201 = arith.constant 0 : i32
          %dma_wait3A_202 = arith.constant 0 : i32
          %dma_wait3A_203 = tpu.memref_slice %arg2[%dma_wait3A_201, %dma_wait3A_202] : memref<10000x128xf32, #tpu.memory_space<hbm>> -> memref<80x128xf32, #tpu.memory_space<hbm>>
          tpu.wait_dma2 semaphore(%arg16 : memref<!tpu.dma_semaphore, #tpu.memory_space<semaphore_mem>>) src(%dma_wait3A_203 : memref<80x128xf32, #tpu.memory_space<hbm>>) dst(%dma_wait3A_200 : memref<80x128xf32, #tpu.memory_space<vmem>>)
        } else {
        }
        %mul3A_178 = arith.constant 80 : i32
        %mul3A_179 = arith.muli %add3A_117, %mul3A_178 : i32
        %dma_start3A_180 = arith.constant 2 : i32
        %dma_start3A_181 = arith.constant 0 : i32
        %dma_start3A_182 = arith.constant 0 : i32
        %dma_start3A_183 = tpu.memref_slice %arg9[%dma_start3A_180, %dma_start3A_181, %dma_start3A_182] : memref<3x80x128xf32, #tpu.memory_space<vmem>> -> memref<1x80x128xf32, #tpu.memory_space<vmem>>
        %dma_start3A_184 = tpu.memref_squeeze %dma_start3A_183 : memref<1x80x128xf32, #tpu.memory_space<vmem>> -> memref<80x128xf32, #tpu.memory_space<vmem>>
        %dma_start3A_185 = tpu.memref_slice %arg7[%mul3A_179] : memref<10240xi32, #tpu.memory_space<vmem>> -> memref<80xi32, #tpu.memory_space<vmem>>
        %dma_start3A_186 = arith.constant 0 : i32
        %dma_start3A_187 = arith.constant 0 : i32
        %dma_start3A_188 = tpu.memref_slice %arg2[%dma_start3A_186, %dma_start3A_187] : memref<10000x128xf32, #tpu.memory_space<hbm>> -> memref<10000x128xf32, #tpu.memory_space<hbm>>
        tpu.enqueue_indirect_dma source(%dma_start3A_188 : memref<10000x128xf32, #tpu.memory_space<hbm>>) target(%dma_start3A_184 : memref<80x128xf32, #tpu.memory_space<vmem>>) offsets(%dma_start3A_185 : memref<80xi32, #tpu.memory_space<vmem>>) semaphore(%arg13 : memref<!tpu.dma_semaphore, #tpu.memory_space<semaphore_mem>>)
      } else {
      }
      %eq3A_122 = arith.constant 64 : i32
      %eq3A_123 = arith.cmpi eq, %add3A_115, %eq3A_122 : i32
      %gt3A = arith.constant 64 : i32
      %gt3A_124 = arith.cmpi sgt, %min3A_23, %gt3A : i32
      %and3A_125 = arith.andi %eq3A_123, %gt3A_124 : i1
      %convert_element_type3A_126 = arith.extui %and3A_125 : i1 to i32
      %cond3A_127 = arith.constant 0 : i32
      %cond3A_128 = arith.cmpi ne, %convert_element_type3A_126, %cond3A_127 : i32
      scf.if %cond3A_128 {
        "tpu.region"() ({
          %run_scoped3A = tpu.sem_alloc : memref<!tpu.dma_semaphore, #tpu.memory_space<semaphore_mem>>
          %dma_start3A_174 = arith.constant 64 : i32
          %dma_start3A_175 = arith.constant 0 : i32
          %dma_start3A_176 = tpu.memref_slice %arg4[%add3A, %dma_start3A_174, %dma_start3A_175] : memref<32x128x80xi32, #tpu.memory_space<hbm>> -> memref<1x64x80xi32, #tpu.memory_space<hbm>>
          %dma_start3A_177 = tpu.memref_squeeze %dma_start3A_176 : memref<1x64x80xi32, #tpu.memory_space<hbm>> -> memref<64x80xi32, #tpu.memory_space<hbm>>
          %dma_start3A_178 = arith.constant 64 : i32
          %dma_start3A_179 = arith.constant 0 : i32
          %dma_start3A_180 = tpu.memref_slice %arg4[%add3A, %dma_start3A_178, %dma_start3A_179] : memref<32x128x80xi32, #tpu.memory_space<hbm>> -> memref<1x64x80xi32, #tpu.memory_space<hbm>>
          %dma_start3A_181 = tpu.memref_squeeze %dma_start3A_180 : memref<1x64x80xi32, #tpu.memory_space<hbm>> -> memref<64x80xi32, #tpu.memory_space<hbm>>
          tpu.enqueue_dma source(%dma_start3A_181 : memref<64x80xi32, #tpu.memory_space<hbm>>) target(%arg8 : memref<64x80xi32, #tpu.memory_space<vmem>>) target_semaphore(%run_scoped3A : memref<!tpu.dma_semaphore, #tpu.memory_space<semaphore_mem>>)
          %dma_wait3A_182 = arith.constant 64 : i32
          %dma_wait3A_183 = arith.constant 0 : i32
          %dma_wait3A_184 = tpu.memref_slice %arg4[%add3A, %dma_wait3A_182, %dma_wait3A_183] : memref<32x128x80xi32, #tpu.memory_space<hbm>> -> memref<1x64x80xi32, #tpu.memory_space<hbm>>
          %dma_wait3A_185 = tpu.memref_squeeze %dma_wait3A_184 : memref<1x64x80xi32, #tpu.memory_space<hbm>> -> memref<64x80xi32, #tpu.memory_space<hbm>>
          %dma_wait3A_186 = arith.constant 64 : i32
          %dma_wait3A_187 = arith.constant 0 : i32
          %dma_wait3A_188 = tpu.memref_slice %arg4[%add3A, %dma_wait3A_186, %dma_wait3A_187] : memref<32x128x80xi32, #tpu.memory_space<hbm>> -> memref<1x64x80xi32, #tpu.memory_space<hbm>>
          %dma_wait3A_189 = tpu.memref_squeeze %dma_wait3A_188 : memref<1x64x80xi32, #tpu.memory_space<hbm>> -> memref<64x80xi32, #tpu.memory_space<hbm>>
          tpu.wait_dma2 semaphore(%run_scoped3A : memref<!tpu.dma_semaphore, #tpu.memory_space<semaphore_mem>>) src(%dma_wait3A_189 : memref<64x80xi32, #tpu.memory_space<hbm>>) dst(%arg8 : memref<64x80xi32, #tpu.memory_space<vmem>>)
          tpu.yield
        }) : () -> ()
      } else {
      }
      %lt3A_129 = arith.cmpi slt, %add3A_115, %min3A_23 : i32
      %convert_element_type3A_130 = arith.extui %lt3A_129 : i1 to i32
      %cond3A_131 = arith.constant 0 : i32
      %cond3A_132 = arith.cmpi ne, %convert_element_type3A_130, %cond3A_131 : i32
      scf.if %cond3A_132 {
        %dma_wait3A_174 = arith.constant 0 : i32
        %dma_wait3A_175 = arith.constant 0 : i32
        %dma_wait3A_176 = arith.constant 0 : i32
        %dma_wait3A_177 = tpu.memref_slice %arg9[%dma_wait3A_174, %dma_wait3A_175, %dma_wait3A_176] : memref<3x80x128xf32, #tpu.memory_space<vmem>> -> memref<1x80x128xf32, #tpu.memory_space<vmem>>
        %dma_wait3A_178 = tpu.memref_squeeze %dma_wait3A_177 : memref<1x80x128xf32, #tpu.memory_space<vmem>> -> memref<80x128xf32, #tpu.memory_space<vmem>>
        %dma_wait3A_179 = arith.constant 0 : i32
        %dma_wait3A_180 = arith.constant 0 : i32
        %dma_wait3A_181 = tpu.memref_slice %arg2[%dma_wait3A_179, %dma_wait3A_180] : memref<10000x128xf32, #tpu.memory_space<hbm>> -> memref<80x128xf32, #tpu.memory_space<hbm>>
        %dma_wait3A_182 = arith.constant 0 : i32
        %dma_wait3A_183 = arith.constant 0 : i32
        %dma_wait3A_184 = tpu.memref_slice %arg9[%dma_wait3A_174, %dma_wait3A_182, %dma_wait3A_183] : memref<3x80x128xf32, #tpu.memory_space<vmem>> -> memref<1x80x128xf32, #tpu.memory_space<vmem>>
        %dma_wait3A_185 = tpu.memref_squeeze %dma_wait3A_184 : memref<1x80x128xf32, #tpu.memory_space<vmem>> -> memref<80x128xf32, #tpu.memory_space<vmem>>
        %dma_wait3A_186 = arith.constant 0 : i32
        %dma_wait3A_187 = arith.constant 0 : i32
        %dma_wait3A_188 = tpu.memref_slice %arg2[%dma_wait3A_186, %dma_wait3A_187] : memref<10000x128xf32, #tpu.memory_space<hbm>> -> memref<80x128xf32, #tpu.memory_space<hbm>>
        tpu.wait_dma2 semaphore(%arg11 : memref<!tpu.dma_semaphore, #tpu.memory_space<semaphore_mem>>) src(%dma_wait3A_188 : memref<80x128xf32, #tpu.memory_space<hbm>>) dst(%dma_wait3A_185 : memref<80x128xf32, #tpu.memory_space<vmem>>)
        %ge3A = arith.constant 64 : i32
        %ge3A_189 = arith.cmpi sge, %add3A_115, %ge3A : i32
        %sub3A_190 = arith.constant 64 : i32
        %sub3A_191 = arith.subi %add3A_115, %sub3A_190 : i32
        %select_n3A_192 = arith.select %ge3A_189, %sub3A_191, %add3A_115 : i32
        %dma_start3A_193 = arith.constant 0 : i32
        %dma_start3A_194 = arith.constant 0 : i32
        %dma_start3A_195 = arith.constant 0 : i32
        %dma_start3A_196 = tpu.memref_slice %arg9[%dma_start3A_193, %dma_start3A_194, %dma_start3A_195] : memref<3x80x128xf32, #tpu.memory_space<vmem>> -> memref<1x80x128xf32, #tpu.memory_space<vmem>>
        %dma_start3A_197 = tpu.memref_squeeze %dma_start3A_196 : memref<1x80x128xf32, #tpu.memory_space<vmem>> -> memref<80x128xf32, #tpu.memory_space<vmem>>
        %dma_start3A_198 = arith.constant 0 : i32
        %dma_start3A_199 = tpu.memref_slice %arg8[%select_n3A_192, %dma_start3A_198] : memref<64x80xi32, #tpu.memory_space<vmem>> -> memref<1x80xi32, #tpu.memory_space<vmem>>
        %dma_start3A_200 = tpu.memref_squeeze %dma_start3A_199 : memref<1x80xi32, #tpu.memory_space<vmem>> -> memref<80xi32, #tpu.memory_space<vmem>>
        %dma_start3A_201 = arith.constant 0 : i32
        %dma_start3A_202 = arith.constant 0 : i32
        %dma_start3A_203 = tpu.memref_slice %arg10[%dma_start3A_201, %dma_start3A_202] : memref<10008x128xf32, #tpu.memory_space<vmem_shared>> -> memref<10008x128xf32, #tpu.memory_space<vmem_shared>>
        tpu.enqueue_indirect_dma source(%dma_start3A_197 : memref<80x128xf32, #tpu.memory_space<vmem>>) target(%dma_start3A_203 : memref<10008x128xf32, #tpu.memory_space<vmem_shared>>) offsets(%dma_start3A_200 : memref<80xi32, #tpu.memory_space<vmem>>) semaphore(%arg14 : memref<!tpu.dma_semaphore, #tpu.memory_space<semaphore_mem>>) {add = true}
      } else {
      }
      %add3A_133 = arith.constant 1 : i32
      %add3A_134 = arith.addi %mul3A_113, %add3A_133 : i32
      %add3A_135 = arith.constant 2 : i32
      %add3A_136 = arith.addi %add3A_134, %add3A_135 : i32
      %lt3A_137 = arith.cmpi slt, %add3A_136, %min3A_23 : i32
      %convert_element_type3A_138 = arith.extui %lt3A_137 : i1 to i32
      %cond3A_139 = arith.constant 0 : i32
      %cond3A_140 = arith.cmpi ne, %convert_element_type3A_138, %cond3A_139 : i32
      scf.if %cond3A_140 {
        %ge3A = arith.constant 3 : i32
        %ge3A_174 = arith.cmpi sge, %add3A_136, %ge3A : i32
        %convert_element_type3A_175 = arith.extui %ge3A_174 : i1 to i32
        %cond3A_176 = arith.constant 0 : i32
        %cond3A_177 = arith.cmpi ne, %convert_element_type3A_175, %cond3A_176 : i32
        scf.if %cond3A_177 {
          %dma_wait3A_189 = arith.constant 0 : i32
          %dma_wait3A_190 = arith.constant 0 : i32
          %dma_wait3A_191 = arith.constant 0 : i32
          %dma_wait3A_192 = tpu.memref_slice %arg9[%dma_wait3A_189, %dma_wait3A_190, %dma_wait3A_191] : memref<3x80x128xf32, #tpu.memory_space<vmem>> -> memref<1x80x128xf32, #tpu.memory_space<vmem>>
          %dma_wait3A_193 = tpu.memref_squeeze %dma_wait3A_192 : memref<1x80x128xf32, #tpu.memory_space<vmem>> -> memref<80x128xf32, #tpu.memory_space<vmem>>
          %dma_wait3A_194 = arith.constant 0 : i32
          %dma_wait3A_195 = arith.constant 0 : i32
          %dma_wait3A_196 = tpu.memref_slice %arg2[%dma_wait3A_194, %dma_wait3A_195] : memref<10000x128xf32, #tpu.memory_space<hbm>> -> memref<80x128xf32, #tpu.memory_space<hbm>>
          %dma_wait3A_197 = arith.constant 0 : i32
          %dma_wait3A_198 = arith.constant 0 : i32
          %dma_wait3A_199 = tpu.memref_slice %arg9[%dma_wait3A_189, %dma_wait3A_197, %dma_wait3A_198] : memref<3x80x128xf32, #tpu.memory_space<vmem>> -> memref<1x80x128xf32, #tpu.memory_space<vmem>>
          %dma_wait3A_200 = tpu.memref_squeeze %dma_wait3A_199 : memref<1x80x128xf32, #tpu.memory_space<vmem>> -> memref<80x128xf32, #tpu.memory_space<vmem>>
          %dma_wait3A_201 = arith.constant 0 : i32
          %dma_wait3A_202 = arith.constant 0 : i32
          %dma_wait3A_203 = tpu.memref_slice %arg2[%dma_wait3A_201, %dma_wait3A_202] : memref<10000x128xf32, #tpu.memory_space<hbm>> -> memref<80x128xf32, #tpu.memory_space<hbm>>
          tpu.wait_dma2 semaphore(%arg14 : memref<!tpu.dma_semaphore, #tpu.memory_space<semaphore_mem>>) src(%dma_wait3A_203 : memref<80x128xf32, #tpu.memory_space<hbm>>) dst(%dma_wait3A_200 : memref<80x128xf32, #tpu.memory_space<vmem>>)
        } else {
        }
        %mul3A_178 = arith.constant 80 : i32
        %mul3A_179 = arith.muli %add3A_136, %mul3A_178 : i32
        %dma_start3A_180 = arith.constant 0 : i32
        %dma_start3A_181 = arith.constant 0 : i32
        %dma_start3A_182 = arith.constant 0 : i32
        %dma_start3A_183 = tpu.memref_slice %arg9[%dma_start3A_180, %dma_start3A_181, %dma_start3A_182] : memref<3x80x128xf32, #tpu.memory_space<vmem>> -> memref<1x80x128xf32, #tpu.memory_space<vmem>>
        %dma_start3A_184 = tpu.memref_squeeze %dma_start3A_183 : memref<1x80x128xf32, #tpu.memory_space<vmem>> -> memref<80x128xf32, #tpu.memory_space<vmem>>
        %dma_start3A_185 = tpu.memref_slice %arg7[%mul3A_179] : memref<10240xi32, #tpu.memory_space<vmem>> -> memref<80xi32, #tpu.memory_space<vmem>>
        %dma_start3A_186 = arith.constant 0 : i32
        %dma_start3A_187 = arith.constant 0 : i32
        %dma_start3A_188 = tpu.memref_slice %arg2[%dma_start3A_186, %dma_start3A_187] : memref<10000x128xf32, #tpu.memory_space<hbm>> -> memref<10000x128xf32, #tpu.memory_space<hbm>>
        tpu.enqueue_indirect_dma source(%dma_start3A_188 : memref<10000x128xf32, #tpu.memory_space<hbm>>) target(%dma_start3A_184 : memref<80x128xf32, #tpu.memory_space<vmem>>) offsets(%dma_start3A_185 : memref<80xi32, #tpu.memory_space<vmem>>) semaphore(%arg11 : memref<!tpu.dma_semaphore, #tpu.memory_space<semaphore_mem>>)
      } else {
      }
      %eq3A_141 = arith.constant 64 : i32
      %eq3A_142 = arith.cmpi eq, %add3A_134, %eq3A_141 : i32
      %gt3A_143 = arith.constant 64 : i32
      %gt3A_144 = arith.cmpi sgt, %min3A_23, %gt3A_143 : i32
      %and3A_145 = arith.andi %eq3A_142, %gt3A_144 : i1
      %convert_element_type3A_146 = arith.extui %and3A_145 : i1 to i32
      %cond3A_147 = arith.constant 0 : i32
      %cond3A_148 = arith.cmpi ne, %convert_element_type3A_146, %cond3A_147 : i32
      scf.if %cond3A_148 {
        "tpu.region"() ({
          %run_scoped3A = tpu.sem_alloc : memref<!tpu.dma_semaphore, #tpu.memory_space<semaphore_mem>>
          %dma_start3A_174 = arith.constant 64 : i32
          %dma_start3A_175 = arith.constant 0 : i32
          %dma_start3A_176 = tpu.memref_slice %arg4[%add3A, %dma_start3A_174, %dma_start3A_175] : memref<32x128x80xi32, #tpu.memory_space<hbm>> -> memref<1x64x80xi32, #tpu.memory_space<hbm>>
          %dma_start3A_177 = tpu.memref_squeeze %dma_start3A_176 : memref<1x64x80xi32, #tpu.memory_space<hbm>> -> memref<64x80xi32, #tpu.memory_space<hbm>>
          %dma_start3A_178 = arith.constant 64 : i32
          %dma_start3A_179 = arith.constant 0 : i32
          %dma_start3A_180 = tpu.memref_slice %arg4[%add3A, %dma_start3A_178, %dma_start3A_179] : memref<32x128x80xi32, #tpu.memory_space<hbm>> -> memref<1x64x80xi32, #tpu.memory_space<hbm>>
          %dma_start3A_181 = tpu.memref_squeeze %dma_start3A_180 : memref<1x64x80xi32, #tpu.memory_space<hbm>> -> memref<64x80xi32, #tpu.memory_space<hbm>>
          tpu.enqueue_dma source(%dma_start3A_181 : memref<64x80xi32, #tpu.memory_space<hbm>>) target(%arg8 : memref<64x80xi32, #tpu.memory_space<vmem>>) target_semaphore(%run_scoped3A : memref<!tpu.dma_semaphore, #tpu.memory_space<semaphore_mem>>)
          %dma_wait3A_182 = arith.constant 64 : i32
          %dma_wait3A_183 = arith.constant 0 : i32
          %dma_wait3A_184 = tpu.memref_slice %arg4[%add3A, %dma_wait3A_182, %dma_wait3A_183] : memref<32x128x80xi32, #tpu.memory_space<hbm>> -> memref<1x64x80xi32, #tpu.memory_space<hbm>>
          %dma_wait3A_185 = tpu.memref_squeeze %dma_wait3A_184 : memref<1x64x80xi32, #tpu.memory_space<hbm>> -> memref<64x80xi32, #tpu.memory_space<hbm>>
          %dma_wait3A_186 = arith.constant 64 : i32
          %dma_wait3A_187 = arith.constant 0 : i32
          %dma_wait3A_188 = tpu.memref_slice %arg4[%add3A, %dma_wait3A_186, %dma_wait3A_187] : memref<32x128x80xi32, #tpu.memory_space<hbm>> -> memref<1x64x80xi32, #tpu.memory_space<hbm>>
          %dma_wait3A_189 = tpu.memref_squeeze %dma_wait3A_188 : memref<1x64x80xi32, #tpu.memory_space<hbm>> -> memref<64x80xi32, #tpu.memory_space<hbm>>
          tpu.wait_dma2 semaphore(%run_scoped3A : memref<!tpu.dma_semaphore, #tpu.memory_space<semaphore_mem>>) src(%dma_wait3A_189 : memref<64x80xi32, #tpu.memory_space<hbm>>) dst(%arg8 : memref<64x80xi32, #tpu.memory_space<vmem>>)
          tpu.yield
        }) : () -> ()
      } else {
      }
      %lt3A_149 = arith.cmpi slt, %add3A_134, %min3A_23 : i32
      %convert_element_type3A_150 = arith.extui %lt3A_149 : i1 to i32
      %cond3A_151 = arith.constant 0 : i32
      %cond3A_152 = arith.cmpi ne, %convert_element_type3A_150, %cond3A_151 : i32
      scf.if %cond3A_152 {
        %dma_wait3A_174 = arith.constant 1 : i32
        %dma_wait3A_175 = arith.constant 0 : i32
        %dma_wait3A_176 = arith.constant 0 : i32
        %dma_wait3A_177 = tpu.memref_slice %arg9[%dma_wait3A_174, %dma_wait3A_175, %dma_wait3A_176] : memref<3x80x128xf32, #tpu.memory_space<vmem>> -> memref<1x80x128xf32, #tpu.memory_space<vmem>>
        %dma_wait3A_178 = tpu.memref_squeeze %dma_wait3A_177 : memref<1x80x128xf32, #tpu.memory_space<vmem>> -> memref<80x128xf32, #tpu.memory_space<vmem>>
        %dma_wait3A_179 = arith.constant 0 : i32
        %dma_wait3A_180 = arith.constant 0 : i32
        %dma_wait3A_181 = tpu.memref_slice %arg2[%dma_wait3A_179, %dma_wait3A_180] : memref<10000x128xf32, #tpu.memory_space<hbm>> -> memref<80x128xf32, #tpu.memory_space<hbm>>
        %dma_wait3A_182 = arith.constant 0 : i32
        %dma_wait3A_183 = arith.constant 0 : i32
        %dma_wait3A_184 = tpu.memref_slice %arg9[%dma_wait3A_174, %dma_wait3A_182, %dma_wait3A_183] : memref<3x80x128xf32, #tpu.memory_space<vmem>> -> memref<1x80x128xf32, #tpu.memory_space<vmem>>
        %dma_wait3A_185 = tpu.memref_squeeze %dma_wait3A_184 : memref<1x80x128xf32, #tpu.memory_space<vmem>> -> memref<80x128xf32, #tpu.memory_space<vmem>>
        %dma_wait3A_186 = arith.constant 0 : i32
        %dma_wait3A_187 = arith.constant 0 : i32
        %dma_wait3A_188 = tpu.memref_slice %arg2[%dma_wait3A_186, %dma_wait3A_187] : memref<10000x128xf32, #tpu.memory_space<hbm>> -> memref<80x128xf32, #tpu.memory_space<hbm>>
        tpu.wait_dma2 semaphore(%arg12 : memref<!tpu.dma_semaphore, #tpu.memory_space<semaphore_mem>>) src(%dma_wait3A_188 : memref<80x128xf32, #tpu.memory_space<hbm>>) dst(%dma_wait3A_185 : memref<80x128xf32, #tpu.memory_space<vmem>>)
        %ge3A = arith.constant 64 : i32
        %ge3A_189 = arith.cmpi sge, %add3A_134, %ge3A : i32
        %sub3A_190 = arith.constant 64 : i32
        %sub3A_191 = arith.subi %add3A_134, %sub3A_190 : i32
        %select_n3A_192 = arith.select %ge3A_189, %sub3A_191, %add3A_134 : i32
        %dma_start3A_193 = arith.constant 1 : i32
        %dma_start3A_194 = arith.constant 0 : i32
        %dma_start3A_195 = arith.constant 0 : i32
        %dma_start3A_196 = tpu.memref_slice %arg9[%dma_start3A_193, %dma_start3A_194, %dma_start3A_195] : memref<3x80x128xf32, #tpu.memory_space<vmem>> -> memref<1x80x128xf32, #tpu.memory_space<vmem>>
        %dma_start3A_197 = tpu.memref_squeeze %dma_start3A_196 : memref<1x80x128xf32, #tpu.memory_space<vmem>> -> memref<80x128xf32, #tpu.memory_space<vmem>>
        %dma_start3A_198 = arith.constant 0 : i32
        %dma_start3A_199 = tpu.memref_slice %arg8[%select_n3A_192, %dma_start3A_198] : memref<64x80xi32, #tpu.memory_space<vmem>> -> memref<1x80xi32, #tpu.memory_space<vmem>>
        %dma_start3A_200 = tpu.memref_squeeze %dma_start3A_199 : memref<1x80xi32, #tpu.memory_space<vmem>> -> memref<80xi32, #tpu.memory_space<vmem>>
        %dma_start3A_201 = arith.constant 0 : i32
        %dma_start3A_202 = arith.constant 0 : i32
        %dma_start3A_203 = tpu.memref_slice %arg10[%dma_start3A_201, %dma_start3A_202] : memref<10008x128xf32, #tpu.memory_space<vmem_shared>> -> memref<10008x128xf32, #tpu.memory_space<vmem_shared>>
        tpu.enqueue_indirect_dma source(%dma_start3A_197 : memref<80x128xf32, #tpu.memory_space<vmem>>) target(%dma_start3A_203 : memref<10008x128xf32, #tpu.memory_space<vmem_shared>>) offsets(%dma_start3A_200 : memref<80xi32, #tpu.memory_space<vmem>>) semaphore(%arg15 : memref<!tpu.dma_semaphore, #tpu.memory_space<semaphore_mem>>) {add = true}
      } else {
      }
      %add3A_153 = arith.constant 2 : i32
      %add3A_154 = arith.addi %mul3A_113, %add3A_153 : i32
      %add3A_155 = arith.constant 2 : i32
      %add3A_156 = arith.addi %add3A_154, %add3A_155 : i32
      %lt3A_157 = arith.cmpi slt, %add3A_156, %min3A_23 : i32
      %convert_element_type3A_158 = arith.extui %lt3A_157 : i1 to i32
      %cond3A_159 = arith.constant 0 : i32
      %cond3A_160 = arith.cmpi ne, %convert_element_type3A_158, %cond3A_159 : i32
      scf.if %cond3A_160 {
        %ge3A = arith.constant 3 : i32
        %ge3A_174 = arith.cmpi sge, %add3A_156, %ge3A : i32
        %convert_element_type3A_175 = arith.extui %ge3A_174 : i1 to i32
        %cond3A_176 = arith.constant 0 : i32
        %cond3A_177 = arith.cmpi ne, %convert_element_type3A_175, %cond3A_176 : i32
        scf.if %cond3A_177 {
          %dma_wait3A_189 = arith.constant 1 : i32
          %dma_wait3A_190 = arith.constant 0 : i32
          %dma_wait3A_191 = arith.constant 0 : i32
          %dma_wait3A_192 = tpu.memref_slice %arg9[%dma_wait3A_189, %dma_wait3A_190, %dma_wait3A_191] : memref<3x80x128xf32, #tpu.memory_space<vmem>> -> memref<1x80x128xf32, #tpu.memory_space<vmem>>
          %dma_wait3A_193 = tpu.memref_squeeze %dma_wait3A_192 : memref<1x80x128xf32, #tpu.memory_space<vmem>> -> memref<80x128xf32, #tpu.memory_space<vmem>>
          %dma_wait3A_194 = arith.constant 0 : i32
          %dma_wait3A_195 = arith.constant 0 : i32
          %dma_wait3A_196 = tpu.memref_slice %arg2[%dma_wait3A_194, %dma_wait3A_195] : memref<10000x128xf32, #tpu.memory_space<hbm>> -> memref<80x128xf32, #tpu.memory_space<hbm>>
          %dma_wait3A_197 = arith.constant 0 : i32
          %dma_wait3A_198 = arith.constant 0 : i32
          %dma_wait3A_199 = tpu.memref_slice %arg9[%dma_wait3A_189, %dma_wait3A_197, %dma_wait3A_198] : memref<3x80x128xf32, #tpu.memory_space<vmem>> -> memref<1x80x128xf32, #tpu.memory_space<vmem>>
          %dma_wait3A_200 = tpu.memref_squeeze %dma_wait3A_199 : memref<1x80x128xf32, #tpu.memory_space<vmem>> -> memref<80x128xf32, #tpu.memory_space<vmem>>
          %dma_wait3A_201 = arith.constant 0 : i32
          %dma_wait3A_202 = arith.constant 0 : i32
          %dma_wait3A_203 = tpu.memref_slice %arg2[%dma_wait3A_201, %dma_wait3A_202] : memref<10000x128xf32, #tpu.memory_space<hbm>> -> memref<80x128xf32, #tpu.memory_space<hbm>>
          tpu.wait_dma2 semaphore(%arg15 : memref<!tpu.dma_semaphore, #tpu.memory_space<semaphore_mem>>) src(%dma_wait3A_203 : memref<80x128xf32, #tpu.memory_space<hbm>>) dst(%dma_wait3A_200 : memref<80x128xf32, #tpu.memory_space<vmem>>)
        } else {
        }
        %mul3A_178 = arith.constant 80 : i32
        %mul3A_179 = arith.muli %add3A_156, %mul3A_178 : i32
        %dma_start3A_180 = arith.constant 1 : i32
        %dma_start3A_181 = arith.constant 0 : i32
        %dma_start3A_182 = arith.constant 0 : i32
        %dma_start3A_183 = tpu.memref_slice %arg9[%dma_start3A_180, %dma_start3A_181, %dma_start3A_182] : memref<3x80x128xf32, #tpu.memory_space<vmem>> -> memref<1x80x128xf32, #tpu.memory_space<vmem>>
        %dma_start3A_184 = tpu.memref_squeeze %dma_start3A_183 : memref<1x80x128xf32, #tpu.memory_space<vmem>> -> memref<80x128xf32, #tpu.memory_space<vmem>>
        %dma_start3A_185 = tpu.memref_slice %arg7[%mul3A_179] : memref<10240xi32, #tpu.memory_space<vmem>> -> memref<80xi32, #tpu.memory_space<vmem>>
        %dma_start3A_186 = arith.constant 0 : i32
        %dma_start3A_187 = arith.constant 0 : i32
        %dma_start3A_188 = tpu.memref_slice %arg2[%dma_start3A_186, %dma_start3A_187] : memref<10000x128xf32, #tpu.memory_space<hbm>> -> memref<10000x128xf32, #tpu.memory_space<hbm>>
        tpu.enqueue_indirect_dma source(%dma_start3A_188 : memref<10000x128xf32, #tpu.memory_space<hbm>>) target(%dma_start3A_184 : memref<80x128xf32, #tpu.memory_space<vmem>>) offsets(%dma_start3A_185 : memref<80xi32, #tpu.memory_space<vmem>>) semaphore(%arg12 : memref<!tpu.dma_semaphore, #tpu.memory_space<semaphore_mem>>)
      } else {
      }
      %eq3A_161 = arith.constant 64 : i32
      %eq3A_162 = arith.cmpi eq, %add3A_154, %eq3A_161 : i32
      %gt3A_163 = arith.constant 64 : i32
      %gt3A_164 = arith.cmpi sgt, %min3A_23, %gt3A_163 : i32
      %and3A_165 = arith.andi %eq3A_162, %gt3A_164 : i1
      %convert_element_type3A_166 = arith.extui %and3A_165 : i1 to i32
      %cond3A_167 = arith.constant 0 : i32
      %cond3A_168 = arith.cmpi ne, %convert_element_type3A_166, %cond3A_167 : i32
      scf.if %cond3A_168 {
        "tpu.region"() ({
          %run_scoped3A = tpu.sem_alloc : memref<!tpu.dma_semaphore, #tpu.memory_space<semaphore_mem>>
          %dma_start3A_174 = arith.constant 64 : i32
          %dma_start3A_175 = arith.constant 0 : i32
          %dma_start3A_176 = tpu.memref_slice %arg4[%add3A, %dma_start3A_174, %dma_start3A_175] : memref<32x128x80xi32, #tpu.memory_space<hbm>> -> memref<1x64x80xi32, #tpu.memory_space<hbm>>
          %dma_start3A_177 = tpu.memref_squeeze %dma_start3A_176 : memref<1x64x80xi32, #tpu.memory_space<hbm>> -> memref<64x80xi32, #tpu.memory_space<hbm>>
          %dma_start3A_178 = arith.constant 64 : i32
          %dma_start3A_179 = arith.constant 0 : i32
          %dma_start3A_180 = tpu.memref_slice %arg4[%add3A, %dma_start3A_178, %dma_start3A_179] : memref<32x128x80xi32, #tpu.memory_space<hbm>> -> memref<1x64x80xi32, #tpu.memory_space<hbm>>
          %dma_start3A_181 = tpu.memref_squeeze %dma_start3A_180 : memref<1x64x80xi32, #tpu.memory_space<hbm>> -> memref<64x80xi32, #tpu.memory_space<hbm>>
          tpu.enqueue_dma source(%dma_start3A_181 : memref<64x80xi32, #tpu.memory_space<hbm>>) target(%arg8 : memref<64x80xi32, #tpu.memory_space<vmem>>) target_semaphore(%run_scoped3A : memref<!tpu.dma_semaphore, #tpu.memory_space<semaphore_mem>>)
          %dma_wait3A_182 = arith.constant 64 : i32
          %dma_wait3A_183 = arith.constant 0 : i32
          %dma_wait3A_184 = tpu.memref_slice %arg4[%add3A, %dma_wait3A_182, %dma_wait3A_183] : memref<32x128x80xi32, #tpu.memory_space<hbm>> -> memref<1x64x80xi32, #tpu.memory_space<hbm>>
          %dma_wait3A_185 = tpu.memref_squeeze %dma_wait3A_184 : memref<1x64x80xi32, #tpu.memory_space<hbm>> -> memref<64x80xi32, #tpu.memory_space<hbm>>
          %dma_wait3A_186 = arith.constant 64 : i32
          %dma_wait3A_187 = arith.constant 0 : i32
          %dma_wait3A_188 = tpu.memref_slice %arg4[%add3A, %dma_wait3A_186, %dma_wait3A_187] : memref<32x128x80xi32, #tpu.memory_space<hbm>> -> memref<1x64x80xi32, #tpu.memory_space<hbm>>
          %dma_wait3A_189 = tpu.memref_squeeze %dma_wait3A_188 : memref<1x64x80xi32, #tpu.memory_space<hbm>> -> memref<64x80xi32, #tpu.memory_space<hbm>>
          tpu.wait_dma2 semaphore(%run_scoped3A : memref<!tpu.dma_semaphore, #tpu.memory_space<semaphore_mem>>) src(%dma_wait3A_189 : memref<64x80xi32, #tpu.memory_space<hbm>>) dst(%arg8 : memref<64x80xi32, #tpu.memory_space<vmem>>)
          tpu.yield
        }) : () -> ()
      } else {
      }
      %lt3A_169 = arith.cmpi slt, %add3A_154, %min3A_23 : i32
      %convert_element_type3A_170 = arith.extui %lt3A_169 : i1 to i32
      %cond3A_171 = arith.constant 0 : i32
      %cond3A_172 = arith.cmpi ne, %convert_element_type3A_170, %cond3A_171 : i32
      scf.if %cond3A_172 {
        %dma_wait3A_174 = arith.constant 2 : i32
        %dma_wait3A_175 = arith.constant 0 : i32
        %dma_wait3A_176 = arith.constant 0 : i32
        %dma_wait3A_177 = tpu.memref_slice %arg9[%dma_wait3A_174, %dma_wait3A_175, %dma_wait3A_176] : memref<3x80x128xf32, #tpu.memory_space<vmem>> -> memref<1x80x128xf32, #tpu.memory_space<vmem>>
        %dma_wait3A_178 = tpu.memref_squeeze %dma_wait3A_177 : memref<1x80x128xf32, #tpu.memory_space<vmem>> -> memref<80x128xf32, #tpu.memory_space<vmem>>
        %dma_wait3A_179 = arith.constant 0 : i32
        %dma_wait3A_180 = arith.constant 0 : i32
        %dma_wait3A_181 = tpu.memref_slice %arg2[%dma_wait3A_179, %dma_wait3A_180] : memref<10000x128xf32, #tpu.memory_space<hbm>> -> memref<80x128xf32, #tpu.memory_space<hbm>>
        %dma_wait3A_182 = arith.constant 0 : i32
        %dma_wait3A_183 = arith.constant 0 : i32
        %dma_wait3A_184 = tpu.memref_slice %arg9[%dma_wait3A_174, %dma_wait3A_182, %dma_wait3A_183] : memref<3x80x128xf32, #tpu.memory_space<vmem>> -> memref<1x80x128xf32, #tpu.memory_space<vmem>>
        %dma_wait3A_185 = tpu.memref_squeeze %dma_wait3A_184 : memref<1x80x128xf32, #tpu.memory_space<vmem>> -> memref<80x128xf32, #tpu.memory_space<vmem>>
        %dma_wait3A_186 = arith.constant 0 : i32
        %dma_wait3A_187 = arith.constant 0 : i32
        %dma_wait3A_188 = tpu.memref_slice %arg2[%dma_wait3A_186, %dma_wait3A_187] : memref<10000x128xf32, #tpu.memory_space<hbm>> -> memref<80x128xf32, #tpu.memory_space<hbm>>
        tpu.wait_dma2 semaphore(%arg13 : memref<!tpu.dma_semaphore, #tpu.memory_space<semaphore_mem>>) src(%dma_wait3A_188 : memref<80x128xf32, #tpu.memory_space<hbm>>) dst(%dma_wait3A_185 : memref<80x128xf32, #tpu.memory_space<vmem>>)
        %ge3A = arith.constant 64 : i32
        %ge3A_189 = arith.cmpi sge, %add3A_154, %ge3A : i32
        %sub3A_190 = arith.constant 64 : i32
        %sub3A_191 = arith.subi %add3A_154, %sub3A_190 : i32
        %select_n3A_192 = arith.select %ge3A_189, %sub3A_191, %add3A_154 : i32
        %dma_start3A_193 = arith.constant 2 : i32
        %dma_start3A_194 = arith.constant 0 : i32
        %dma_start3A_195 = arith.constant 0 : i32
        %dma_start3A_196 = tpu.memref_slice %arg9[%dma_start3A_193, %dma_start3A_194, %dma_start3A_195] : memref<3x80x128xf32, #tpu.memory_space<vmem>> -> memref<1x80x128xf32, #tpu.memory_space<vmem>>
        %dma_start3A_197 = tpu.memref_squeeze %dma_start3A_196 : memref<1x80x128xf32, #tpu.memory_space<vmem>> -> memref<80x128xf32, #tpu.memory_space<vmem>>
        %dma_start3A_198 = arith.constant 0 : i32
        %dma_start3A_199 = tpu.memref_slice %arg8[%select_n3A_192, %dma_start3A_198] : memref<64x80xi32, #tpu.memory_space<vmem>> -> memref<1x80xi32, #tpu.memory_space<vmem>>
        %dma_start3A_200 = tpu.memref_squeeze %dma_start3A_199 : memref<1x80xi32, #tpu.memory_space<vmem>> -> memref<80xi32, #tpu.memory_space<vmem>>
        %dma_start3A_201 = arith.constant 0 : i32
        %dma_start3A_202 = arith.constant 0 : i32
        %dma_start3A_203 = tpu.memref_slice %arg10[%dma_start3A_201, %dma_start3A_202] : memref<10008x128xf32, #tpu.memory_space<vmem_shared>> -> memref<10008x128xf32, #tpu.memory_space<vmem_shared>>
        tpu.enqueue_indirect_dma source(%dma_start3A_197 : memref<80x128xf32, #tpu.memory_space<vmem>>) target(%dma_start3A_203 : memref<10008x128xf32, #tpu.memory_space<vmem_shared>>) offsets(%dma_start3A_200 : memref<80xi32, #tpu.memory_space<vmem>>) semaphore(%arg16 : memref<!tpu.dma_semaphore, #tpu.memory_space<semaphore_mem>>) {add = true}
      } else {
      }
      %scan3A_173 = arith.constant 0 : i32
      scf.yield %scan3A_173 : i32
    }
    %scan3A_54 = arith.constant 43 : i32
    %dma_wait3A = arith.constant 0 : i32
    %dma_wait3A_55 = arith.constant 0 : i32
    %dma_wait3A_56 = arith.constant 0 : i32
    %dma_wait3A_57 = tpu.memref_slice %arg9[%dma_wait3A, %dma_wait3A_55, %dma_wait3A_56] : memref<3x80x128xf32, #tpu.memory_space<vmem>> -> memref<1x80x128xf32, #tpu.memory_space<vmem>>
    %dma_wait3A_58 = tpu.memref_squeeze %dma_wait3A_57 : memref<1x80x128xf32, #tpu.memory_space<vmem>> -> memref<80x128xf32, #tpu.memory_space<vmem>>
    %dma_wait3A_59 = arith.constant 0 : i32
    %dma_wait3A_60 = arith.constant 0 : i32
    %dma_wait3A_61 = tpu.memref_slice %arg2[%dma_wait3A_59, %dma_wait3A_60] : memref<10000x128xf32, #tpu.memory_space<hbm>> -> memref<80x128xf32, #tpu.memory_space<hbm>>
    %dma_wait3A_62 = arith.constant 0 : i32
    %dma_wait3A_63 = arith.constant 0 : i32
    %dma_wait3A_64 = tpu.memref_slice %arg9[%dma_wait3A, %dma_wait3A_62, %dma_wait3A_63] : memref<3x80x128xf32, #tpu.memory_space<vmem>> -> memref<1x80x128xf32, #tpu.memory_space<vmem>>
    %dma_wait3A_65 = tpu.memref_squeeze %dma_wait3A_64 : memref<1x80x128xf32, #tpu.memory_space<vmem>> -> memref<80x128xf32, #tpu.memory_space<vmem>>
    %dma_wait3A_66 = arith.constant 0 : i32
    %dma_wait3A_67 = arith.constant 0 : i32
    %dma_wait3A_68 = tpu.memref_slice %arg2[%dma_wait3A_66, %dma_wait3A_67] : memref<10000x128xf32, #tpu.memory_space<hbm>> -> memref<80x128xf32, #tpu.memory_space<hbm>>
    tpu.wait_dma2 semaphore(%arg14 : memref<!tpu.dma_semaphore, #tpu.memory_space<semaphore_mem>>) src(%dma_wait3A_68 : memref<80x128xf32, #tpu.memory_space<hbm>>) dst(%dma_wait3A_65 : memref<80x128xf32, #tpu.memory_space<vmem>>)
    %dma_wait3A_69 = arith.constant 1 : i32
    %dma_wait3A_70 = arith.constant 0 : i32
    %dma_wait3A_71 = arith.constant 0 : i32
    %dma_wait3A_72 = tpu.memref_slice %arg9[%dma_wait3A_69, %dma_wait3A_70, %dma_wait3A_71] : memref<3x80x128xf32, #tpu.memory_space<vmem>> -> memref<1x80x128xf32, #tpu.memory_space<vmem>>
    %dma_wait3A_73 = tpu.memref_squeeze %dma_wait3A_72 : memref<1x80x128xf32, #tpu.memory_space<vmem>> -> memref<80x128xf32, #tpu.memory_space<vmem>>
    %dma_wait3A_74 = arith.constant 0 : i32
    %dma_wait3A_75 = arith.constant 0 : i32
    %dma_wait3A_76 = tpu.memref_slice %arg2[%dma_wait3A_74, %dma_wait3A_75] : memref<10000x128xf32, #tpu.memory_space<hbm>> -> memref<80x128xf32, #tpu.memory_space<hbm>>
    %dma_wait3A_77 = arith.constant 0 : i32
    %dma_wait3A_78 = arith.constant 0 : i32
    %dma_wait3A_79 = tpu.memref_slice %arg9[%dma_wait3A_69, %dma_wait3A_77, %dma_wait3A_78] : memref<3x80x128xf32, #tpu.memory_space<vmem>> -> memref<1x80x128xf32, #tpu.memory_space<vmem>>
    %dma_wait3A_80 = tpu.memref_squeeze %dma_wait3A_79 : memref<1x80x128xf32, #tpu.memory_space<vmem>> -> memref<80x128xf32, #tpu.memory_space<vmem>>
    %dma_wait3A_81 = arith.constant 0 : i32
    %dma_wait3A_82 = arith.constant 0 : i32
    %dma_wait3A_83 = tpu.memref_slice %arg2[%dma_wait3A_81, %dma_wait3A_82] : memref<10000x128xf32, #tpu.memory_space<hbm>> -> memref<80x128xf32, #tpu.memory_space<hbm>>
    tpu.wait_dma2 semaphore(%arg15 : memref<!tpu.dma_semaphore, #tpu.memory_space<semaphore_mem>>) src(%dma_wait3A_83 : memref<80x128xf32, #tpu.memory_space<hbm>>) dst(%dma_wait3A_80 : memref<80x128xf32, #tpu.memory_space<vmem>>)
    %dma_wait3A_84 = arith.constant 2 : i32
    %dma_wait3A_85 = arith.constant 0 : i32
    %dma_wait3A_86 = arith.constant 0 : i32
    %dma_wait3A_87 = tpu.memref_slice %arg9[%dma_wait3A_84, %dma_wait3A_85, %dma_wait3A_86] : memref<3x80x128xf32, #tpu.memory_space<vmem>> -> memref<1x80x128xf32, #tpu.memory_space<vmem>>
    %dma_wait3A_88 = tpu.memref_squeeze %dma_wait3A_87 : memref<1x80x128xf32, #tpu.memory_space<vmem>> -> memref<80x128xf32, #tpu.memory_space<vmem>>
    %dma_wait3A_89 = arith.constant 0 : i32
    %dma_wait3A_90 = arith.constant 0 : i32
    %dma_wait3A_91 = tpu.memref_slice %arg2[%dma_wait3A_89, %dma_wait3A_90] : memref<10000x128xf32, #tpu.memory_space<hbm>> -> memref<80x128xf32, #tpu.memory_space<hbm>>
    %dma_wait3A_92 = arith.constant 0 : i32
    %dma_wait3A_93 = arith.constant 0 : i32
    %dma_wait3A_94 = tpu.memref_slice %arg9[%dma_wait3A_84, %dma_wait3A_92, %dma_wait3A_93] : memref<3x80x128xf32, #tpu.memory_space<vmem>> -> memref<1x80x128xf32, #tpu.memory_space<vmem>>
    %dma_wait3A_95 = tpu.memref_squeeze %dma_wait3A_94 : memref<1x80x128xf32, #tpu.memory_space<vmem>> -> memref<80x128xf32, #tpu.memory_space<vmem>>
    %dma_wait3A_96 = arith.constant 0 : i32
    %dma_wait3A_97 = arith.constant 0 : i32
    %dma_wait3A_98 = tpu.memref_slice %arg2[%dma_wait3A_96, %dma_wait3A_97] : memref<10000x128xf32, #tpu.memory_space<hbm>> -> memref<80x128xf32, #tpu.memory_space<hbm>>
    tpu.wait_dma2 semaphore(%arg16 : memref<!tpu.dma_semaphore, #tpu.memory_space<semaphore_mem>>) src(%dma_wait3A_98 : memref<80x128xf32, #tpu.memory_space<hbm>>) dst(%dma_wait3A_95 : memref<80x128xf32, #tpu.memory_space<vmem>>)
    %barrier3A_99 = arith.constant 0 : index
    tpu.barrier barrier_id(%barrier3A_99)
    %lt3A_100 = arith.constant 15 : i32
    %lt3A_101 = arith.cmpi slt, %arg1, %lt3A_100 : i32
    %convert_element_type3A_102 = arith.extui %lt3A_101 : i1 to i32
    %cond3A_103 = arith.constant 0 : i32
    %cond3A_104 = arith.cmpi ne, %convert_element_type3A_102, %cond3A_103 : i32
    scf.if %cond3A_104 {
      %mul3A_110 = arith.constant 624 : i32
      %mul3A_111 = arith.muli %arg1, %mul3A_110 : i32
      %mul3A_112 = arith.constant 624 : i32
      %mul3A_113 = arith.muli %arg1, %mul3A_112 : i32
      "tpu.region"() ({
        %run_scoped3A = tpu.sem_alloc : memref<!tpu.dma_semaphore, #tpu.memory_space<semaphore_mem>>
        %dma_start3A_114 = arith.constant 0 : i32
        %dma_start3A_115 = tpu.memref_slice %arg6[%arg0, %mul3A_113, %dma_start3A_114] : memref<2x10000x128xf32, #tpu.memory_space<hbm>> -> memref<1x624x128xf32, #tpu.memory_space<hbm>>
        %dma_start3A_116 = tpu.memref_squeeze %dma_start3A_115 : memref<1x624x128xf32, #tpu.memory_space<hbm>> -> memref<624x128xf32, #tpu.memory_space<hbm>>
        %dma_start3A_117 = arith.constant 0 : i32
        %dma_start3A_118 = tpu.memref_slice %arg10[%mul3A_111, %dma_start3A_117] : memref<10008x128xf32, #tpu.memory_space<vmem_shared>> -> memref<624x128xf32, #tpu.memory_space<vmem_shared>>
        tpu.enqueue_dma source(%dma_start3A_118 : memref<624x128xf32, #tpu.memory_space<vmem_shared>>) target(%dma_start3A_116 : memref<624x128xf32, #tpu.memory_space<hbm>>) target_semaphore(%run_scoped3A : memref<!tpu.dma_semaphore, #tpu.memory_space<semaphore_mem>>)
        %dma_wait3A_119 = arith.constant 0 : i32
        %dma_wait3A_120 = tpu.memref_slice %arg6[%arg0, %mul3A_113, %dma_wait3A_119] : memref<2x10000x128xf32, #tpu.memory_space<hbm>> -> memref<1x624x128xf32, #tpu.memory_space<hbm>>
        %dma_wait3A_121 = tpu.memref_squeeze %dma_wait3A_120 : memref<1x624x128xf32, #tpu.memory_space<hbm>> -> memref<624x128xf32, #tpu.memory_space<hbm>>
        %dma_wait3A_122 = arith.constant 0 : i32
        %dma_wait3A_123 = tpu.memref_slice %arg10[%mul3A_111, %dma_wait3A_122] : memref<10008x128xf32, #tpu.memory_space<vmem_shared>> -> memref<624x128xf32, #tpu.memory_space<vmem_shared>>
        tpu.wait_dma2 semaphore(%run_scoped3A : memref<!tpu.dma_semaphore, #tpu.memory_space<semaphore_mem>>) src(%dma_wait3A_123 : memref<624x128xf32, #tpu.memory_space<vmem_shared>>) dst(%dma_wait3A_121 : memref<624x128xf32, #tpu.memory_space<hbm>>)
        tpu.yield
      }) : () -> ()
    } else {
    }
    %eq3A_105 = arith.constant 15 : i32
    %eq3A_106 = arith.cmpi eq, %arg1, %eq3A_105 : i32
    %convert_element_type3A_107 = arith.extui %eq3A_106 : i1 to i32
    %cond3A_108 = arith.constant 0 : i32
    %cond3A_109 = arith.cmpi ne, %convert_element_type3A_107, %cond3A_108 : i32
    scf.if %cond3A_109 {
      "tpu.region"() ({
        %run_scoped3A = tpu.sem_alloc : memref<!tpu.dma_semaphore, #tpu.memory_space<semaphore_mem>>
        %dma_start3A_110 = arith.constant 9360 : i32
        %dma_start3A_111 = arith.constant 0 : i32
        %dma_start3A_112 = tpu.memref_slice %arg6[%arg0, %dma_start3A_110, %dma_start3A_111] : memref<2x10000x128xf32, #tpu.memory_space<hbm>> -> memref<1x640x128xf32, #tpu.memory_space<hbm>>
        %dma_start3A_113 = tpu.memref_squeeze %dma_start3A_112 : memref<1x640x128xf32, #tpu.memory_space<hbm>> -> memref<640x128xf32, #tpu.memory_space<hbm>>
        %dma_start3A_114 = arith.constant 9360 : i32
        %dma_start3A_115 = arith.constant 0 : i32
        %dma_start3A_116 = tpu.memref_slice %arg10[%dma_start3A_114, %dma_start3A_115] : memref<10008x128xf32, #tpu.memory_space<vmem_shared>> -> memref<640x128xf32, #tpu.memory_space<vmem_shared>>
        tpu.enqueue_dma source(%dma_start3A_116 : memref<640x128xf32, #tpu.memory_space<vmem_shared>>) target(%dma_start3A_113 : memref<640x128xf32, #tpu.memory_space<hbm>>) target_semaphore(%run_scoped3A : memref<!tpu.dma_semaphore, #tpu.memory_space<semaphore_mem>>)
        %dma_wait3A_117 = arith.constant 9360 : i32
        %dma_wait3A_118 = arith.constant 0 : i32
        %dma_wait3A_119 = tpu.memref_slice %arg6[%arg0, %dma_wait3A_117, %dma_wait3A_118] : memref<2x10000x128xf32, #tpu.memory_space<hbm>> -> memref<1x640x128xf32, #tpu.memory_space<hbm>>
        %dma_wait3A_120 = tpu.memref_squeeze %dma_wait3A_119 : memref<1x640x128xf32, #tpu.memory_space<hbm>> -> memref<640x128xf32, #tpu.memory_space<hbm>>
        %dma_wait3A_121 = arith.constant 9360 : i32
        %dma_wait3A_122 = arith.constant 0 : i32
        %dma_wait3A_123 = tpu.memref_slice %arg10[%dma_wait3A_121, %dma_wait3A_122] : memref<10008x128xf32, #tpu.memory_space<vmem_shared>> -> memref<640x128xf32, #tpu.memory_space<vmem_shared>>
        tpu.wait_dma2 semaphore(%run_scoped3A : memref<!tpu.dma_semaphore, #tpu.memory_space<semaphore_mem>>) src(%dma_wait3A_123 : memref<640x128xf32, #tpu.memory_space<vmem_shared>>) dst(%dma_wait3A_120 : memref<640x128xf32, #tpu.memory_space<hbm>>)
        tpu.yield
      }) : () -> ()
    } else {
    }
    return
  }
}

#map = affine_map<(d0, d1) -> (0)>
#map1 = affine_map<(d0, d1) -> (0, 0)>
module attributes {stable_mosaic.version = 14 : i64} {
  func.func @_sc_deg(%arg0: i32, %arg1: i32, %arg2: memref<320000xi32, #tpu.memory_space<hbm>>, %arg3: memref<2x10240xf32, #tpu.memory_space<hbm>>, %arg4: memref<10000xi32, #tpu.memory_space<vmem>>, %arg5: memref<10240xf32, #tpu.memory_space<vmem>>, %arg6: memref<16x640xf32, #tpu.memory_space<vmem>>, %arg7: memref<640xf32, #tpu.memory_space<vmem>>, %arg8: memref<16x10240xf32, #tpu.memory_space<vmem_shared>>) attributes {dimension_semantics = [#tpu.dimension_semantics<core_parallel>, #tpu.dimension_semantics<subcore_parallel>], iteration_bounds = array<i64: 2, 16>, scalar_prefetch = 0 : i64, scratch_operands = 5 : i64, tpu.core_type = #tpu.core_type<sc_vector_subcore>, window_params = [{transform_indices = #map}, {transform_indices = #map1}]} {
    %mul3A = arith.constant 16 : i32
    %mul3A_0 = arith.muli %arg0, %mul3A : i32
    %add3A = arith.addi %mul3A_0, %arg1 : i32
    %mul3A_1 = arith.constant 10000 : i32
    %mul3A_2 = arith.muli %add3A, %mul3A_1 : i32
    "tpu.region"() ({
      %run_scoped3A = tpu.sem_alloc : memref<!tpu.dma_semaphore, #tpu.memory_space<semaphore_mem>>
      %dma_start3A = tpu.memref_slice %arg2[%mul3A_2] : memref<320000xi32, #tpu.memory_space<hbm>> -> memref<10000xi32, #tpu.memory_space<hbm>>
      %dma_start3A_30 = tpu.memref_slice %arg2[%mul3A_2] : memref<320000xi32, #tpu.memory_space<hbm>> -> memref<10000xi32, #tpu.memory_space<hbm>>
      tpu.enqueue_dma source(%dma_start3A_30 : memref<10000xi32, #tpu.memory_space<hbm>>) target(%arg4 : memref<10000xi32, #tpu.memory_space<vmem>>) target_semaphore(%run_scoped3A : memref<!tpu.dma_semaphore, #tpu.memory_space<semaphore_mem>>)
      %dma_wait3A = tpu.memref_slice %arg2[%mul3A_2] : memref<320000xi32, #tpu.memory_space<hbm>> -> memref<10000xi32, #tpu.memory_space<hbm>>
      %dma_wait3A_31 = tpu.memref_slice %arg2[%mul3A_2] : memref<320000xi32, #tpu.memory_space<hbm>> -> memref<10000xi32, #tpu.memory_space<hbm>>
      tpu.wait_dma2 semaphore(%run_scoped3A : memref<!tpu.dma_semaphore, #tpu.memory_space<semaphore_mem>>) src(%dma_wait3A_31 : memref<10000xi32, #tpu.memory_space<hbm>>) dst(%arg4 : memref<10000xi32, #tpu.memory_space<vmem>>)
      tpu.yield
    }) : () -> ()
    %broadcast_in_dim3A = arith.constant 1.000000e+00 : f32
    %broadcast_in_dim3A_3 = vector.broadcast %broadcast_in_dim3A : f32 to vector<16xf32>
    %broadcast_in_dim3A_4 = arith.constant 0.000000e+00 : f32
    %broadcast_in_dim3A_5 = vector.broadcast %broadcast_in_dim3A_4 : f32 to vector<16xf32>
    %scan3A = arith.constant 0 : i32
    %scan3A_6 = arith.constant 0 : i32
    %scan3A_7 = arith.constant 640 : i32
    %scan3A_8 = arith.addi %scan3A_6, %scan3A_7 : i32
    %scan3A_9 = arith.constant 1 : i32
    %scan3A_10 = scf.for %scan3A_30 = %scan3A_6 to %scan3A_8 step %scan3A_9 iter_args(%scan3A_31 = %scan3A) -> (i32)  : i32 {
      %mul3A_32 = arith.constant 16 : i32
      %mul3A_33 = arith.muli %scan3A_30, %mul3A_32 : i32
      %swap3A = arith.index_cast %mul3A_33 : i32 to index
      %swap3A_34 = tpu.vector_load %arg5[%swap3A] {strides = array<i32>} : memref<10240xf32, #tpu.memory_space<vmem>>, vector<16xf32>,
      tpu.vector_store %arg5[%swap3A], %broadcast_in_dim3A_5 {strides = array<i32>} : memref<10240xf32, #tpu.memory_space<vmem>>, vector<16xf32>,
      %scan3A_35 = arith.constant 0 : i32
      scf.yield %scan3A_35 : i32
    }
    %scan3A_11 = arith.constant 640 : i32
    %scan3A_12 = arith.constant 0 : i32
    %scan3A_13 = arith.constant 0 : i32
    %scan3A_14 = arith.constant 625 : i32
    %scan3A_15 = arith.addi %scan3A_13, %scan3A_14 : i32
    %scan3A_16 = arith.constant 1 : i32
    %scan3A_17 = scf.for %scan3A_30 = %scan3A_13 to %scan3A_15 step %scan3A_16 iter_args(%scan3A_31 = %scan3A_12) -> (i32)  : i32 {
      %mul3A_32 = arith.constant 16 : i32
      %mul3A_33 = arith.muli %scan3A_30, %mul3A_32 : i32
      %get3A = arith.index_cast %mul3A_33 : i32 to index
      %get3A_34 = tpu.vector_load %arg4[%get3A] {strides = array<i32>} : memref<10000xi32, #tpu.memory_space<vmem>>, vector<16xi32>,
      tpu.vector_store_idx %arg5[%get3A_34], %broadcast_in_dim3A_3 {add = true} : memref<10240xf32, #tpu.memory_space<vmem>>[vector<16xi32>], vector<16xf32>,
      %scan3A_35 = arith.constant 0 : i32
      scf.yield %scan3A_35 : i32
    }
    %scan3A_18 = arith.constant 625 : i32
    "tpu.region"() ({
      %run_scoped3A = tpu.sem_alloc : memref<!tpu.dma_semaphore, #tpu.memory_space<semaphore_mem>>
      %dma_start3A = arith.constant 0 : i32
      %dma_start3A_30 = tpu.memref_slice %arg8[%arg1, %dma_start3A] : memref<16x10240xf32, #tpu.memory_space<vmem_shared>> -> memref<1x10240xf32, #tpu.memory_space<vmem_shared>>
      %dma_start3A_31 = tpu.memref_squeeze %dma_start3A_30 : memref<1x10240xf32, #tpu.memory_space<vmem_shared>> -> memref<10240xf32, #tpu.memory_space<vmem_shared>>
      %dma_start3A_32 = arith.constant 0 : i32
      %dma_start3A_33 = tpu.memref_slice %arg8[%arg1, %dma_start3A_32] : memref<16x10240xf32, #tpu.memory_space<vmem_shared>> -> memref<1x10240xf32, #tpu.memory_space<vmem_shared>>
      %dma_start3A_34 = tpu.memref_squeeze %dma_start3A_33 : memref<1x10240xf32, #tpu.memory_space<vmem_shared>> -> memref<10240xf32, #tpu.memory_space<vmem_shared>>
      tpu.enqueue_dma source(%arg5 : memref<10240xf32, #tpu.memory_space<vmem>>) target(%dma_start3A_34 : memref<10240xf32, #tpu.memory_space<vmem_shared>>) target_semaphore(%run_scoped3A : memref<!tpu.dma_semaphore, #tpu.memory_space<semaphore_mem>>)
      %dma_wait3A = arith.constant 0 : i32
      %dma_wait3A_35 = tpu.memref_slice %arg8[%arg1, %dma_wait3A] : memref<16x10240xf32, #tpu.memory_space<vmem_shared>> -> memref<1x10240xf32, #tpu.memory_space<vmem_shared>>
      %dma_wait3A_36 = tpu.memref_squeeze %dma_wait3A_35 : memref<1x10240xf32, #tpu.memory_space<vmem_shared>> -> memref<10240xf32, #tpu.memory_space<vmem_shared>>
      %dma_wait3A_37 = arith.constant 0 : i32
      %dma_wait3A_38 = tpu.memref_slice %arg8[%arg1, %dma_wait3A_37] : memref<16x10240xf32, #tpu.memory_space<vmem_shared>> -> memref<1x10240xf32, #tpu.memory_space<vmem_shared>>
      %dma_wait3A_39 = tpu.memref_squeeze %dma_wait3A_38 : memref<1x10240xf32, #tpu.memory_space<vmem_shared>> -> memref<10240xf32, #tpu.memory_space<vmem_shared>>
      tpu.wait_dma2 semaphore(%run_scoped3A : memref<!tpu.dma_semaphore, #tpu.memory_space<semaphore_mem>>) src(%arg5 : memref<10240xf32, #tpu.memory_space<vmem>>) dst(%dma_wait3A_39 : memref<10240xf32, #tpu.memory_space<vmem_shared>>)
      tpu.yield
    }) : () -> ()
    %barrier3A = arith.constant 0 : index
    tpu.barrier barrier_id(%barrier3A)
    %mul3A_19 = arith.constant 640 : i32
    %mul3A_20 = arith.muli %arg1, %mul3A_19 : i32
    "tpu.region"() ({
      %run_scoped3A = tpu.sem_alloc : memref<!tpu.dma_semaphore, #tpu.memory_space<semaphore_mem>>
      %dma_start3A = arith.constant 0 : i32
      %dma_start3A_30 = tpu.memref_slice %arg8[%dma_start3A, %mul3A_20] : memref<16x10240xf32, #tpu.memory_space<vmem_shared>> -> memref<16x640xf32, #tpu.memory_space<vmem_shared>>
      %dma_start3A_31 = arith.constant 0 : i32
      %dma_start3A_32 = tpu.memref_slice %arg8[%dma_start3A_31, %mul3A_20] : memref<16x10240xf32, #tpu.memory_space<vmem_shared>> -> memref<16x640xf32, #tpu.memory_space<vmem_shared>>
      tpu.enqueue_dma source(%dma_start3A_32 : memref<16x640xf32, #tpu.memory_space<vmem_shared>>) target(%arg6 : memref<16x640xf32, #tpu.memory_space<vmem>>) target_semaphore(%run_scoped3A : memref<!tpu.dma_semaphore, #tpu.memory_space<semaphore_mem>>)
      %dma_wait3A = arith.constant 0 : i32
      %dma_wait3A_33 = tpu.memref_slice %arg8[%dma_wait3A, %mul3A_20] : memref<16x10240xf32, #tpu.memory_space<vmem_shared>> -> memref<16x640xf32, #tpu.memory_space<vmem_shared>>
      %dma_wait3A_34 = arith.constant 0 : i32
      %dma_wait3A_35 = tpu.memref_slice %arg8[%dma_wait3A_34, %mul3A_20] : memref<16x10240xf32, #tpu.memory_space<vmem_shared>> -> memref<16x640xf32, #tpu.memory_space<vmem_shared>>
      tpu.wait_dma2 semaphore(%run_scoped3A : memref<!tpu.dma_semaphore, #tpu.memory_space<semaphore_mem>>) src(%dma_wait3A_35 : memref<16x640xf32, #tpu.memory_space<vmem_shared>>) dst(%arg6 : memref<16x640xf32, #tpu.memory_space<vmem>>)
      tpu.yield
    }) : () -> ()
    %scan3A_21 = arith.constant 0 : i32
    %scan3A_22 = arith.constant 0 : i32
    %scan3A_23 = arith.constant 40 : i32
    %scan3A_24 = arith.addi %scan3A_22, %scan3A_23 : i32
    %scan3A_25 = arith.constant 1 : i32
    %scan3A_26 = scf.for %scan3A_30 = %scan3A_22 to %scan3A_24 step %scan3A_25 iter_args(%scan3A_31 = %scan3A_21) -> (i32)  : i32 {
      %mul3A_32 = arith.constant 16 : i32
      %mul3A_33 = arith.muli %scan3A_30, %mul3A_32 : i32
      %get3A = arith.constant 0 : i32
      %get3A_34 = arith.index_cast %get3A : i32 to index
      %get3A_35 = arith.index_cast %mul3A_33 : i32 to index
      %get3A_36 = tpu.vector_load %arg6[%get3A_34, %get3A_35] {strides = array<i32>} : memref<16x640xf32, #tpu.memory_space<vmem>>, vector<16xf32>,
      %get3A_37 = arith.constant 1 : i32
      %get3A_38 = arith.index_cast %get3A_37 : i32 to index
      %get3A_39 = arith.index_cast %mul3A_33 : i32 to index
      %get3A_40 = tpu.vector_load %arg6[%get3A_38, %get3A_39] {strides = array<i32>} : memref<16x640xf32, #tpu.memory_space<vmem>>, vector<16xf32>,
      %add3A_41 = arith.addf %get3A_36, %get3A_40 : vector<16xf32>
      %get3A_42 = arith.constant 2 : i32
      %get3A_43 = arith.index_cast %get3A_42 : i32 to index
      %get3A_44 = arith.index_cast %mul3A_33 : i32 to index
      %get3A_45 = tpu.vector_load %arg6[%get3A_43, %get3A_44] {strides = array<i32>} : memref<16x640xf32, #tpu.memory_space<vmem>>, vector<16xf32>,
      %add3A_46 = arith.addf %add3A_41, %get3A_45 : vector<16xf32>
      %get3A_47 = arith.constant 3 : i32
      %get3A_48 = arith.index_cast %get3A_47 : i32 to index
      %get3A_49 = arith.index_cast %mul3A_33 : i32 to index
      %get3A_50 = tpu.vector_load %arg6[%get3A_48, %get3A_49] {strides = array<i32>} : memref<16x640xf32, #tpu.memory_space<vmem>>, vector<16xf32>,
      %add3A_51 = arith.addf %add3A_46, %get3A_50 : vector<16xf32>
      %get3A_52 = arith.constant 4 : i32
      %get3A_53 = arith.index_cast %get3A_52 : i32 to index
      %get3A_54 = arith.index_cast %mul3A_33 : i32 to index
      %get3A_55 = tpu.vector_load %arg6[%get3A_53, %get3A_54] {strides = array<i32>} : memref<16x640xf32, #tpu.memory_space<vmem>>, vector<16xf32>,
      %add3A_56 = arith.addf %add3A_51, %get3A_55 : vector<16xf32>
      %get3A_57 = arith.constant 5 : i32
      %get3A_58 = arith.index_cast %get3A_57 : i32 to index
      %get3A_59 = arith.index_cast %mul3A_33 : i32 to index
      %get3A_60 = tpu.vector_load %arg6[%get3A_58, %get3A_59] {strides = array<i32>} : memref<16x640xf32, #tpu.memory_space<vmem>>, vector<16xf32>,
      %add3A_61 = arith.addf %add3A_56, %get3A_60 : vector<16xf32>
      %get3A_62 = arith.constant 6 : i32
      %get3A_63 = arith.index_cast %get3A_62 : i32 to index
      %get3A_64 = arith.index_cast %mul3A_33 : i32 to index
      %get3A_65 = tpu.vector_load %arg6[%get3A_63, %get3A_64] {strides = array<i32>} : memref<16x640xf32, #tpu.memory_space<vmem>>, vector<16xf32>,
      %add3A_66 = arith.addf %add3A_61, %get3A_65 : vector<16xf32>
      %get3A_67 = arith.constant 7 : i32
      %get3A_68 = arith.index_cast %get3A_67 : i32 to index
      %get3A_69 = arith.index_cast %mul3A_33 : i32 to index
      %get3A_70 = tpu.vector_load %arg6[%get3A_68, %get3A_69] {strides = array<i32>} : memref<16x640xf32, #tpu.memory_space<vmem>>, vector<16xf32>,
      %add3A_71 = arith.addf %add3A_66, %get3A_70 : vector<16xf32>
      %get3A_72 = arith.constant 8 : i32
      %get3A_73 = arith.index_cast %get3A_72 : i32 to index
      %get3A_74 = arith.index_cast %mul3A_33 : i32 to index
      %get3A_75 = tpu.vector_load %arg6[%get3A_73, %get3A_74] {strides = array<i32>} : memref<16x640xf32, #tpu.memory_space<vmem>>, vector<16xf32>,
      %add3A_76 = arith.addf %add3A_71, %get3A_75 : vector<16xf32>
      %get3A_77 = arith.constant 9 : i32
      %get3A_78 = arith.index_cast %get3A_77 : i32 to index
      %get3A_79 = arith.index_cast %mul3A_33 : i32 to index
      %get3A_80 = tpu.vector_load %arg6[%get3A_78, %get3A_79] {strides = array<i32>} : memref<16x640xf32, #tpu.memory_space<vmem>>, vector<16xf32>,
      %add3A_81 = arith.addf %add3A_76, %get3A_80 : vector<16xf32>
      %get3A_82 = arith.constant 10 : i32
      %get3A_83 = arith.index_cast %get3A_82 : i32 to index
      %get3A_84 = arith.index_cast %mul3A_33 : i32 to index
      %get3A_85 = tpu.vector_load %arg6[%get3A_83, %get3A_84] {strides = array<i32>} : memref<16x640xf32, #tpu.memory_space<vmem>>, vector<16xf32>,
      %add3A_86 = arith.addf %add3A_81, %get3A_85 : vector<16xf32>
      %get3A_87 = arith.constant 11 : i32
      %get3A_88 = arith.index_cast %get3A_87 : i32 to index
      %get3A_89 = arith.index_cast %mul3A_33 : i32 to index
      %get3A_90 = tpu.vector_load %arg6[%get3A_88, %get3A_89] {strides = array<i32>} : memref<16x640xf32, #tpu.memory_space<vmem>>, vector<16xf32>,
      %add3A_91 = arith.addf %add3A_86, %get3A_90 : vector<16xf32>
      %get3A_92 = arith.constant 12 : i32
      %get3A_93 = arith.index_cast %get3A_92 : i32 to index
      %get3A_94 = arith.index_cast %mul3A_33 : i32 to index
      %get3A_95 = tpu.vector_load %arg6[%get3A_93, %get3A_94] {strides = array<i32>} : memref<16x640xf32, #tpu.memory_space<vmem>>, vector<16xf32>,
      %add3A_96 = arith.addf %add3A_91, %get3A_95 : vector<16xf32>
      %get3A_97 = arith.constant 13 : i32
      %get3A_98 = arith.index_cast %get3A_97 : i32 to index
      %get3A_99 = arith.index_cast %mul3A_33 : i32 to index
      %get3A_100 = tpu.vector_load %arg6[%get3A_98, %get3A_99] {strides = array<i32>} : memref<16x640xf32, #tpu.memory_space<vmem>>, vector<16xf32>,
      %add3A_101 = arith.addf %add3A_96, %get3A_100 : vector<16xf32>
      %get3A_102 = arith.constant 14 : i32
      %get3A_103 = arith.index_cast %get3A_102 : i32 to index
      %get3A_104 = arith.index_cast %mul3A_33 : i32 to index
      %get3A_105 = tpu.vector_load %arg6[%get3A_103, %get3A_104] {strides = array<i32>} : memref<16x640xf32, #tpu.memory_space<vmem>>, vector<16xf32>,
      %add3A_106 = arith.addf %add3A_101, %get3A_105 : vector<16xf32>
      %get3A_107 = arith.constant 15 : i32
      %get3A_108 = arith.index_cast %get3A_107 : i32 to index
      %get3A_109 = arith.index_cast %mul3A_33 : i32 to index
      %get3A_110 = tpu.vector_load %arg6[%get3A_108, %get3A_109] {strides = array<i32>} : memref<16x640xf32, #tpu.memory_space<vmem>>, vector<16xf32>,
      %add3A_111 = arith.addf %add3A_106, %get3A_110 : vector<16xf32>
      %swap3A = arith.index_cast %mul3A_33 : i32 to index
      %swap3A_112 = tpu.vector_load %arg7[%swap3A] {strides = array<i32>} : memref<640xf32, #tpu.memory_space<vmem>>, vector<16xf32>,
      tpu.vector_store %arg7[%swap3A], %add3A_111 {strides = array<i32>} : memref<640xf32, #tpu.memory_space<vmem>>, vector<16xf32>,
      %scan3A_113 = arith.constant 0 : i32
      scf.yield %scan3A_113 : i32
    }
    %scan3A_27 = arith.constant 40 : i32
    %mul3A_28 = arith.constant 640 : i32
    %mul3A_29 = arith.muli %arg1, %mul3A_28 : i32
    "tpu.region"() ({
      %run_scoped3A = tpu.sem_alloc : memref<!tpu.dma_semaphore, #tpu.memory_space<semaphore_mem>>
      %dma_start3A = tpu.memref_slice %arg3[%arg0, %mul3A_29] : memref<2x10240xf32, #tpu.memory_space<hbm>> -> memref<1x640xf32, #tpu.memory_space<hbm>>
      %dma_start3A_30 = tpu.memref_squeeze %dma_start3A : memref<1x640xf32, #tpu.memory_space<hbm>> -> memref<640xf32, #tpu.memory_space<hbm>>
      %dma_start3A_31 = tpu.memref_slice %arg3[%arg0, %mul3A_29] : memref<2x10240xf32, #tpu.memory_space<hbm>> -> memref<1x640xf32, #tpu.memory_space<hbm>>
      %dma_start3A_32 = tpu.memref_squeeze %dma_start3A_31 : memref<1x640xf32, #tpu.memory_space<hbm>> -> memref<640xf32, #tpu.memory_space<hbm>>
      tpu.enqueue_dma source(%arg7 : memref<640xf32, #tpu.memory_space<vmem>>) target(%dma_start3A_32 : memref<640xf32, #tpu.memory_space<hbm>>) target_semaphore(%run_scoped3A : memref<!tpu.dma_semaphore, #tpu.memory_space<semaphore_mem>>)
      %dma_wait3A = tpu.memref_slice %arg3[%arg0, %mul3A_29] : memref<2x10240xf32, #tpu.memory_space<hbm>> -> memref<1x640xf32, #tpu.memory_space<hbm>>
      %dma_wait3A_33 = tpu.memref_squeeze %dma_wait3A : memref<1x640xf32, #tpu.memory_space<hbm>> -> memref<640xf32, #tpu.memory_space<hbm>>
      %dma_wait3A_34 = tpu.memref_slice %arg3[%arg0, %mul3A_29] : memref<2x10240xf32, #tpu.memory_space<hbm>> -> memref<1x640xf32, #tpu.memory_space<hbm>>
      %dma_wait3A_35 = tpu.memref_squeeze %dma_wait3A_34 : memref<1x640xf32, #tpu.memory_space<hbm>> -> memref<640xf32, #tpu.memory_space<hbm>>
      tpu.wait_dma2 semaphore(%run_scoped3A : memref<!tpu.dma_semaphore, #tpu.memory_space<semaphore_mem>>) src(%arg7 : memref<640xf32, #tpu.memory_space<vmem>>) dst(%dma_wait3A_35 : memref<640xf32, #tpu.memory_space<hbm>>)
      tpu.yield
    }) : () -> ()
    return
  }
}

#map = affine_map<(d0, d1) -> (0, 0)>
#map1 = affine_map<(d0, d1) -> (0)>
#map2 = affine_map<(d0, d1) -> (0, 0, 0)>
module attributes {stable_mosaic.version = 14 : i64} {
  func.func @_sc_agg(%arg0: i32, %arg1: i32, %arg2: memref<10000x128xf32, #tpu.memory_space<hbm>>, %arg3: memref<327680xi32, #tpu.memory_space<hbm>>, %arg4: memref<32x128x80xi32, #tpu.memory_space<hbm>>, %arg5: memref<10000x128xf32, #tpu.memory_space<hbm>>, %arg6: memref<2x10000x128xf32, #tpu.memory_space<hbm>>, %arg7: memref<10240xi32, #tpu.memory_space<vmem>>, %arg8: memref<64x80xi32, #tpu.memory_space<vmem>>, %arg9: memref<3x80x128xf32, #tpu.memory_space<vmem>>, %arg10: memref<10008x128xf32, #tpu.memory_space<vmem_shared>>, %arg11: memref<!tpu.dma_semaphore, #tpu.memory_space<semaphore_mem>>, %arg12: memref<!tpu.dma_semaphore, #tpu.memory_space<semaphore_mem>>, %arg13: memref<!tpu.dma_semaphore, #tpu.memory_space<semaphore_mem>>, %arg14: memref<!tpu.dma_semaphore, #tpu.memory_space<semaphore_mem>>, %arg15: memref<!tpu.dma_semaphore, #tpu.memory_space<semaphore_mem>>, %arg16: memref<!tpu.dma_semaphore, #tpu.memory_space<semaphore_mem>>) attributes {dimension_semantics = [#tpu.dimension_semantics<core_parallel>, #tpu.dimension_semantics<subcore_parallel>], iteration_bounds = array<i64: 2, 16>, scalar_prefetch = 0 : i64, scratch_operands = 10 : i64, tpu.core_type = #tpu.core_type<sc_vector_subcore>, window_params = [{transform_indices = #map}, {transform_indices = #map1}, {transform_indices = #map2}, {transform_indices = #map}, {transform_indices = #map2}]} {
    %mul3A = arith.constant 16 : i32
    %mul3A_0 = arith.muli %arg0, %mul3A : i32
    %add3A = arith.addi %mul3A_0, %arg1 : i32
    %mul3A_1 = arith.constant 10240 : i32
    %mul3A_2 = arith.muli %add3A, %mul3A_1 : i32
    "tpu.region"() ({
      %run_scoped3A = tpu.sem_alloc : memref<!tpu.dma_semaphore, #tpu.memory_space<semaphore_mem>>
      %dma_start3A_110 = tpu.memref_slice %arg3[%mul3A_2] : memref<327680xi32, #tpu.memory_space<hbm>> -> memref<10240xi32, #tpu.memory_space<hbm>>
      %dma_start3A_111 = tpu.memref_slice %arg3[%mul3A_2] : memref<327680xi32, #tpu.memory_space<hbm>> -> memref<10240xi32, #tpu.memory_space<hbm>>
      tpu.enqueue_dma source(%dma_start3A_111 : memref<10240xi32, #tpu.memory_space<hbm>>) target(%arg7 : memref<10240xi32, #tpu.memory_space<vmem>>) target_semaphore(%run_scoped3A : memref<!tpu.dma_semaphore, #tpu.memory_space<semaphore_mem>>)
      %dma_wait3A_112 = tpu.memref_slice %arg3[%mul3A_2] : memref<327680xi32, #tpu.memory_space<hbm>> -> memref<10240xi32, #tpu.memory_space<hbm>>
      %dma_wait3A_113 = tpu.memref_slice %arg3[%mul3A_2] : memref<327680xi32, #tpu.memory_space<hbm>> -> memref<10240xi32, #tpu.memory_space<hbm>>
      tpu.wait_dma2 semaphore(%run_scoped3A : memref<!tpu.dma_semaphore, #tpu.memory_space<semaphore_mem>>) src(%dma_wait3A_113 : memref<10240xi32, #tpu.memory_space<hbm>>) dst(%arg7 : memref<10240xi32, #tpu.memory_space<vmem>>)
      tpu.yield
    }) : () -> ()
    "tpu.region"() ({
      %run_scoped3A = tpu.sem_alloc : memref<!tpu.dma_semaphore, #tpu.memory_space<semaphore_mem>>
      %dma_start3A_110 = arith.constant 0 : i32
      %dma_start3A_111 = arith.constant 0 : i32
      %dma_start3A_112 = tpu.memref_slice %arg4[%add3A, %dma_start3A_110, %dma_start3A_111] : memref<32x128x80xi32, #tpu.memory_space<hbm>> -> memref<1x64x80xi32, #tpu.memory_space<hbm>>
      %dma_start3A_113 = tpu.memref_squeeze %dma_start3A_112 : memref<1x64x80xi32, #tpu.memory_space<hbm>> -> memref<64x80xi32, #tpu.memory_space<hbm>>
      %dma_start3A_114 = arith.constant 0 : i32
      %dma_start3A_115 = arith.constant 0 : i32
      %dma_start3A_116 = tpu.memref_slice %arg4[%add3A, %dma_start3A_114, %dma_start3A_115] : memref<32x128x80xi32, #tpu.memory_space<hbm>> -> memref<1x64x80xi32, #tpu.memory_space<hbm>>
      %dma_start3A_117 = tpu.memref_squeeze %dma_start3A_116 : memref<1x64x80xi32, #tpu.memory_space<hbm>> -> memref<64x80xi32, #tpu.memory_space<hbm>>
      tpu.enqueue_dma source(%dma_start3A_117 : memref<64x80xi32, #tpu.memory_space<hbm>>) target(%arg8 : memref<64x80xi32, #tpu.memory_space<vmem>>) target_semaphore(%run_scoped3A : memref<!tpu.dma_semaphore, #tpu.memory_space<semaphore_mem>>)
      %dma_wait3A_118 = arith.constant 0 : i32
      %dma_wait3A_119 = arith.constant 0 : i32
      %dma_wait3A_120 = tpu.memref_slice %arg4[%add3A, %dma_wait3A_118, %dma_wait3A_119] : memref<32x128x80xi32, #tpu.memory_space<hbm>> -> memref<1x64x80xi32, #tpu.memory_space<hbm>>
      %dma_wait3A_121 = tpu.memref_squeeze %dma_wait3A_120 : memref<1x64x80xi32, #tpu.memory_space<hbm>> -> memref<64x80xi32, #tpu.memory_space<hbm>>
      %dma_wait3A_122 = arith.constant 0 : i32
      %dma_wait3A_123 = arith.constant 0 : i32
      %dma_wait3A_124 = tpu.memref_slice %arg4[%add3A, %dma_wait3A_122, %dma_wait3A_123] : memref<32x128x80xi32, #tpu.memory_space<hbm>> -> memref<1x64x80xi32, #tpu.memory_space<hbm>>
      %dma_wait3A_125 = tpu.memref_squeeze %dma_wait3A_124 : memref<1x64x80xi32, #tpu.memory_space<hbm>> -> memref<64x80xi32, #tpu.memory_space<hbm>>
      tpu.wait_dma2 semaphore(%run_scoped3A : memref<!tpu.dma_semaphore, #tpu.memory_space<semaphore_mem>>) src(%dma_wait3A_125 : memref<64x80xi32, #tpu.memory_space<hbm>>) dst(%arg8 : memref<64x80xi32, #tpu.memory_space<vmem>>)
      tpu.yield
    }) : () -> ()
    %mul3A_3 = arith.constant 10240 : i32
    %mul3A_4 = arith.muli %add3A, %mul3A_3 : i32
    %sub3A = arith.constant 320000 : i32
    %sub3A_5 = arith.subi %sub3A, %mul3A_4 : i32
    %jit3A = arith.constant 80 : i32
    %div3A = arith.divsi %sub3A_5, %jit3A : i32
    %sign3A = arith.constant 0 : i32
    %sign3A_6 = arith.cmpi sgt, %sub3A_5, %sign3A : i32
    %sign3A_7 = arith.extui %sign3A_6 : i1 to i32
    %sign3A_8 = arith.constant 0 : i32
    %sign3A_9 = arith.cmpi slt, %sub3A_5, %sign3A_8 : i32
    %sign3A_10 = arith.extui %sign3A_9 : i1 to i32
    %sign3A_11 = arith.subi %sign3A_7, %sign3A_10 : i32
    %sign3A_12 = arith.constant 0 : i32
    %sign3A_13 = arith.cmpi sgt, %jit3A, %sign3A_12 : i32
    %sign3A_14 = arith.extui %sign3A_13 : i1 to i32
    %sign3A_15 = arith.constant 0 : i32
    %sign3A_16 = arith.cmpi slt, %jit3A, %sign3A_15 : i32
    %sign3A_17 = arith.extui %sign3A_16 : i1 to i32
    %sign3A_18 = arith.subi %sign3A_14, %sign3A_17 : i32
    %ne3A = arith.cmpi ne, %sign3A_11, %sign3A_18 : i32
    %rem3A = arith.remsi %sub3A_5, %jit3A : i32
    %ne3A_19 = arith.constant 0 : i32
    %ne3A_20 = arith.cmpi ne, %rem3A, %ne3A_19 : i32
    %and3A = arith.andi %ne3A, %ne3A_20 : i1
    %sub3A_21 = arith.constant 1 : i32
    %sub3A_22 = arith.subi %div3A, %sub3A_21 : i32
    %select_n3A = arith.select %and3A, %sub3A_22, %div3A : i32
    %min3A = arith.constant 128 : i32
    %min3A_23 = arith.minsi %select_n3A, %min3A : i32
    %dma_start3A = arith.constant 0 : i32
    %dma_start3A_24 = arith.constant 0 : i32
    %dma_start3A_25 = arith.constant 0 : i32
    %dma_start3A_26 = tpu.memref_slice %arg9[%dma_start3A, %dma_start3A_24, %dma_start3A_25] : memref<3x80x128xf32, #tpu.memory_space<vmem>> -> memref<1x80x128xf32, #tpu.memory_space<vmem>>
    %dma_start3A_27 = tpu.memref_squeeze %dma_start3A_26 : memref<1x80x128xf32, #tpu.memory_space<vmem>> -> memref<80x128xf32, #tpu.memory_space<vmem>>
    %dma_start3A_28 = arith.constant 0 : i32
    %dma_start3A_29 = tpu.memref_slice %arg7[%dma_start3A_28] : memref<10240xi32, #tpu.memory_space<vmem>> -> memref<80xi32, #tpu.memory_space<vmem>>
    %dma_start3A_30 = arith.constant 0 : i32
    %dma_start3A_31 = arith.constant 0 : i32
    %dma_start3A_32 = tpu.memref_slice %arg2[%dma_start3A_30, %dma_start3A_31] : memref<10000x128xf32, #tpu.memory_space<hbm>> -> memref<10000x128xf32, #tpu.memory_space<hbm>>
    tpu.enqueue_indirect_dma source(%dma_start3A_32 : memref<10000x128xf32, #tpu.memory_space<hbm>>) target(%dma_start3A_27 : memref<80x128xf32, #tpu.memory_space<vmem>>) offsets(%dma_start3A_29 : memref<80xi32, #tpu.memory_space<vmem>>) semaphore(%arg11 : memref<!tpu.dma_semaphore, #tpu.memory_space<semaphore_mem>>)
    %dma_start3A_33 = arith.constant 1 : i32
    %dma_start3A_34 = arith.constant 0 : i32
    %dma_start3A_35 = arith.constant 0 : i32
    %dma_start3A_36 = tpu.memref_slice %arg9[%dma_start3A_33, %dma_start3A_34, %dma_start3A_35] : memref<3x80x128xf32, #tpu.memory_space<vmem>> -> memref<1x80x128xf32, #tpu.memory_space<vmem>>
    %dma_start3A_37 = tpu.memref_squeeze %dma_start3A_36 : memref<1x80x128xf32, #tpu.memory_space<vmem>> -> memref<80x128xf32, #tpu.memory_space<vmem>>
    %dma_start3A_38 = arith.constant 80 : i32
    %dma_start3A_39 = tpu.memref_slice %arg7[%dma_start3A_38] : memref<10240xi32, #tpu.memory_space<vmem>> -> memref<80xi32, #tpu.memory_space<vmem>>
    %dma_start3A_40 = arith.constant 0 : i32
    %dma_start3A_41 = arith.constant 0 : i32
    %dma_start3A_42 = tpu.memref_slice %arg2[%dma_start3A_40, %dma_start3A_41] : memref<10000x128xf32, #tpu.memory_space<hbm>> -> memref<10000x128xf32, #tpu.memory_space<hbm>>
    tpu.enqueue_indirect_dma source(%dma_start3A_42 : memref<10000x128xf32, #tpu.memory_space<hbm>>) target(%dma_start3A_37 : memref<80x128xf32, #tpu.memory_space<vmem>>) offsets(%dma_start3A_39 : memref<80xi32, #tpu.memory_space<vmem>>) semaphore(%arg12 : memref<!tpu.dma_semaphore, #tpu.memory_space<semaphore_mem>>)
    %lt3A = arith.constant 15 : i32
    %lt3A_43 = arith.cmpi slt, %arg1, %lt3A : i32
    %convert_element_type3A = arith.extui %lt3A_43 : i1 to i32
    %cond3A = arith.constant 0 : i32
    %cond3A_44 = arith.cmpi ne, %convert_element_type3A, %cond3A : i32
    scf.if %cond3A_44 {
      %mul3A_110 = arith.constant 624 : i32
      %mul3A_111 = arith.muli %arg1, %mul3A_110 : i32
      %mul3A_112 = arith.constant 624 : i32
      %mul3A_113 = arith.muli %arg1, %mul3A_112 : i32
      "tpu.region"() ({
        %run_scoped3A = tpu.sem_alloc : memref<!tpu.dma_semaphore, #tpu.memory_space<semaphore_mem>>
        %dma_start3A_114 = arith.constant 0 : i32
        %dma_start3A_115 = tpu.memref_slice %arg10[%mul3A_113, %dma_start3A_114] : memref<10008x128xf32, #tpu.memory_space<vmem_shared>> -> memref<624x128xf32, #tpu.memory_space<vmem_shared>>
        %dma_start3A_116 = arith.constant 0 : i32
        %dma_start3A_117 = tpu.memref_slice %arg5[%mul3A_111, %dma_start3A_116] : memref<10000x128xf32, #tpu.memory_space<hbm>> -> memref<624x128xf32, #tpu.memory_space<hbm>>
        tpu.enqueue_dma source(%dma_start3A_117 : memref<624x128xf32, #tpu.memory_space<hbm>>) target(%dma_start3A_115 : memref<624x128xf32, #tpu.memory_space<vmem_shared>>) target_semaphore(%run_scoped3A : memref<!tpu.dma_semaphore, #tpu.memory_space<semaphore_mem>>)
        %dma_wait3A_118 = arith.constant 0 : i32
        %dma_wait3A_119 = tpu.memref_slice %arg10[%mul3A_113, %dma_wait3A_118] : memref<10008x128xf32, #tpu.memory_space<vmem_shared>> -> memref<624x128xf32, #tpu.memory_space<vmem_shared>>
        %dma_wait3A_120 = arith.constant 0 : i32
        %dma_wait3A_121 = tpu.memref_slice %arg5[%mul3A_111, %dma_wait3A_120] : memref<10000x128xf32, #tpu.memory_space<hbm>> -> memref<624x128xf32, #tpu.memory_space<hbm>>
        tpu.wait_dma2 semaphore(%run_scoped3A : memref<!tpu.dma_semaphore, #tpu.memory_space<semaphore_mem>>) src(%dma_wait3A_121 : memref<624x128xf32, #tpu.memory_space<hbm>>) dst(%dma_wait3A_119 : memref<624x128xf32, #tpu.memory_space<vmem_shared>>)
        tpu.yield
      }) : () -> ()
    } else {
    }
    %eq3A = arith.constant 15 : i32
    %eq3A_45 = arith.cmpi eq, %arg1, %eq3A : i32
    %convert_element_type3A_46 = arith.extui %eq3A_45 : i1 to i32
    %cond3A_47 = arith.constant 0 : i32
    %cond3A_48 = arith.cmpi ne, %convert_element_type3A_46, %cond3A_47 : i32
    scf.if %cond3A_48 {
      "tpu.region"() ({
        %run_scoped3A = tpu.sem_alloc : memref<!tpu.dma_semaphore, #tpu.memory_space<semaphore_mem>>
        %dma_start3A_110 = arith.constant 9360 : i32
        %dma_start3A_111 = arith.constant 0 : i32
        %dma_start3A_112 = tpu.memref_slice %arg10[%dma_start3A_110, %dma_start3A_111] : memref<10008x128xf32, #tpu.memory_space<vmem_shared>> -> memref<640x128xf32, #tpu.memory_space<vmem_shared>>
        %dma_start3A_113 = arith.constant 9360 : i32
        %dma_start3A_114 = arith.constant 0 : i32
        %dma_start3A_115 = tpu.memref_slice %arg5[%dma_start3A_113, %dma_start3A_114] : memref<10000x128xf32, #tpu.memory_space<hbm>> -> memref<640x128xf32, #tpu.memory_space<hbm>>
        tpu.enqueue_dma source(%dma_start3A_115 : memref<640x128xf32, #tpu.memory_space<hbm>>) target(%dma_start3A_112 : memref<640x128xf32, #tpu.memory_space<vmem_shared>>) target_semaphore(%run_scoped3A : memref<!tpu.dma_semaphore, #tpu.memory_space<semaphore_mem>>)
        %dma_wait3A_116 = arith.constant 9360 : i32
        %dma_wait3A_117 = arith.constant 0 : i32
        %dma_wait3A_118 = tpu.memref_slice %arg10[%dma_wait3A_116, %dma_wait3A_117] : memref<10008x128xf32, #tpu.memory_space<vmem_shared>> -> memref<640x128xf32, #tpu.memory_space<vmem_shared>>
        %dma_wait3A_119 = arith.constant 9360 : i32
        %dma_wait3A_120 = arith.constant 0 : i32
        %dma_wait3A_121 = tpu.memref_slice %arg5[%dma_wait3A_119, %dma_wait3A_120] : memref<10000x128xf32, #tpu.memory_space<hbm>> -> memref<640x128xf32, #tpu.memory_space<hbm>>
        tpu.wait_dma2 semaphore(%run_scoped3A : memref<!tpu.dma_semaphore, #tpu.memory_space<semaphore_mem>>) src(%dma_wait3A_121 : memref<640x128xf32, #tpu.memory_space<hbm>>) dst(%dma_wait3A_118 : memref<640x128xf32, #tpu.memory_space<vmem_shared>>)
        tpu.yield
      }) : () -> ()
    } else {
    }
    %barrier3A = arith.constant 0 : index
    tpu.barrier barrier_id(%barrier3A)
    %scan3A = arith.constant 0 : i32
    %scan3A_49 = arith.constant 0 : i32
    %scan3A_50 = arith.constant 43 : i32
    %scan3A_51 = arith.addi %scan3A_49, %scan3A_50 : i32
    %scan3A_52 = arith.constant 1 : i32
    %scan3A_53 = scf.for %scan3A_110 = %scan3A_49 to %scan3A_51 step %scan3A_52 iter_args(%scan3A_111 = %scan3A) -> (i32)  : i32 {
      %mul3A_112 = arith.constant 3 : i32
      %mul3A_113 = arith.muli %scan3A_110, %mul3A_112 : i32
      %add3A_114 = arith.constant 0 : i32
      %add3A_115 = arith.addi %mul3A_113, %add3A_114 : i32
      %add3A_116 = arith.constant 2 : i32
      %add3A_117 = arith.addi %add3A_115, %add3A_116 : i32
      %lt3A_118 = arith.cmpi slt, %add3A_117, %min3A_23 : i32
      %convert_element_type3A_119 = arith.extui %lt3A_118 : i1 to i32
      %cond3A_120 = arith.constant 0 : i32
      %cond3A_121 = arith.cmpi ne, %convert_element_type3A_119, %cond3A_120 : i32
      scf.if %cond3A_121 {
        %ge3A = arith.constant 3 : i32
        %ge3A_174 = arith.cmpi sge, %add3A_117, %ge3A : i32
        %convert_element_type3A_175 = arith.extui %ge3A_174 : i1 to i32
        %cond3A_176 = arith.constant 0 : i32
        %cond3A_177 = arith.cmpi ne, %convert_element_type3A_175, %cond3A_176 : i32
        scf.if %cond3A_177 {
          %dma_wait3A_189 = arith.constant 2 : i32
          %dma_wait3A_190 = arith.constant 0 : i32
          %dma_wait3A_191 = arith.constant 0 : i32
          %dma_wait3A_192 = tpu.memref_slice %arg9[%dma_wait3A_189, %dma_wait3A_190, %dma_wait3A_191] : memref<3x80x128xf32, #tpu.memory_space<vmem>> -> memref<1x80x128xf32, #tpu.memory_space<vmem>>
          %dma_wait3A_193 = tpu.memref_squeeze %dma_wait3A_192 : memref<1x80x128xf32, #tpu.memory_space<vmem>> -> memref<80x128xf32, #tpu.memory_space<vmem>>
          %dma_wait3A_194 = arith.constant 0 : i32
          %dma_wait3A_195 = arith.constant 0 : i32
          %dma_wait3A_196 = tpu.memref_slice %arg2[%dma_wait3A_194, %dma_wait3A_195] : memref<10000x128xf32, #tpu.memory_space<hbm>> -> memref<80x128xf32, #tpu.memory_space<hbm>>
          %dma_wait3A_197 = arith.constant 0 : i32
          %dma_wait3A_198 = arith.constant 0 : i32
          %dma_wait3A_199 = tpu.memref_slice %arg9[%dma_wait3A_189, %dma_wait3A_197, %dma_wait3A_198] : memref<3x80x128xf32, #tpu.memory_space<vmem>> -> memref<1x80x128xf32, #tpu.memory_space<vmem>>
          %dma_wait3A_200 = tpu.memref_squeeze %dma_wait3A_199 : memref<1x80x128xf32, #tpu.memory_space<vmem>> -> memref<80x128xf32, #tpu.memory_space<vmem>>
          %dma_wait3A_201 = arith.constant 0 : i32
          %dma_wait3A_202 = arith.constant 0 : i32
          %dma_wait3A_203 = tpu.memref_slice %arg2[%dma_wait3A_201, %dma_wait3A_202] : memref<10000x128xf32, #tpu.memory_space<hbm>> -> memref<80x128xf32, #tpu.memory_space<hbm>>
          tpu.wait_dma2 semaphore(%arg16 : memref<!tpu.dma_semaphore, #tpu.memory_space<semaphore_mem>>) src(%dma_wait3A_203 : memref<80x128xf32, #tpu.memory_space<hbm>>) dst(%dma_wait3A_200 : memref<80x128xf32, #tpu.memory_space<vmem>>)
        } else {
        }
        %mul3A_178 = arith.constant 80 : i32
        %mul3A_179 = arith.muli %add3A_117, %mul3A_178 : i32
        %dma_start3A_180 = arith.constant 2 : i32
        %dma_start3A_181 = arith.constant 0 : i32
        %dma_start3A_182 = arith.constant 0 : i32
        %dma_start3A_183 = tpu.memref_slice %arg9[%dma_start3A_180, %dma_start3A_181, %dma_start3A_182] : memref<3x80x128xf32, #tpu.memory_space<vmem>> -> memref<1x80x128xf32, #tpu.memory_space<vmem>>
        %dma_start3A_184 = tpu.memref_squeeze %dma_start3A_183 : memref<1x80x128xf32, #tpu.memory_space<vmem>> -> memref<80x128xf32, #tpu.memory_space<vmem>>
        %dma_start3A_185 = tpu.memref_slice %arg7[%mul3A_179] : memref<10240xi32, #tpu.memory_space<vmem>> -> memref<80xi32, #tpu.memory_space<vmem>>
        %dma_start3A_186 = arith.constant 0 : i32
        %dma_start3A_187 = arith.constant 0 : i32
        %dma_start3A_188 = tpu.memref_slice %arg2[%dma_start3A_186, %dma_start3A_187] : memref<10000x128xf32, #tpu.memory_space<hbm>> -> memref<10000x128xf32, #tpu.memory_space<hbm>>
        tpu.enqueue_indirect_dma source(%dma_start3A_188 : memref<10000x128xf32, #tpu.memory_space<hbm>>) target(%dma_start3A_184 : memref<80x128xf32, #tpu.memory_space<vmem>>) offsets(%dma_start3A_185 : memref<80xi32, #tpu.memory_space<vmem>>) semaphore(%arg13 : memref<!tpu.dma_semaphore, #tpu.memory_space<semaphore_mem>>)
      } else {
      }
      %eq3A_122 = arith.constant 64 : i32
      %eq3A_123 = arith.cmpi eq, %add3A_115, %eq3A_122 : i32
      %gt3A = arith.constant 64 : i32
      %gt3A_124 = arith.cmpi sgt, %min3A_23, %gt3A : i32
      %and3A_125 = arith.andi %eq3A_123, %gt3A_124 : i1
      %convert_element_type3A_126 = arith.extui %and3A_125 : i1 to i32
      %cond3A_127 = arith.constant 0 : i32
      %cond3A_128 = arith.cmpi ne, %convert_element_type3A_126, %cond3A_127 : i32
      scf.if %cond3A_128 {
        "tpu.region"() ({
          %run_scoped3A = tpu.sem_alloc : memref<!tpu.dma_semaphore, #tpu.memory_space<semaphore_mem>>
          %dma_start3A_174 = arith.constant 64 : i32
          %dma_start3A_175 = arith.constant 0 : i32
          %dma_start3A_176 = tpu.memref_slice %arg4[%add3A, %dma_start3A_174, %dma_start3A_175] : memref<32x128x80xi32, #tpu.memory_space<hbm>> -> memref<1x64x80xi32, #tpu.memory_space<hbm>>
          %dma_start3A_177 = tpu.memref_squeeze %dma_start3A_176 : memref<1x64x80xi32, #tpu.memory_space<hbm>> -> memref<64x80xi32, #tpu.memory_space<hbm>>
          %dma_start3A_178 = arith.constant 64 : i32
          %dma_start3A_179 = arith.constant 0 : i32
          %dma_start3A_180 = tpu.memref_slice %arg4[%add3A, %dma_start3A_178, %dma_start3A_179] : memref<32x128x80xi32, #tpu.memory_space<hbm>> -> memref<1x64x80xi32, #tpu.memory_space<hbm>>
          %dma_start3A_181 = tpu.memref_squeeze %dma_start3A_180 : memref<1x64x80xi32, #tpu.memory_space<hbm>> -> memref<64x80xi32, #tpu.memory_space<hbm>>
          tpu.enqueue_dma source(%dma_start3A_181 : memref<64x80xi32, #tpu.memory_space<hbm>>) target(%arg8 : memref<64x80xi32, #tpu.memory_space<vmem>>) target_semaphore(%run_scoped3A : memref<!tpu.dma_semaphore, #tpu.memory_space<semaphore_mem>>)
          %dma_wait3A_182 = arith.constant 64 : i32
          %dma_wait3A_183 = arith.constant 0 : i32
          %dma_wait3A_184 = tpu.memref_slice %arg4[%add3A, %dma_wait3A_182, %dma_wait3A_183] : memref<32x128x80xi32, #tpu.memory_space<hbm>> -> memref<1x64x80xi32, #tpu.memory_space<hbm>>
          %dma_wait3A_185 = tpu.memref_squeeze %dma_wait3A_184 : memref<1x64x80xi32, #tpu.memory_space<hbm>> -> memref<64x80xi32, #tpu.memory_space<hbm>>
          %dma_wait3A_186 = arith.constant 64 : i32
          %dma_wait3A_187 = arith.constant 0 : i32
          %dma_wait3A_188 = tpu.memref_slice %arg4[%add3A, %dma_wait3A_186, %dma_wait3A_187] : memref<32x128x80xi32, #tpu.memory_space<hbm>> -> memref<1x64x80xi32, #tpu.memory_space<hbm>>
          %dma_wait3A_189 = tpu.memref_squeeze %dma_wait3A_188 : memref<1x64x80xi32, #tpu.memory_space<hbm>> -> memref<64x80xi32, #tpu.memory_space<hbm>>
          tpu.wait_dma2 semaphore(%run_scoped3A : memref<!tpu.dma_semaphore, #tpu.memory_space<semaphore_mem>>) src(%dma_wait3A_189 : memref<64x80xi32, #tpu.memory_space<hbm>>) dst(%arg8 : memref<64x80xi32, #tpu.memory_space<vmem>>)
          tpu.yield
        }) : () -> ()
      } else {
      }
      %lt3A_129 = arith.cmpi slt, %add3A_115, %min3A_23 : i32
      %convert_element_type3A_130 = arith.extui %lt3A_129 : i1 to i32
      %cond3A_131 = arith.constant 0 : i32
      %cond3A_132 = arith.cmpi ne, %convert_element_type3A_130, %cond3A_131 : i32
      scf.if %cond3A_132 {
        %dma_wait3A_174 = arith.constant 0 : i32
        %dma_wait3A_175 = arith.constant 0 : i32
        %dma_wait3A_176 = arith.constant 0 : i32
        %dma_wait3A_177 = tpu.memref_slice %arg9[%dma_wait3A_174, %dma_wait3A_175, %dma_wait3A_176] : memref<3x80x128xf32, #tpu.memory_space<vmem>> -> memref<1x80x128xf32, #tpu.memory_space<vmem>>
        %dma_wait3A_178 = tpu.memref_squeeze %dma_wait3A_177 : memref<1x80x128xf32, #tpu.memory_space<vmem>> -> memref<80x128xf32, #tpu.memory_space<vmem>>
        %dma_wait3A_179 = arith.constant 0 : i32
        %dma_wait3A_180 = arith.constant 0 : i32
        %dma_wait3A_181 = tpu.memref_slice %arg2[%dma_wait3A_179, %dma_wait3A_180] : memref<10000x128xf32, #tpu.memory_space<hbm>> -> memref<80x128xf32, #tpu.memory_space<hbm>>
        %dma_wait3A_182 = arith.constant 0 : i32
        %dma_wait3A_183 = arith.constant 0 : i32
        %dma_wait3A_184 = tpu.memref_slice %arg9[%dma_wait3A_174, %dma_wait3A_182, %dma_wait3A_183] : memref<3x80x128xf32, #tpu.memory_space<vmem>> -> memref<1x80x128xf32, #tpu.memory_space<vmem>>
        %dma_wait3A_185 = tpu.memref_squeeze %dma_wait3A_184 : memref<1x80x128xf32, #tpu.memory_space<vmem>> -> memref<80x128xf32, #tpu.memory_space<vmem>>
        %dma_wait3A_186 = arith.constant 0 : i32
        %dma_wait3A_187 = arith.constant 0 : i32
        %dma_wait3A_188 = tpu.memref_slice %arg2[%dma_wait3A_186, %dma_wait3A_187] : memref<10000x128xf32, #tpu.memory_space<hbm>> -> memref<80x128xf32, #tpu.memory_space<hbm>>
        tpu.wait_dma2 semaphore(%arg11 : memref<!tpu.dma_semaphore, #tpu.memory_space<semaphore_mem>>) src(%dma_wait3A_188 : memref<80x128xf32, #tpu.memory_space<hbm>>) dst(%dma_wait3A_185 : memref<80x128xf32, #tpu.memory_space<vmem>>)
        %ge3A = arith.constant 64 : i32
        %ge3A_189 = arith.cmpi sge, %add3A_115, %ge3A : i32
        %sub3A_190 = arith.constant 64 : i32
        %sub3A_191 = arith.subi %add3A_115, %sub3A_190 : i32
        %select_n3A_192 = arith.select %ge3A_189, %sub3A_191, %add3A_115 : i32
        %dma_start3A_193 = arith.constant 0 : i32
        %dma_start3A_194 = arith.constant 0 : i32
        %dma_start3A_195 = arith.constant 0 : i32
        %dma_start3A_196 = tpu.memref_slice %arg9[%dma_start3A_193, %dma_start3A_194, %dma_start3A_195] : memref<3x80x128xf32, #tpu.memory_space<vmem>> -> memref<1x80x128xf32, #tpu.memory_space<vmem>>
        %dma_start3A_197 = tpu.memref_squeeze %dma_start3A_196 : memref<1x80x128xf32, #tpu.memory_space<vmem>> -> memref<80x128xf32, #tpu.memory_space<vmem>>
        %dma_start3A_198 = arith.constant 0 : i32
        %dma_start3A_199 = tpu.memref_slice %arg8[%select_n3A_192, %dma_start3A_198] : memref<64x80xi32, #tpu.memory_space<vmem>> -> memref<1x80xi32, #tpu.memory_space<vmem>>
        %dma_start3A_200 = tpu.memref_squeeze %dma_start3A_199 : memref<1x80xi32, #tpu.memory_space<vmem>> -> memref<80xi32, #tpu.memory_space<vmem>>
        %dma_start3A_201 = arith.constant 0 : i32
        %dma_start3A_202 = arith.constant 0 : i32
        %dma_start3A_203 = tpu.memref_slice %arg10[%dma_start3A_201, %dma_start3A_202] : memref<10008x128xf32, #tpu.memory_space<vmem_shared>> -> memref<10008x128xf32, #tpu.memory_space<vmem_shared>>
        tpu.enqueue_indirect_dma source(%dma_start3A_197 : memref<80x128xf32, #tpu.memory_space<vmem>>) target(%dma_start3A_203 : memref<10008x128xf32, #tpu.memory_space<vmem_shared>>) offsets(%dma_start3A_200 : memref<80xi32, #tpu.memory_space<vmem>>) semaphore(%arg14 : memref<!tpu.dma_semaphore, #tpu.memory_space<semaphore_mem>>) {add = true}
      } else {
      }
      %add3A_133 = arith.constant 1 : i32
      %add3A_134 = arith.addi %mul3A_113, %add3A_133 : i32
      %add3A_135 = arith.constant 2 : i32
      %add3A_136 = arith.addi %add3A_134, %add3A_135 : i32
      %lt3A_137 = arith.cmpi slt, %add3A_136, %min3A_23 : i32
      %convert_element_type3A_138 = arith.extui %lt3A_137 : i1 to i32
      %cond3A_139 = arith.constant 0 : i32
      %cond3A_140 = arith.cmpi ne, %convert_element_type3A_138, %cond3A_139 : i32
      scf.if %cond3A_140 {
        %ge3A = arith.constant 3 : i32
        %ge3A_174 = arith.cmpi sge, %add3A_136, %ge3A : i32
        %convert_element_type3A_175 = arith.extui %ge3A_174 : i1 to i32
        %cond3A_176 = arith.constant 0 : i32
        %cond3A_177 = arith.cmpi ne, %convert_element_type3A_175, %cond3A_176 : i32
        scf.if %cond3A_177 {
          %dma_wait3A_189 = arith.constant 0 : i32
          %dma_wait3A_190 = arith.constant 0 : i32
          %dma_wait3A_191 = arith.constant 0 : i32
          %dma_wait3A_192 = tpu.memref_slice %arg9[%dma_wait3A_189, %dma_wait3A_190, %dma_wait3A_191] : memref<3x80x128xf32, #tpu.memory_space<vmem>> -> memref<1x80x128xf32, #tpu.memory_space<vmem>>
          %dma_wait3A_193 = tpu.memref_squeeze %dma_wait3A_192 : memref<1x80x128xf32, #tpu.memory_space<vmem>> -> memref<80x128xf32, #tpu.memory_space<vmem>>
          %dma_wait3A_194 = arith.constant 0 : i32
          %dma_wait3A_195 = arith.constant 0 : i32
          %dma_wait3A_196 = tpu.memref_slice %arg2[%dma_wait3A_194, %dma_wait3A_195] : memref<10000x128xf32, #tpu.memory_space<hbm>> -> memref<80x128xf32, #tpu.memory_space<hbm>>
          %dma_wait3A_197 = arith.constant 0 : i32
          %dma_wait3A_198 = arith.constant 0 : i32
          %dma_wait3A_199 = tpu.memref_slice %arg9[%dma_wait3A_189, %dma_wait3A_197, %dma_wait3A_198] : memref<3x80x128xf32, #tpu.memory_space<vmem>> -> memref<1x80x128xf32, #tpu.memory_space<vmem>>
          %dma_wait3A_200 = tpu.memref_squeeze %dma_wait3A_199 : memref<1x80x128xf32, #tpu.memory_space<vmem>> -> memref<80x128xf32, #tpu.memory_space<vmem>>
          %dma_wait3A_201 = arith.constant 0 : i32
          %dma_wait3A_202 = arith.constant 0 : i32
          %dma_wait3A_203 = tpu.memref_slice %arg2[%dma_wait3A_201, %dma_wait3A_202] : memref<10000x128xf32, #tpu.memory_space<hbm>> -> memref<80x128xf32, #tpu.memory_space<hbm>>
          tpu.wait_dma2 semaphore(%arg14 : memref<!tpu.dma_semaphore, #tpu.memory_space<semaphore_mem>>) src(%dma_wait3A_203 : memref<80x128xf32, #tpu.memory_space<hbm>>) dst(%dma_wait3A_200 : memref<80x128xf32, #tpu.memory_space<vmem>>)
        } else {
        }
        %mul3A_178 = arith.constant 80 : i32
        %mul3A_179 = arith.muli %add3A_136, %mul3A_178 : i32
        %dma_start3A_180 = arith.constant 0 : i32
        %dma_start3A_181 = arith.constant 0 : i32
        %dma_start3A_182 = arith.constant 0 : i32
        %dma_start3A_183 = tpu.memref_slice %arg9[%dma_start3A_180, %dma_start3A_181, %dma_start3A_182] : memref<3x80x128xf32, #tpu.memory_space<vmem>> -> memref<1x80x128xf32, #tpu.memory_space<vmem>>
        %dma_start3A_184 = tpu.memref_squeeze %dma_start3A_183 : memref<1x80x128xf32, #tpu.memory_space<vmem>> -> memref<80x128xf32, #tpu.memory_space<vmem>>
        %dma_start3A_185 = tpu.memref_slice %arg7[%mul3A_179] : memref<10240xi32, #tpu.memory_space<vmem>> -> memref<80xi32, #tpu.memory_space<vmem>>
        %dma_start3A_186 = arith.constant 0 : i32
        %dma_start3A_187 = arith.constant 0 : i32
        %dma_start3A_188 = tpu.memref_slice %arg2[%dma_start3A_186, %dma_start3A_187] : memref<10000x128xf32, #tpu.memory_space<hbm>> -> memref<10000x128xf32, #tpu.memory_space<hbm>>
        tpu.enqueue_indirect_dma source(%dma_start3A_188 : memref<10000x128xf32, #tpu.memory_space<hbm>>) target(%dma_start3A_184 : memref<80x128xf32, #tpu.memory_space<vmem>>) offsets(%dma_start3A_185 : memref<80xi32, #tpu.memory_space<vmem>>) semaphore(%arg11 : memref<!tpu.dma_semaphore, #tpu.memory_space<semaphore_mem>>)
      } else {
      }
      %eq3A_141 = arith.constant 64 : i32
      %eq3A_142 = arith.cmpi eq, %add3A_134, %eq3A_141 : i32
      %gt3A_143 = arith.constant 64 : i32
      %gt3A_144 = arith.cmpi sgt, %min3A_23, %gt3A_143 : i32
      %and3A_145 = arith.andi %eq3A_142, %gt3A_144 : i1
      %convert_element_type3A_146 = arith.extui %and3A_145 : i1 to i32
      %cond3A_147 = arith.constant 0 : i32
      %cond3A_148 = arith.cmpi ne, %convert_element_type3A_146, %cond3A_147 : i32
      scf.if %cond3A_148 {
        "tpu.region"() ({
          %run_scoped3A = tpu.sem_alloc : memref<!tpu.dma_semaphore, #tpu.memory_space<semaphore_mem>>
          %dma_start3A_174 = arith.constant 64 : i32
          %dma_start3A_175 = arith.constant 0 : i32
          %dma_start3A_176 = tpu.memref_slice %arg4[%add3A, %dma_start3A_174, %dma_start3A_175] : memref<32x128x80xi32, #tpu.memory_space<hbm>> -> memref<1x64x80xi32, #tpu.memory_space<hbm>>
          %dma_start3A_177 = tpu.memref_squeeze %dma_start3A_176 : memref<1x64x80xi32, #tpu.memory_space<hbm>> -> memref<64x80xi32, #tpu.memory_space<hbm>>
          %dma_start3A_178 = arith.constant 64 : i32
          %dma_start3A_179 = arith.constant 0 : i32
          %dma_start3A_180 = tpu.memref_slice %arg4[%add3A, %dma_start3A_178, %dma_start3A_179] : memref<32x128x80xi32, #tpu.memory_space<hbm>> -> memref<1x64x80xi32, #tpu.memory_space<hbm>>
          %dma_start3A_181 = tpu.memref_squeeze %dma_start3A_180 : memref<1x64x80xi32, #tpu.memory_space<hbm>> -> memref<64x80xi32, #tpu.memory_space<hbm>>
          tpu.enqueue_dma source(%dma_start3A_181 : memref<64x80xi32, #tpu.memory_space<hbm>>) target(%arg8 : memref<64x80xi32, #tpu.memory_space<vmem>>) target_semaphore(%run_scoped3A : memref<!tpu.dma_semaphore, #tpu.memory_space<semaphore_mem>>)
          %dma_wait3A_182 = arith.constant 64 : i32
          %dma_wait3A_183 = arith.constant 0 : i32
          %dma_wait3A_184 = tpu.memref_slice %arg4[%add3A, %dma_wait3A_182, %dma_wait3A_183] : memref<32x128x80xi32, #tpu.memory_space<hbm>> -> memref<1x64x80xi32, #tpu.memory_space<hbm>>
          %dma_wait3A_185 = tpu.memref_squeeze %dma_wait3A_184 : memref<1x64x80xi32, #tpu.memory_space<hbm>> -> memref<64x80xi32, #tpu.memory_space<hbm>>
          %dma_wait3A_186 = arith.constant 64 : i32
          %dma_wait3A_187 = arith.constant 0 : i32
          %dma_wait3A_188 = tpu.memref_slice %arg4[%add3A, %dma_wait3A_186, %dma_wait3A_187] : memref<32x128x80xi32, #tpu.memory_space<hbm>> -> memref<1x64x80xi32, #tpu.memory_space<hbm>>
          %dma_wait3A_189 = tpu.memref_squeeze %dma_wait3A_188 : memref<1x64x80xi32, #tpu.memory_space<hbm>> -> memref<64x80xi32, #tpu.memory_space<hbm>>
          tpu.wait_dma2 semaphore(%run_scoped3A : memref<!tpu.dma_semaphore, #tpu.memory_space<semaphore_mem>>) src(%dma_wait3A_189 : memref<64x80xi32, #tpu.memory_space<hbm>>) dst(%arg8 : memref<64x80xi32, #tpu.memory_space<vmem>>)
          tpu.yield
        }) : () -> ()
      } else {
      }
      %lt3A_149 = arith.cmpi slt, %add3A_134, %min3A_23 : i32
      %convert_element_type3A_150 = arith.extui %lt3A_149 : i1 to i32
      %cond3A_151 = arith.constant 0 : i32
      %cond3A_152 = arith.cmpi ne, %convert_element_type3A_150, %cond3A_151 : i32
      scf.if %cond3A_152 {
        %dma_wait3A_174 = arith.constant 1 : i32
        %dma_wait3A_175 = arith.constant 0 : i32
        %dma_wait3A_176 = arith.constant 0 : i32
        %dma_wait3A_177 = tpu.memref_slice %arg9[%dma_wait3A_174, %dma_wait3A_175, %dma_wait3A_176] : memref<3x80x128xf32, #tpu.memory_space<vmem>> -> memref<1x80x128xf32, #tpu.memory_space<vmem>>
        %dma_wait3A_178 = tpu.memref_squeeze %dma_wait3A_177 : memref<1x80x128xf32, #tpu.memory_space<vmem>> -> memref<80x128xf32, #tpu.memory_space<vmem>>
        %dma_wait3A_179 = arith.constant 0 : i32
        %dma_wait3A_180 = arith.constant 0 : i32
        %dma_wait3A_181 = tpu.memref_slice %arg2[%dma_wait3A_179, %dma_wait3A_180] : memref<10000x128xf32, #tpu.memory_space<hbm>> -> memref<80x128xf32, #tpu.memory_space<hbm>>
        %dma_wait3A_182 = arith.constant 0 : i32
        %dma_wait3A_183 = arith.constant 0 : i32
        %dma_wait3A_184 = tpu.memref_slice %arg9[%dma_wait3A_174, %dma_wait3A_182, %dma_wait3A_183] : memref<3x80x128xf32, #tpu.memory_space<vmem>> -> memref<1x80x128xf32, #tpu.memory_space<vmem>>
        %dma_wait3A_185 = tpu.memref_squeeze %dma_wait3A_184 : memref<1x80x128xf32, #tpu.memory_space<vmem>> -> memref<80x128xf32, #tpu.memory_space<vmem>>
        %dma_wait3A_186 = arith.constant 0 : i32
        %dma_wait3A_187 = arith.constant 0 : i32
        %dma_wait3A_188 = tpu.memref_slice %arg2[%dma_wait3A_186, %dma_wait3A_187] : memref<10000x128xf32, #tpu.memory_space<hbm>> -> memref<80x128xf32, #tpu.memory_space<hbm>>
        tpu.wait_dma2 semaphore(%arg12 : memref<!tpu.dma_semaphore, #tpu.memory_space<semaphore_mem>>) src(%dma_wait3A_188 : memref<80x128xf32, #tpu.memory_space<hbm>>) dst(%dma_wait3A_185 : memref<80x128xf32, #tpu.memory_space<vmem>>)
        %ge3A = arith.constant 64 : i32
        %ge3A_189 = arith.cmpi sge, %add3A_134, %ge3A : i32
        %sub3A_190 = arith.constant 64 : i32
        %sub3A_191 = arith.subi %add3A_134, %sub3A_190 : i32
        %select_n3A_192 = arith.select %ge3A_189, %sub3A_191, %add3A_134 : i32
        %dma_start3A_193 = arith.constant 1 : i32
        %dma_start3A_194 = arith.constant 0 : i32
        %dma_start3A_195 = arith.constant 0 : i32
        %dma_start3A_196 = tpu.memref_slice %arg9[%dma_start3A_193, %dma_start3A_194, %dma_start3A_195] : memref<3x80x128xf32, #tpu.memory_space<vmem>> -> memref<1x80x128xf32, #tpu.memory_space<vmem>>
        %dma_start3A_197 = tpu.memref_squeeze %dma_start3A_196 : memref<1x80x128xf32, #tpu.memory_space<vmem>> -> memref<80x128xf32, #tpu.memory_space<vmem>>
        %dma_start3A_198 = arith.constant 0 : i32
        %dma_start3A_199 = tpu.memref_slice %arg8[%select_n3A_192, %dma_start3A_198] : memref<64x80xi32, #tpu.memory_space<vmem>> -> memref<1x80xi32, #tpu.memory_space<vmem>>
        %dma_start3A_200 = tpu.memref_squeeze %dma_start3A_199 : memref<1x80xi32, #tpu.memory_space<vmem>> -> memref<80xi32, #tpu.memory_space<vmem>>
        %dma_start3A_201 = arith.constant 0 : i32
        %dma_start3A_202 = arith.constant 0 : i32
        %dma_start3A_203 = tpu.memref_slice %arg10[%dma_start3A_201, %dma_start3A_202] : memref<10008x128xf32, #tpu.memory_space<vmem_shared>> -> memref<10008x128xf32, #tpu.memory_space<vmem_shared>>
        tpu.enqueue_indirect_dma source(%dma_start3A_197 : memref<80x128xf32, #tpu.memory_space<vmem>>) target(%dma_start3A_203 : memref<10008x128xf32, #tpu.memory_space<vmem_shared>>) offsets(%dma_start3A_200 : memref<80xi32, #tpu.memory_space<vmem>>) semaphore(%arg15 : memref<!tpu.dma_semaphore, #tpu.memory_space<semaphore_mem>>) {add = true}
      } else {
      }
      %add3A_153 = arith.constant 2 : i32
      %add3A_154 = arith.addi %mul3A_113, %add3A_153 : i32
      %add3A_155 = arith.constant 2 : i32
      %add3A_156 = arith.addi %add3A_154, %add3A_155 : i32
      %lt3A_157 = arith.cmpi slt, %add3A_156, %min3A_23 : i32
      %convert_element_type3A_158 = arith.extui %lt3A_157 : i1 to i32
      %cond3A_159 = arith.constant 0 : i32
      %cond3A_160 = arith.cmpi ne, %convert_element_type3A_158, %cond3A_159 : i32
      scf.if %cond3A_160 {
        %ge3A = arith.constant 3 : i32
        %ge3A_174 = arith.cmpi sge, %add3A_156, %ge3A : i32
        %convert_element_type3A_175 = arith.extui %ge3A_174 : i1 to i32
        %cond3A_176 = arith.constant 0 : i32
        %cond3A_177 = arith.cmpi ne, %convert_element_type3A_175, %cond3A_176 : i32
        scf.if %cond3A_177 {
          %dma_wait3A_189 = arith.constant 1 : i32
          %dma_wait3A_190 = arith.constant 0 : i32
          %dma_wait3A_191 = arith.constant 0 : i32
          %dma_wait3A_192 = tpu.memref_slice %arg9[%dma_wait3A_189, %dma_wait3A_190, %dma_wait3A_191] : memref<3x80x128xf32, #tpu.memory_space<vmem>> -> memref<1x80x128xf32, #tpu.memory_space<vmem>>
          %dma_wait3A_193 = tpu.memref_squeeze %dma_wait3A_192 : memref<1x80x128xf32, #tpu.memory_space<vmem>> -> memref<80x128xf32, #tpu.memory_space<vmem>>
          %dma_wait3A_194 = arith.constant 0 : i32
          %dma_wait3A_195 = arith.constant 0 : i32
          %dma_wait3A_196 = tpu.memref_slice %arg2[%dma_wait3A_194, %dma_wait3A_195] : memref<10000x128xf32, #tpu.memory_space<hbm>> -> memref<80x128xf32, #tpu.memory_space<hbm>>
          %dma_wait3A_197 = arith.constant 0 : i32
          %dma_wait3A_198 = arith.constant 0 : i32
          %dma_wait3A_199 = tpu.memref_slice %arg9[%dma_wait3A_189, %dma_wait3A_197, %dma_wait3A_198] : memref<3x80x128xf32, #tpu.memory_space<vmem>> -> memref<1x80x128xf32, #tpu.memory_space<vmem>>
          %dma_wait3A_200 = tpu.memref_squeeze %dma_wait3A_199 : memref<1x80x128xf32, #tpu.memory_space<vmem>> -> memref<80x128xf32, #tpu.memory_space<vmem>>
          %dma_wait3A_201 = arith.constant 0 : i32
          %dma_wait3A_202 = arith.constant 0 : i32
          %dma_wait3A_203 = tpu.memref_slice %arg2[%dma_wait3A_201, %dma_wait3A_202] : memref<10000x128xf32, #tpu.memory_space<hbm>> -> memref<80x128xf32, #tpu.memory_space<hbm>>
          tpu.wait_dma2 semaphore(%arg15 : memref<!tpu.dma_semaphore, #tpu.memory_space<semaphore_mem>>) src(%dma_wait3A_203 : memref<80x128xf32, #tpu.memory_space<hbm>>) dst(%dma_wait3A_200 : memref<80x128xf32, #tpu.memory_space<vmem>>)
        } else {
        }
        %mul3A_178 = arith.constant 80 : i32
        %mul3A_179 = arith.muli %add3A_156, %mul3A_178 : i32
        %dma_start3A_180 = arith.constant 1 : i32
        %dma_start3A_181 = arith.constant 0 : i32
        %dma_start3A_182 = arith.constant 0 : i32
        %dma_start3A_183 = tpu.memref_slice %arg9[%dma_start3A_180, %dma_start3A_181, %dma_start3A_182] : memref<3x80x128xf32, #tpu.memory_space<vmem>> -> memref<1x80x128xf32, #tpu.memory_space<vmem>>
        %dma_start3A_184 = tpu.memref_squeeze %dma_start3A_183 : memref<1x80x128xf32, #tpu.memory_space<vmem>> -> memref<80x128xf32, #tpu.memory_space<vmem>>
        %dma_start3A_185 = tpu.memref_slice %arg7[%mul3A_179] : memref<10240xi32, #tpu.memory_space<vmem>> -> memref<80xi32, #tpu.memory_space<vmem>>
        %dma_start3A_186 = arith.constant 0 : i32
        %dma_start3A_187 = arith.constant 0 : i32
        %dma_start3A_188 = tpu.memref_slice %arg2[%dma_start3A_186, %dma_start3A_187] : memref<10000x128xf32, #tpu.memory_space<hbm>> -> memref<10000x128xf32, #tpu.memory_space<hbm>>
        tpu.enqueue_indirect_dma source(%dma_start3A_188 : memref<10000x128xf32, #tpu.memory_space<hbm>>) target(%dma_start3A_184 : memref<80x128xf32, #tpu.memory_space<vmem>>) offsets(%dma_start3A_185 : memref<80xi32, #tpu.memory_space<vmem>>) semaphore(%arg12 : memref<!tpu.dma_semaphore, #tpu.memory_space<semaphore_mem>>)
      } else {
      }
      %eq3A_161 = arith.constant 64 : i32
      %eq3A_162 = arith.cmpi eq, %add3A_154, %eq3A_161 : i32
      %gt3A_163 = arith.constant 64 : i32
      %gt3A_164 = arith.cmpi sgt, %min3A_23, %gt3A_163 : i32
      %and3A_165 = arith.andi %eq3A_162, %gt3A_164 : i1
      %convert_element_type3A_166 = arith.extui %and3A_165 : i1 to i32
      %cond3A_167 = arith.constant 0 : i32
      %cond3A_168 = arith.cmpi ne, %convert_element_type3A_166, %cond3A_167 : i32
      scf.if %cond3A_168 {
        "tpu.region"() ({
          %run_scoped3A = tpu.sem_alloc : memref<!tpu.dma_semaphore, #tpu.memory_space<semaphore_mem>>
          %dma_start3A_174 = arith.constant 64 : i32
          %dma_start3A_175 = arith.constant 0 : i32
          %dma_start3A_176 = tpu.memref_slice %arg4[%add3A, %dma_start3A_174, %dma_start3A_175] : memref<32x128x80xi32, #tpu.memory_space<hbm>> -> memref<1x64x80xi32, #tpu.memory_space<hbm>>
          %dma_start3A_177 = tpu.memref_squeeze %dma_start3A_176 : memref<1x64x80xi32, #tpu.memory_space<hbm>> -> memref<64x80xi32, #tpu.memory_space<hbm>>
          %dma_start3A_178 = arith.constant 64 : i32
          %dma_start3A_179 = arith.constant 0 : i32
          %dma_start3A_180 = tpu.memref_slice %arg4[%add3A, %dma_start3A_178, %dma_start3A_179] : memref<32x128x80xi32, #tpu.memory_space<hbm>> -> memref<1x64x80xi32, #tpu.memory_space<hbm>>
          %dma_start3A_181 = tpu.memref_squeeze %dma_start3A_180 : memref<1x64x80xi32, #tpu.memory_space<hbm>> -> memref<64x80xi32, #tpu.memory_space<hbm>>
          tpu.enqueue_dma source(%dma_start3A_181 : memref<64x80xi32, #tpu.memory_space<hbm>>) target(%arg8 : memref<64x80xi32, #tpu.memory_space<vmem>>) target_semaphore(%run_scoped3A : memref<!tpu.dma_semaphore, #tpu.memory_space<semaphore_mem>>)
          %dma_wait3A_182 = arith.constant 64 : i32
          %dma_wait3A_183 = arith.constant 0 : i32
          %dma_wait3A_184 = tpu.memref_slice %arg4[%add3A, %dma_wait3A_182, %dma_wait3A_183] : memref<32x128x80xi32, #tpu.memory_space<hbm>> -> memref<1x64x80xi32, #tpu.memory_space<hbm>>
          %dma_wait3A_185 = tpu.memref_squeeze %dma_wait3A_184 : memref<1x64x80xi32, #tpu.memory_space<hbm>> -> memref<64x80xi32, #tpu.memory_space<hbm>>
          %dma_wait3A_186 = arith.constant 64 : i32
          %dma_wait3A_187 = arith.constant 0 : i32
          %dma_wait3A_188 = tpu.memref_slice %arg4[%add3A, %dma_wait3A_186, %dma_wait3A_187] : memref<32x128x80xi32, #tpu.memory_space<hbm>> -> memref<1x64x80xi32, #tpu.memory_space<hbm>>
          %dma_wait3A_189 = tpu.memref_squeeze %dma_wait3A_188 : memref<1x64x80xi32, #tpu.memory_space<hbm>> -> memref<64x80xi32, #tpu.memory_space<hbm>>
          tpu.wait_dma2 semaphore(%run_scoped3A : memref<!tpu.dma_semaphore, #tpu.memory_space<semaphore_mem>>) src(%dma_wait3A_189 : memref<64x80xi32, #tpu.memory_space<hbm>>) dst(%arg8 : memref<64x80xi32, #tpu.memory_space<vmem>>)
          tpu.yield
        }) : () -> ()
      } else {
      }
      %lt3A_169 = arith.cmpi slt, %add3A_154, %min3A_23 : i32
      %convert_element_type3A_170 = arith.extui %lt3A_169 : i1 to i32
      %cond3A_171 = arith.constant 0 : i32
      %cond3A_172 = arith.cmpi ne, %convert_element_type3A_170, %cond3A_171 : i32
      scf.if %cond3A_172 {
        %dma_wait3A_174 = arith.constant 2 : i32
        %dma_wait3A_175 = arith.constant 0 : i32
        %dma_wait3A_176 = arith.constant 0 : i32
        %dma_wait3A_177 = tpu.memref_slice %arg9[%dma_wait3A_174, %dma_wait3A_175, %dma_wait3A_176] : memref<3x80x128xf32, #tpu.memory_space<vmem>> -> memref<1x80x128xf32, #tpu.memory_space<vmem>>
        %dma_wait3A_178 = tpu.memref_squeeze %dma_wait3A_177 : memref<1x80x128xf32, #tpu.memory_space<vmem>> -> memref<80x128xf32, #tpu.memory_space<vmem>>
        %dma_wait3A_179 = arith.constant 0 : i32
        %dma_wait3A_180 = arith.constant 0 : i32
        %dma_wait3A_181 = tpu.memref_slice %arg2[%dma_wait3A_179, %dma_wait3A_180] : memref<10000x128xf32, #tpu.memory_space<hbm>> -> memref<80x128xf32, #tpu.memory_space<hbm>>
        %dma_wait3A_182 = arith.constant 0 : i32
        %dma_wait3A_183 = arith.constant 0 : i32
        %dma_wait3A_184 = tpu.memref_slice %arg9[%dma_wait3A_174, %dma_wait3A_182, %dma_wait3A_183] : memref<3x80x128xf32, #tpu.memory_space<vmem>> -> memref<1x80x128xf32, #tpu.memory_space<vmem>>
        %dma_wait3A_185 = tpu.memref_squeeze %dma_wait3A_184 : memref<1x80x128xf32, #tpu.memory_space<vmem>> -> memref<80x128xf32, #tpu.memory_space<vmem>>
        %dma_wait3A_186 = arith.constant 0 : i32
        %dma_wait3A_187 = arith.constant 0 : i32
        %dma_wait3A_188 = tpu.memref_slice %arg2[%dma_wait3A_186, %dma_wait3A_187] : memref<10000x128xf32, #tpu.memory_space<hbm>> -> memref<80x128xf32, #tpu.memory_space<hbm>>
        tpu.wait_dma2 semaphore(%arg13 : memref<!tpu.dma_semaphore, #tpu.memory_space<semaphore_mem>>) src(%dma_wait3A_188 : memref<80x128xf32, #tpu.memory_space<hbm>>) dst(%dma_wait3A_185 : memref<80x128xf32, #tpu.memory_space<vmem>>)
        %ge3A = arith.constant 64 : i32
        %ge3A_189 = arith.cmpi sge, %add3A_154, %ge3A : i32
        %sub3A_190 = arith.constant 64 : i32
        %sub3A_191 = arith.subi %add3A_154, %sub3A_190 : i32
        %select_n3A_192 = arith.select %ge3A_189, %sub3A_191, %add3A_154 : i32
        %dma_start3A_193 = arith.constant 2 : i32
        %dma_start3A_194 = arith.constant 0 : i32
        %dma_start3A_195 = arith.constant 0 : i32
        %dma_start3A_196 = tpu.memref_slice %arg9[%dma_start3A_193, %dma_start3A_194, %dma_start3A_195] : memref<3x80x128xf32, #tpu.memory_space<vmem>> -> memref<1x80x128xf32, #tpu.memory_space<vmem>>
        %dma_start3A_197 = tpu.memref_squeeze %dma_start3A_196 : memref<1x80x128xf32, #tpu.memory_space<vmem>> -> memref<80x128xf32, #tpu.memory_space<vmem>>
        %dma_start3A_198 = arith.constant 0 : i32
        %dma_start3A_199 = tpu.memref_slice %arg8[%select_n3A_192, %dma_start3A_198] : memref<64x80xi32, #tpu.memory_space<vmem>> -> memref<1x80xi32, #tpu.memory_space<vmem>>
        %dma_start3A_200 = tpu.memref_squeeze %dma_start3A_199 : memref<1x80xi32, #tpu.memory_space<vmem>> -> memref<80xi32, #tpu.memory_space<vmem>>
        %dma_start3A_201 = arith.constant 0 : i32
        %dma_start3A_202 = arith.constant 0 : i32
        %dma_start3A_203 = tpu.memref_slice %arg10[%dma_start3A_201, %dma_start3A_202] : memref<10008x128xf32, #tpu.memory_space<vmem_shared>> -> memref<10008x128xf32, #tpu.memory_space<vmem_shared>>
        tpu.enqueue_indirect_dma source(%dma_start3A_197 : memref<80x128xf32, #tpu.memory_space<vmem>>) target(%dma_start3A_203 : memref<10008x128xf32, #tpu.memory_space<vmem_shared>>) offsets(%dma_start3A_200 : memref<80xi32, #tpu.memory_space<vmem>>) semaphore(%arg16 : memref<!tpu.dma_semaphore, #tpu.memory_space<semaphore_mem>>) {add = true}
      } else {
      }
      %scan3A_173 = arith.constant 0 : i32
      scf.yield %scan3A_173 : i32
    }
    %scan3A_54 = arith.constant 43 : i32
    %dma_wait3A = arith.constant 0 : i32
    %dma_wait3A_55 = arith.constant 0 : i32
    %dma_wait3A_56 = arith.constant 0 : i32
    %dma_wait3A_57 = tpu.memref_slice %arg9[%dma_wait3A, %dma_wait3A_55, %dma_wait3A_56] : memref<3x80x128xf32, #tpu.memory_space<vmem>> -> memref<1x80x128xf32, #tpu.memory_space<vmem>>
    %dma_wait3A_58 = tpu.memref_squeeze %dma_wait3A_57 : memref<1x80x128xf32, #tpu.memory_space<vmem>> -> memref<80x128xf32, #tpu.memory_space<vmem>>
    %dma_wait3A_59 = arith.constant 0 : i32
    %dma_wait3A_60 = arith.constant 0 : i32
    %dma_wait3A_61 = tpu.memref_slice %arg2[%dma_wait3A_59, %dma_wait3A_60] : memref<10000x128xf32, #tpu.memory_space<hbm>> -> memref<80x128xf32, #tpu.memory_space<hbm>>
    %dma_wait3A_62 = arith.constant 0 : i32
    %dma_wait3A_63 = arith.constant 0 : i32
    %dma_wait3A_64 = tpu.memref_slice %arg9[%dma_wait3A, %dma_wait3A_62, %dma_wait3A_63] : memref<3x80x128xf32, #tpu.memory_space<vmem>> -> memref<1x80x128xf32, #tpu.memory_space<vmem>>
    %dma_wait3A_65 = tpu.memref_squeeze %dma_wait3A_64 : memref<1x80x128xf32, #tpu.memory_space<vmem>> -> memref<80x128xf32, #tpu.memory_space<vmem>>
    %dma_wait3A_66 = arith.constant 0 : i32
    %dma_wait3A_67 = arith.constant 0 : i32
    %dma_wait3A_68 = tpu.memref_slice %arg2[%dma_wait3A_66, %dma_wait3A_67] : memref<10000x128xf32, #tpu.memory_space<hbm>> -> memref<80x128xf32, #tpu.memory_space<hbm>>
    tpu.wait_dma2 semaphore(%arg14 : memref<!tpu.dma_semaphore, #tpu.memory_space<semaphore_mem>>) src(%dma_wait3A_68 : memref<80x128xf32, #tpu.memory_space<hbm>>) dst(%dma_wait3A_65 : memref<80x128xf32, #tpu.memory_space<vmem>>)
    %dma_wait3A_69 = arith.constant 1 : i32
    %dma_wait3A_70 = arith.constant 0 : i32
    %dma_wait3A_71 = arith.constant 0 : i32
    %dma_wait3A_72 = tpu.memref_slice %arg9[%dma_wait3A_69, %dma_wait3A_70, %dma_wait3A_71] : memref<3x80x128xf32, #tpu.memory_space<vmem>> -> memref<1x80x128xf32, #tpu.memory_space<vmem>>
    %dma_wait3A_73 = tpu.memref_squeeze %dma_wait3A_72 : memref<1x80x128xf32, #tpu.memory_space<vmem>> -> memref<80x128xf32, #tpu.memory_space<vmem>>
    %dma_wait3A_74 = arith.constant 0 : i32
    %dma_wait3A_75 = arith.constant 0 : i32
    %dma_wait3A_76 = tpu.memref_slice %arg2[%dma_wait3A_74, %dma_wait3A_75] : memref<10000x128xf32, #tpu.memory_space<hbm>> -> memref<80x128xf32, #tpu.memory_space<hbm>>
    %dma_wait3A_77 = arith.constant 0 : i32
    %dma_wait3A_78 = arith.constant 0 : i32
    %dma_wait3A_79 = tpu.memref_slice %arg9[%dma_wait3A_69, %dma_wait3A_77, %dma_wait3A_78] : memref<3x80x128xf32, #tpu.memory_space<vmem>> -> memref<1x80x128xf32, #tpu.memory_space<vmem>>
    %dma_wait3A_80 = tpu.memref_squeeze %dma_wait3A_79 : memref<1x80x128xf32, #tpu.memory_space<vmem>> -> memref<80x128xf32, #tpu.memory_space<vmem>>
    %dma_wait3A_81 = arith.constant 0 : i32
    %dma_wait3A_82 = arith.constant 0 : i32
    %dma_wait3A_83 = tpu.memref_slice %arg2[%dma_wait3A_81, %dma_wait3A_82] : memref<10000x128xf32, #tpu.memory_space<hbm>> -> memref<80x128xf32, #tpu.memory_space<hbm>>
    tpu.wait_dma2 semaphore(%arg15 : memref<!tpu.dma_semaphore, #tpu.memory_space<semaphore_mem>>) src(%dma_wait3A_83 : memref<80x128xf32, #tpu.memory_space<hbm>>) dst(%dma_wait3A_80 : memref<80x128xf32, #tpu.memory_space<vmem>>)
    %dma_wait3A_84 = arith.constant 2 : i32
    %dma_wait3A_85 = arith.constant 0 : i32
    %dma_wait3A_86 = arith.constant 0 : i32
    %dma_wait3A_87 = tpu.memref_slice %arg9[%dma_wait3A_84, %dma_wait3A_85, %dma_wait3A_86] : memref<3x80x128xf32, #tpu.memory_space<vmem>> -> memref<1x80x128xf32, #tpu.memory_space<vmem>>
    %dma_wait3A_88 = tpu.memref_squeeze %dma_wait3A_87 : memref<1x80x128xf32, #tpu.memory_space<vmem>> -> memref<80x128xf32, #tpu.memory_space<vmem>>
    %dma_wait3A_89 = arith.constant 0 : i32
    %dma_wait3A_90 = arith.constant 0 : i32
    %dma_wait3A_91 = tpu.memref_slice %arg2[%dma_wait3A_89, %dma_wait3A_90] : memref<10000x128xf32, #tpu.memory_space<hbm>> -> memref<80x128xf32, #tpu.memory_space<hbm>>
    %dma_wait3A_92 = arith.constant 0 : i32
    %dma_wait3A_93 = arith.constant 0 : i32
    %dma_wait3A_94 = tpu.memref_slice %arg9[%dma_wait3A_84, %dma_wait3A_92, %dma_wait3A_93] : memref<3x80x128xf32, #tpu.memory_space<vmem>> -> memref<1x80x128xf32, #tpu.memory_space<vmem>>
    %dma_wait3A_95 = tpu.memref_squeeze %dma_wait3A_94 : memref<1x80x128xf32, #tpu.memory_space<vmem>> -> memref<80x128xf32, #tpu.memory_space<vmem>>
    %dma_wait3A_96 = arith.constant 0 : i32
    %dma_wait3A_97 = arith.constant 0 : i32
    %dma_wait3A_98 = tpu.memref_slice %arg2[%dma_wait3A_96, %dma_wait3A_97] : memref<10000x128xf32, #tpu.memory_space<hbm>> -> memref<80x128xf32, #tpu.memory_space<hbm>>
    tpu.wait_dma2 semaphore(%arg16 : memref<!tpu.dma_semaphore, #tpu.memory_space<semaphore_mem>>) src(%dma_wait3A_98 : memref<80x128xf32, #tpu.memory_space<hbm>>) dst(%dma_wait3A_95 : memref<80x128xf32, #tpu.memory_space<vmem>>)
    %barrier3A_99 = arith.constant 0 : index
    tpu.barrier barrier_id(%barrier3A_99)
    %lt3A_100 = arith.constant 15 : i32
    %lt3A_101 = arith.cmpi slt, %arg1, %lt3A_100 : i32
    %convert_element_type3A_102 = arith.extui %lt3A_101 : i1 to i32
    %cond3A_103 = arith.constant 0 : i32
    %cond3A_104 = arith.cmpi ne, %convert_element_type3A_102, %cond3A_103 : i32
    scf.if %cond3A_104 {
      %mul3A_110 = arith.constant 624 : i32
      %mul3A_111 = arith.muli %arg1, %mul3A_110 : i32
      %mul3A_112 = arith.constant 624 : i32
      %mul3A_113 = arith.muli %arg1, %mul3A_112 : i32
      "tpu.region"() ({
        %run_scoped3A = tpu.sem_alloc : memref<!tpu.dma_semaphore, #tpu.memory_space<semaphore_mem>>
        %dma_start3A_114 = arith.constant 0 : i32
        %dma_start3A_115 = tpu.memref_slice %arg6[%arg0, %mul3A_113, %dma_start3A_114] : memref<2x10000x128xf32, #tpu.memory_space<hbm>> -> memref<1x624x128xf32, #tpu.memory_space<hbm>>
        %dma_start3A_116 = tpu.memref_squeeze %dma_start3A_115 : memref<1x624x128xf32, #tpu.memory_space<hbm>> -> memref<624x128xf32, #tpu.memory_space<hbm>>
        %dma_start3A_117 = arith.constant 0 : i32
        %dma_start3A_118 = tpu.memref_slice %arg10[%mul3A_111, %dma_start3A_117] : memref<10008x128xf32, #tpu.memory_space<vmem_shared>> -> memref<624x128xf32, #tpu.memory_space<vmem_shared>>
        tpu.enqueue_dma source(%dma_start3A_118 : memref<624x128xf32, #tpu.memory_space<vmem_shared>>) target(%dma_start3A_116 : memref<624x128xf32, #tpu.memory_space<hbm>>) target_semaphore(%run_scoped3A : memref<!tpu.dma_semaphore, #tpu.memory_space<semaphore_mem>>)
        %dma_wait3A_119 = arith.constant 0 : i32
        %dma_wait3A_120 = tpu.memref_slice %arg6[%arg0, %mul3A_113, %dma_wait3A_119] : memref<2x10000x128xf32, #tpu.memory_space<hbm>> -> memref<1x624x128xf32, #tpu.memory_space<hbm>>
        %dma_wait3A_121 = tpu.memref_squeeze %dma_wait3A_120 : memref<1x624x128xf32, #tpu.memory_space<hbm>> -> memref<624x128xf32, #tpu.memory_space<hbm>>
        %dma_wait3A_122 = arith.constant 0 : i32
        %dma_wait3A_123 = tpu.memref_slice %arg10[%mul3A_111, %dma_wait3A_122] : memref<10008x128xf32, #tpu.memory_space<vmem_shared>> -> memref<624x128xf32, #tpu.memory_space<vmem_shared>>
        tpu.wait_dma2 semaphore(%run_scoped3A : memref<!tpu.dma_semaphore, #tpu.memory_space<semaphore_mem>>) src(%dma_wait3A_123 : memref<624x128xf32, #tpu.memory_space<vmem_shared>>) dst(%dma_wait3A_121 : memref<624x128xf32, #tpu.memory_space<hbm>>)
        tpu.yield
      }) : () -> ()
    } else {
    }
    %eq3A_105 = arith.constant 15 : i32
    %eq3A_106 = arith.cmpi eq, %arg1, %eq3A_105 : i32
    %convert_element_type3A_107 = arith.extui %eq3A_106 : i1 to i32
    %cond3A_108 = arith.constant 0 : i32
    %cond3A_109 = arith.cmpi ne, %convert_element_type3A_107, %cond3A_108 : i32
    scf.if %cond3A_109 {
      "tpu.region"() ({
        %run_scoped3A = tpu.sem_alloc : memref<!tpu.dma_semaphore, #tpu.memory_space<semaphore_mem>>
        %dma_start3A_110 = arith.constant 9360 : i32
        %dma_start3A_111 = arith.constant 0 : i32
        %dma_start3A_112 = tpu.memref_slice %arg6[%arg0, %dma_start3A_110, %dma_start3A_111] : memref<2x10000x128xf32, #tpu.memory_space<hbm>> -> memref<1x640x128xf32, #tpu.memory_space<hbm>>
        %dma_start3A_113 = tpu.memref_squeeze %dma_start3A_112 : memref<1x640x128xf32, #tpu.memory_space<hbm>> -> memref<640x128xf32, #tpu.memory_space<hbm>>
        %dma_start3A_114 = arith.constant 9360 : i32
        %dma_start3A_115 = arith.constant 0 : i32
        %dma_start3A_116 = tpu.memref_slice %arg10[%dma_start3A_114, %dma_start3A_115] : memref<10008x128xf32, #tpu.memory_space<vmem_shared>> -> memref<640x128xf32, #tpu.memory_space<vmem_shared>>
        tpu.enqueue_dma source(%dma_start3A_116 : memref<640x128xf32, #tpu.memory_space<vmem_shared>>) target(%dma_start3A_113 : memref<640x128xf32, #tpu.memory_space<hbm>>) target_semaphore(%run_scoped3A : memref<!tpu.dma_semaphore, #tpu.memory_space<semaphore_mem>>)
        %dma_wait3A_117 = arith.constant 9360 : i32
        %dma_wait3A_118 = arith.constant 0 : i32
        %dma_wait3A_119 = tpu.memref_slice %arg6[%arg0, %dma_wait3A_117, %dma_wait3A_118] : memref<2x10000x128xf32, #tpu.memory_space<hbm>> -> memref<1x640x128xf32, #tpu.memory_space<hbm>>
        %dma_wait3A_120 = tpu.memref_squeeze %dma_wait3A_119 : memref<1x640x128xf32, #tpu.memory_space<hbm>> -> memref<640x128xf32, #tpu.memory_space<hbm>>
        %dma_wait3A_121 = arith.constant 9360 : i32
        %dma_wait3A_122 = arith.constant 0 : i32
        %dma_wait3A_123 = tpu.memref_slice %arg10[%dma_wait3A_121, %dma_wait3A_122] : memref<10008x128xf32, #tpu.memory_space<vmem_shared>> -> memref<640x128xf32, #tpu.memory_space<vmem_shared>>
        tpu.wait_dma2 semaphore(%run_scoped3A : memref<!tpu.dma_semaphore, #tpu.memory_space<semaphore_mem>>) src(%dma_wait3A_123 : memref<640x128xf32, #tpu.memory_space<vmem_shared>>) dst(%dma_wait3A_120 : memref<640x128xf32, #tpu.memory_space<hbm>>)
        tpu.yield
      }) : () -> ()
    } else {
    }
    return
  }
}

module attributes {stable_mosaic.version = 14 : i64} {
  func.func @_tc_m1_body(%arg0: i32, %arg1: memref<1000x128xf32, #tpu.memory_space<vmem>>, %arg2: memref<128x128xf32, #tpu.memory_space<vmem>>, %arg3: memref<1000x128xf32, #tpu.memory_space<vmem>>, %arg4: memref<1000x128xf32, #tpu.memory_space<vmem>>) attributes {dimension_semantics = [#tpu.dimension_semantics<arbitrary>], iteration_bounds = array<i64: 10>, scalar_prefetch = 0 : i64, scratch_operands = 0 : i64, tpu.core_type = #tpu.core_type<tc>, window_params = [{transform_indices = @transform_0, window_bounds = array<i64: 1000, 128>}, {pipeline_mode = #tpu.pipeline_mode<synchronous>, transform_indices = @transform_1, window_bounds = array<i64: 128, 128>}, {transform_indices = @transform_2, window_bounds = array<i64: 1000, 128>}, {transform_indices = @transform_3, window_bounds = array<i64: 1000, 128>}]} {
    %get3A = arith.constant 0 : index
    %get3A_0 = arith.constant 0 : index
    %get3A_1 = vector.load %arg1[%get3A, %get3A_0] : memref<1000x128xf32, #tpu.memory_space<vmem>>, vector<1000x128xf32>
    %get3A_2 = arith.constant 0 : index
    %get3A_3 = arith.constant 0 : index
    %get3A_4 = vector.load %arg2[%get3A_2, %get3A_3] : memref<128x128xf32, #tpu.memory_space<vmem>>, vector<128x128xf32>
    %dot_general3A = arith.constant dense<0.000000e+00> : vector<1000x128xf32>
    %dot_general3A_5 = tpu.matmul %get3A_1, %get3A_4, %dot_general3A {dimension_numbers = #tpu.dot_dimension_numbers<[1], [0], [0], [1], [0, 0, 1, 1], [], []>, transpose_lhs_hint = false} : vector<1000x128xf32>, vector<128x128xf32>, vector<1000x128xf32> -> vector<1000x128xf32>
    %swap3A = arith.constant 0 : index
    %swap3A_6 = arith.constant 0 : index
    %swap3A_7 = vector.load %arg3[%swap3A, %swap3A_6] : memref<1000x128xf32, #tpu.memory_space<vmem>>, vector<1000x128xf32>
    tpu.vector_store %arg3[%swap3A, %swap3A_6], %dot_general3A_5 {strides = array<i32>} : memref<1000x128xf32, #tpu.memory_space<vmem>>, vector<1000x128xf32>,
    %broadcast_in_dim3A = arith.constant 0.000000e+00 : f32
    %broadcast_in_dim3A_8 = vector.broadcast %broadcast_in_dim3A : f32 to vector<1000x128xf32>
    %swap3A_9 = arith.constant 0 : index
    %swap3A_10 = arith.constant 0 : index
    %swap3A_11 = vector.load %arg4[%swap3A_9, %swap3A_10] : memref<1000x128xf32, #tpu.memory_space<vmem>>, vector<1000x128xf32>
    tpu.vector_store %arg4[%swap3A_9, %swap3A_10], %broadcast_in_dim3A_8 {strides = array<i32>} : memref<1000x128xf32, #tpu.memory_space<vmem>>, vector<1000x128xf32>,
    return
  }
  func.func @transform_0(%arg0: i32) -> (i32, i32) {
    %c0_i32 = arith.constant 0 : i32
    %c0_i32_0 = arith.constant 0 : i32
    return %arg0, %c0_i32 : i32, i32
  }
  func.func @transform_1(%arg0: i32) -> (i32, i32) {
    %c0_i32 = arith.constant 0 : i32
    %c0_i32_0 = arith.constant 0 : i32
    %c0_i32_1 = arith.constant 0 : i32
    return %c0_i32, %c0_i32_0 : i32, i32
  }
  func.func @transform_2(%arg0: i32) -> (i32, i32) {
    %c0_i32 = arith.constant 0 : i32
    %c0_i32_0 = arith.constant 0 : i32
    return %arg0, %c0_i32 : i32, i32
  }
  func.func @transform_3(%arg0: i32) -> (i32, i32) {
    %c0_i32 = arith.constant 0 : i32
    %c0_i32_0 = arith.constant 0 : i32
    return %arg0, %c0_i32 : i32, i32
  }
}

module attributes {stable_mosaic.version = 14 : i64} {
  func.func @_tc_s1_body(%arg0: i32, %arg1: memref<1000x128xf32, #tpu.memory_space<vmem>>, %arg2: memref<1000x2xf32, #tpu.memory_space<vmem>>, %arg3: memref<1000x128xf32, #tpu.memory_space<vmem>>, %arg4: memref<1000x1xf32, #tpu.memory_space<vmem>>) attributes {dimension_semantics = [#tpu.dimension_semantics<arbitrary>], iteration_bounds = array<i64: 10>, scalar_prefetch = 0 : i64, scratch_operands = 0 : i64, tpu.core_type = #tpu.core_type<tc>, window_params = [{transform_indices = @transform_0, window_bounds = array<i64: 1000, 128>}, {transform_indices = @transform_1, window_bounds = array<i64: 1000, 2>}, {transform_indices = @transform_2, window_bounds = array<i64: 1000, 128>}, {transform_indices = @transform_3, window_bounds = array<i64: 1000, 1>}]} {
    %get3A = arith.constant 0 : index
    %get3A_0 = arith.constant 0 : index
    %get3A_1 = vector.load %arg2[%get3A, %get3A_0] : memref<1000x2xf32, #tpu.memory_space<vmem>>, vector<1000x1xf32>
    %get3A_2 = vector.shape_cast %get3A_1 : vector<1000x1xf32> to vector<1000xf32>
    %add3A = arith.constant 1.000000e+00 : f32
    %add3A_3 = vector.broadcast %add3A : f32 to vector<1000xf32>
    %add3A_4 = arith.addf %add3A_3, %get3A_2 : vector<1000xf32>
    %get3A_5 = arith.constant 0 : index
    %get3A_6 = arith.constant 1 : index
    %get3A_7 = vector.load %arg2[%get3A_5, %get3A_6] : memref<1000x2xf32, #tpu.memory_space<vmem>>, vector<1000x1xf32>
    %get3A_8 = vector.shape_cast %get3A_7 : vector<1000x1xf32> to vector<1000xf32>
    %add3A_9 = arith.addf %add3A_4, %get3A_8 : vector<1000xf32>
    %rsqrt3A = math.rsqrt %add3A_9 : vector<1000xf32>
    %broadcast_in_dim3A = vector.shape_cast %rsqrt3A : vector<1000xf32> to vector<1000x1xf32>
    %swap3A = arith.constant 0 : index
    %swap3A_10 = arith.constant 0 : index
    %swap3A_11 = vector.load %arg4[%swap3A, %swap3A_10] : memref<1000x1xf32, #tpu.memory_space<vmem>>, vector<1000x1xf32>
    tpu.vector_store %arg4[%swap3A, %swap3A_10], %broadcast_in_dim3A {strides = array<i32>} : memref<1000x1xf32, #tpu.memory_space<vmem>>, vector<1000x1xf32>,
    %get3A_12 = arith.constant 0 : index
    %get3A_13 = arith.constant 0 : index
    %get3A_14 = vector.load %arg1[%get3A_12, %get3A_13] : memref<1000x128xf32, #tpu.memory_space<vmem>>, vector<1000x128xf32>
    %broadcast_in_dim3A_15 = vector.shape_cast %rsqrt3A : vector<1000xf32> to vector<1000x1xf32>
    %mul3A = vector.broadcast %broadcast_in_dim3A_15 : vector<1000x1xf32> to vector<1000x128xf32>
    %mul3A_16 = arith.mulf %get3A_14, %mul3A : vector<1000x128xf32>
    %swap3A_17 = arith.constant 0 : index
    %swap3A_18 = arith.constant 0 : index
    %swap3A_19 = vector.load %arg3[%swap3A_17, %swap3A_18] : memref<1000x128xf32, #tpu.memory_space<vmem>>, vector<1000x128xf32>
    tpu.vector_store %arg3[%swap3A_17, %swap3A_18], %mul3A_16 {strides = array<i32>} : memref<1000x128xf32, #tpu.memory_space<vmem>>, vector<1000x128xf32>,
    return
  }
  func.func @transform_0(%arg0: i32) -> (i32, i32) {
    %c0_i32 = arith.constant 0 : i32
    %c0_i32_0 = arith.constant 0 : i32
    return %arg0, %c0_i32 : i32, i32
  }
  func.func @transform_1(%arg0: i32) -> (i32, i32) {
    %c0_i32 = arith.constant 0 : i32
    %c0_i32_0 = arith.constant 0 : i32
    return %arg0, %c0_i32 : i32, i32
  }
  func.func @transform_2(%arg0: i32) -> (i32, i32) {
    %c0_i32 = arith.constant 0 : i32
    %c0_i32_0 = arith.constant 0 : i32
    return %arg0, %c0_i32 : i32, i32
  }
  func.func @transform_3(%arg0: i32) -> (i32, i32) {
    %c0_i32 = arith.constant 0 : i32
    %c0_i32_0 = arith.constant 0 : i32
    return %arg0, %c0_i32 : i32, i32
  }
}

module attributes {stable_mosaic.version = 14 : i64} {
  func.func @_tc_a2_body(%arg0: i32, %arg1: memref<2x1000x128xf32, #tpu.memory_space<vmem>>, %arg2: memref<1000x128xf32, #tpu.memory_space<vmem>>, %arg3: memref<1000x1xf32, #tpu.memory_space<vmem>>, %arg4: memref<1x128xf32, #tpu.memory_space<vmem>>, %arg5: memref<128x128xf32, #tpu.memory_space<vmem>>, %arg6: memref<1000x128xf32, #tpu.memory_space<vmem>>) attributes {dimension_semantics = [#tpu.dimension_semantics<arbitrary>], iteration_bounds = array<i64: 10>, scalar_prefetch = 0 : i64, scratch_operands = 0 : i64, tpu.core_type = #tpu.core_type<tc>, window_params = [{transform_indices = @transform_0, window_bounds = array<i64: 2, 1000, 128>}, {transform_indices = @transform_1, window_bounds = array<i64: 1000, 128>}, {transform_indices = @transform_2, window_bounds = array<i64: 1000, 1>}, {pipeline_mode = #tpu.pipeline_mode<synchronous>, transform_indices = @transform_3, window_bounds = array<i64: 1, 128>}, {pipeline_mode = #tpu.pipeline_mode<synchronous>, transform_indices = @transform_4, window_bounds = array<i64: 128, 128>}, {transform_indices = @transform_5, window_bounds = array<i64: 1000, 128>}]} {
    %get3A = arith.constant 0 : index
    %get3A_0 = arith.constant 0 : index
    %get3A_1 = vector.load %arg3[%get3A, %get3A_0] : memref<1000x1xf32, #tpu.memory_space<vmem>>, vector<1000x1xf32>
    %get3A_2 = arith.constant 0 : index
    %get3A_3 = arith.constant 0 : index
    %get3A_4 = arith.constant 0 : index
    %get3A_5 = vector.load %arg1[%get3A_2, %get3A_3, %get3A_4] : memref<2x1000x128xf32, #tpu.memory_space<vmem>>, vector<1x1000x128xf32>
    %get3A_6 = vector.shape_cast %get3A_5 : vector<1x1000x128xf32> to vector<1000x128xf32>
    %get3A_7 = arith.constant 1 : index
    %get3A_8 = arith.constant 0 : index
    %get3A_9 = arith.constant 0 : index
    %get3A_10 = vector.load %arg1[%get3A_7, %get3A_8, %get3A_9] : memref<2x1000x128xf32, #tpu.memory_space<vmem>>, vector<1x1000x128xf32>
    %get3A_11 = vector.shape_cast %get3A_10 : vector<1x1000x128xf32> to vector<1000x128xf32>
    %add3A = arith.addf %get3A_6, %get3A_11 : vector<1000x128xf32>
    %get3A_12 = arith.constant 0 : index
    %get3A_13 = arith.constant 0 : index
    %get3A_14 = vector.load %arg2[%get3A_12, %get3A_13] : memref<1000x128xf32, #tpu.memory_space<vmem>>, vector<1000x128xf32>
    %add3A_15 = arith.addf %add3A, %get3A_14 : vector<1000x128xf32>
    %mul3A = vector.broadcast %get3A_1 : vector<1000x1xf32> to vector<1000x128xf32>
    %mul3A_16 = arith.mulf %add3A_15, %mul3A : vector<1000x128xf32>
    %get3A_17 = arith.constant 0 : index
    %get3A_18 = arith.constant 0 : index
    %get3A_19 = vector.load %arg4[%get3A_17, %get3A_18] : memref<1x128xf32, #tpu.memory_space<vmem>>, vector<1x128xf32>
    %add3A_20 = vector.broadcast %get3A_19 : vector<1x128xf32> to vector<1000x128xf32>
    %add3A_21 = arith.addf %mul3A_16, %add3A_20 : vector<1000x128xf32>
    %get3A_22 = arith.constant 0 : index
    %get3A_23 = arith.constant 0 : index
    %get3A_24 = vector.load %arg5[%get3A_22, %get3A_23] : memref<128x128xf32, #tpu.memory_space<vmem>>, vector<128x128xf32>
    %dot_general3A = arith.constant dense<0.000000e+00> : vector<1000x128xf32>
    %dot_general3A_25 = tpu.matmul %add3A_21, %get3A_24, %dot_general3A {dimension_numbers = #tpu.dot_dimension_numbers<[1], [0], [0], [1], [0, 0, 1, 1], [], []>, transpose_lhs_hint = false} : vector<1000x128xf32>, vector<128x128xf32>, vector<1000x128xf32> -> vector<1000x128xf32>
    %mul3A_26 = vector.broadcast %get3A_1 : vector<1000x1xf32> to vector<1000x128xf32>
    %mul3A_27 = arith.mulf %dot_general3A_25, %mul3A_26 : vector<1000x128xf32>
    %swap3A = arith.constant 0 : index
    %swap3A_28 = arith.constant 0 : index
    %swap3A_29 = vector.load %arg6[%swap3A, %swap3A_28] : memref<1000x128xf32, #tpu.memory_space<vmem>>, vector<1000x128xf32>
    tpu.vector_store %arg6[%swap3A, %swap3A_28], %mul3A_27 {strides = array<i32>} : memref<1000x128xf32, #tpu.memory_space<vmem>>, vector<1000x128xf32>,
    return
  }
  func.func @transform_0(%arg0: i32) -> (i32, i32, i32) {
    %c0_i32 = arith.constant 0 : i32
    %c0_i32_0 = arith.constant 0 : i32
    %c0_i32_1 = arith.constant 0 : i32
    return %c0_i32, %arg0, %c0_i32_0 : i32, i32, i32
  }
  func.func @transform_1(%arg0: i32) -> (i32, i32) {
    %c0_i32 = arith.constant 0 : i32
    %c0_i32_0 = arith.constant 0 : i32
    return %arg0, %c0_i32 : i32, i32
  }
  func.func @transform_2(%arg0: i32) -> (i32, i32) {
    %c0_i32 = arith.constant 0 : i32
    %c0_i32_0 = arith.constant 0 : i32
    return %arg0, %c0_i32 : i32, i32
  }
  func.func @transform_3(%arg0: i32) -> (i32, i32) {
    %c0_i32 = arith.constant 0 : i32
    %c0_i32_0 = arith.constant 0 : i32
    %c0_i32_1 = arith.constant 0 : i32
    return %c0_i32, %c0_i32_0 : i32, i32
  }
  func.func @transform_4(%arg0: i32) -> (i32, i32) {
    %c0_i32 = arith.constant 0 : i32
    %c0_i32_0 = arith.constant 0 : i32
    %c0_i32_1 = arith.constant 0 : i32
    return %c0_i32, %c0_i32_0 : i32, i32
  }
  func.func @transform_5(%arg0: i32) -> (i32, i32) {
    %c0_i32 = arith.constant 0 : i32
    %c0_i32_0 = arith.constant 0 : i32
    return %arg0, %c0_i32 : i32, i32
  }
}

module attributes {stable_mosaic.version = 14 : i64} {
  func.func @_tc_a3_body(%arg0: i32, %arg1: memref<2x1000x128xf32, #tpu.memory_space<vmem>>, %arg2: memref<1000x128xf32, #tpu.memory_space<vmem>>, %arg3: memref<1000x1xf32, #tpu.memory_space<vmem>>, %arg4: memref<1x128xf32, #tpu.memory_space<vmem>>, %arg5: memref<128x40xf32, #tpu.memory_space<vmem>>, %arg6: memref<1x40xf32, #tpu.memory_space<vmem>>, %arg7: memref<1000x40xf32, #tpu.memory_space<vmem>>) attributes {dimension_semantics = [#tpu.dimension_semantics<arbitrary>], iteration_bounds = array<i64: 10>, scalar_prefetch = 0 : i64, scratch_operands = 0 : i64, tpu.core_type = #tpu.core_type<tc>, window_params = [{transform_indices = @transform_0, window_bounds = array<i64: 2, 1000, 128>}, {transform_indices = @transform_1, window_bounds = array<i64: 1000, 128>}, {transform_indices = @transform_2, window_bounds = array<i64: 1000, 1>}, {pipeline_mode = #tpu.pipeline_mode<synchronous>, transform_indices = @transform_3, window_bounds = array<i64: 1, 128>}, {pipeline_mode = #tpu.pipeline_mode<synchronous>, transform_indices = @transform_4, window_bounds = array<i64: 128, 40>}, {pipeline_mode = #tpu.pipeline_mode<synchronous>, transform_indices = @transform_5, window_bounds = array<i64: 1, 40>}, {transform_indices = @transform_6, window_bounds = array<i64: 1000, 40>}]} {
    %get3A = arith.constant 0 : index
    %get3A_0 = arith.constant 0 : index
    %get3A_1 = vector.load %arg3[%get3A, %get3A_0] : memref<1000x1xf32, #tpu.memory_space<vmem>>, vector<1000x1xf32>
    %get3A_2 = arith.constant 0 : index
    %get3A_3 = arith.constant 0 : index
    %get3A_4 = arith.constant 0 : index
    %get3A_5 = vector.load %arg1[%get3A_2, %get3A_3, %get3A_4] : memref<2x1000x128xf32, #tpu.memory_space<vmem>>, vector<1x1000x128xf32>
    %get3A_6 = vector.shape_cast %get3A_5 : vector<1x1000x128xf32> to vector<1000x128xf32>
    %get3A_7 = arith.constant 1 : index
    %get3A_8 = arith.constant 0 : index
    %get3A_9 = arith.constant 0 : index
    %get3A_10 = vector.load %arg1[%get3A_7, %get3A_8, %get3A_9] : memref<2x1000x128xf32, #tpu.memory_space<vmem>>, vector<1x1000x128xf32>
    %get3A_11 = vector.shape_cast %get3A_10 : vector<1x1000x128xf32> to vector<1000x128xf32>
    %add3A = arith.addf %get3A_6, %get3A_11 : vector<1000x128xf32>
    %get3A_12 = arith.constant 0 : index
    %get3A_13 = arith.constant 0 : index
    %get3A_14 = vector.load %arg2[%get3A_12, %get3A_13] : memref<1000x128xf32, #tpu.memory_space<vmem>>, vector<1000x128xf32>
    %add3A_15 = arith.addf %add3A, %get3A_14 : vector<1000x128xf32>
    %mul3A = vector.broadcast %get3A_1 : vector<1000x1xf32> to vector<1000x128xf32>
    %mul3A_16 = arith.mulf %add3A_15, %mul3A : vector<1000x128xf32>
    %get3A_17 = arith.constant 0 : index
    %get3A_18 = arith.constant 0 : index
    %get3A_19 = vector.load %arg4[%get3A_17, %get3A_18] : memref<1x128xf32, #tpu.memory_space<vmem>>, vector<1x128xf32>
    %add3A_20 = vector.broadcast %get3A_19 : vector<1x128xf32> to vector<1000x128xf32>
    %add3A_21 = arith.addf %mul3A_16, %add3A_20 : vector<1000x128xf32>
    %max3A = arith.constant 0.000000e+00 : f32
    %max3A_22 = vector.broadcast %max3A : f32 to vector<1000x128xf32>
    %max3A_23 = arith.maximumf %add3A_21, %max3A_22 : vector<1000x128xf32>
    %get3A_24 = arith.constant 0 : index
    %get3A_25 = arith.constant 0 : index
    %get3A_26 = vector.load %arg5[%get3A_24, %get3A_25] : memref<128x40xf32, #tpu.memory_space<vmem>>, vector<128x40xf32>
    %dot_general3A = arith.constant dense<0.000000e+00> : vector<1000x40xf32>
    %dot_general3A_27 = tpu.matmul %max3A_23, %get3A_26, %dot_general3A {dimension_numbers = #tpu.dot_dimension_numbers<[1], [0], [0], [1], [0, 0, 1, 1], [], []>, transpose_lhs_hint = false} : vector<1000x128xf32>, vector<128x40xf32>, vector<1000x40xf32> -> vector<1000x40xf32>
    %get3A_28 = arith.constant 0 : index
    %get3A_29 = arith.constant 0 : index
    %get3A_30 = vector.load %arg6[%get3A_28, %get3A_29] : memref<1x40xf32, #tpu.memory_space<vmem>>, vector<1x40xf32>
    %add3A_31 = vector.broadcast %get3A_30 : vector<1x40xf32> to vector<1000x40xf32>
    %add3A_32 = arith.addf %dot_general3A_27, %add3A_31 : vector<1000x40xf32>
    %reduce_max3A = arith.constant dense<0xFF800000> : vector<1000xf32>
    %reduce_max3A_33 = vector.multi_reduction <maximumf>, %add3A_32, %reduce_max3A [1] : vector<1000x40xf32> to vector<1000xf32>
    %broadcast_in_dim3A = vector.shape_cast %reduce_max3A_33 : vector<1000xf32> to vector<1000x1xf32>
    %sub3A = vector.broadcast %broadcast_in_dim3A : vector<1000x1xf32> to vector<1000x40xf32>
    %sub3A_34 = arith.subf %add3A_32, %sub3A : vector<1000x40xf32>
    %exp3A = math.exp %sub3A_34 : vector<1000x40xf32>
    %reduce_sum3A = arith.constant dense<0.000000e+00> : vector<1000xf32>
    %reduce_sum3A_35 = vector.multi_reduction <add>, %exp3A, %reduce_sum3A [1] : vector<1000x40xf32> to vector<1000xf32>
    %broadcast_in_dim3A_36 = vector.shape_cast %reduce_sum3A_35 : vector<1000xf32> to vector<1000x1xf32>
    %log3A = math.log %broadcast_in_dim3A_36 : vector<1000x1xf32>
    %sub3A_37 = vector.broadcast %log3A : vector<1000x1xf32> to vector<1000x40xf32>
    %sub3A_38 = arith.subf %sub3A_34, %sub3A_37 : vector<1000x40xf32>
    %swap3A = arith.constant 0 : index
    %swap3A_39 = arith.constant 0 : index
    %swap3A_40 = vector.load %arg7[%swap3A, %swap3A_39] : memref<1000x40xf32, #tpu.memory_space<vmem>>, vector<1000x40xf32>
    tpu.vector_store %arg7[%swap3A, %swap3A_39], %sub3A_38 {strides = array<i32>} : memref<1000x40xf32, #tpu.memory_space<vmem>>, vector<1000x40xf32>,
    return
  }
  func.func @transform_0(%arg0: i32) -> (i32, i32, i32) {
    %c0_i32 = arith.constant 0 : i32
    %c0_i32_0 = arith.constant 0 : i32
    %c0_i32_1 = arith.constant 0 : i32
    return %c0_i32, %arg0, %c0_i32_0 : i32, i32, i32
  }
  func.func @transform_1(%arg0: i32) -> (i32, i32) {
    %c0_i32 = arith.constant 0 : i32
    %c0_i32_0 = arith.constant 0 : i32
    return %arg0, %c0_i32 : i32, i32
  }
  func.func @transform_2(%arg0: i32) -> (i32, i32) {
    %c0_i32 = arith.constant 0 : i32
    %c0_i32_0 = arith.constant 0 : i32
    return %arg0, %c0_i32 : i32, i32
  }
  func.func @transform_3(%arg0: i32) -> (i32, i32) {
    %c0_i32 = arith.constant 0 : i32
    %c0_i32_0 = arith.constant 0 : i32
    %c0_i32_1 = arith.constant 0 : i32
    return %c0_i32, %c0_i32_0 : i32, i32
  }
  func.func @transform_4(%arg0: i32) -> (i32, i32) {
    %c0_i32 = arith.constant 0 : i32
    %c0_i32_0 = arith.constant 0 : i32
    %c0_i32_1 = arith.constant 0 : i32
    return %c0_i32, %c0_i32_0 : i32, i32
  }
  func.func @transform_5(%arg0: i32) -> (i32, i32) {
    %c0_i32 = arith.constant 0 : i32
    %c0_i32_0 = arith.constant 0 : i32
    %c0_i32_1 = arith.constant 0 : i32
    return %c0_i32, %c0_i32_0 : i32, i32
  }
  func.func @transform_6(%arg0: i32) -> (i32, i32) {
    %c0_i32 = arith.constant 0 : i32
    %c0_i32_0 = arith.constant 0 : i32
    return %arg0, %c0_i32 : i32, i32
  }
}

</mosaic_0001>

<sc_bundles>
// kernel: kernel.12.cloned.1.call-start
scs
__scs_entry_jumppad:
0x0: {  	(pc) =	sbr.rel $0x88, $3  }
0x1: {  	(tag) =	ssettag $0x0;
	lr =	simm.s32 $0x1  }
0x2: {  	[smem:$0x3F99] =	sst lr;
	_ =	strace $0xD0000000  }
0x3: {  	_ = 	snop  }
0x4: {  	_ = 	snop  }
0x5: {  	_ = 	snop  }
0x6: {  	_ = 	snop  }
0x7: {  	_ = 	snop  }
__scs_overlays_trampoline_lowered:
0x8: {  	[smem:$0x3FA8] =	sst s0  }
0x9: {  	[smem:$0x3FA9] =	sst s1  }
0xa: {  	[smem:$0x3FAA] =	sst s2  }
0xb: {  	[smem:$0x3FAB] =	sst s3  }
0xc: {  	[smem:$0x3FAC] =	sst s4  }
0xd: {  	[smem:$0x3FAD] =	sst s5  }
0xe: {  	[smem:$0x3FAE] =	sst s6  }
0xf: {  	[smem:$0x3FAF] =	sst s7  }
0x10: {  	[smem:$0x3FB0] =	sst s8  }
0x11: {  	[smem:$0x3FB1] =	sst s9;
	s0 =	simm.s32 @!p0 $0x0  }
0x12: {  	s1 =	sld [smem:$0x3F97];
	s0 =	simm.s32 @p0 $0x1  }
0x13: {  	[smem:$0x3FB2] =	sst s0;
	s0 =	simm.s32 @!p1 $0x0  }
0x14: {  	s2 =	sld [smem:$0x3F96];
	s0 =	simm.s32 @p1 $0x1  }
0x15: {  	[smem:$0x3FB3] =	sst s0;
	s0 =	simm.s32 @!p2 $0x0  }
0x16: {  	s3 =	sld [smem:$0x3FDB];
	s0 =	simm.s32 @p2 $0x1  }
0x17: {  	s4 =	simm.s32 $0x1BF5;
	[smem:$0x3FB5] =	sst s0  }
0x18: {  	s0 =	sld [smem:$0x3F98];
	_ =	swait.ge [sflag:s4], $0x0  }
0x19: {  	s7 =	sld [smem:$0x3F99]  }
0x1a: {  	s8 =	sadd.s32 $0xFFFFE003, lr  }
0x1b: {  	s9 =	sadd.s32 $0xFFFFFEF7, lr;
	s5 =	simm.s32 $0xFFFFFFFF;
	p2 =	slt.u32 s8, $0xFFFFF086  }
0x1c: {  	p1 =	slt.u32 s9, $0xF7A;
	s5 =	simm.s32 @!p2 $0x0  }
0x1d: {  	s5 =	simm.s32 @p1 $0x1;
	p0 =	seq.s32 s7, s2  }
0x1e: {  	s7 =	smul.u32 @!p0 $0xF7A, s2;
	p2 =	seq.s32 @!p0 s5, $0x0  }
0x1f: {  	s9 =	smul.u32 $0xF7A, s1;
	s8 =	simm.s32 @!p0 $0x1BF5;
	p2 =	por !p2, p0  }
0x20: {  	[sflag:s8] =	ssyncset.s32 @!p0 $0xFFFFF086;
	s6 =	sadd.s32 @!p0 s3, s7;
	s7 =	simm.s32 @!p0 $0x108  }
0x21: {  	s3 =	sadd.s32 s3, s9;
	s6 =	sadd.s32 @!p0 $0x88, s6;
	s7 =	simm.s32 @p2 $0x1082  }
0x22: {  	[simem:s7], [sflag:s8] =	dma.local @!p0 [hbm:s6], $0xF7A  }
0x23: {  	s9 =	sor.u32 $0xD0000000, s2;
	s6 =	simm.s32 $0x108;
	_ =	swait.ge @!p0 [sflag:s8], $0x0  }
0x24: {  	s3 =	sadd.s32 $0x88, s3;
	s6 =	simm.s32 @!p1 $0x1082;
	[sflag:s4] =	ssyncset.s32 $0xFFFFF086  }
0x25: {  	[simem:s6], [sflag:s4] =	dma.local [hbm:s3], $0xF7A  }
0x26: {  	[smem:$0x3F99] =	sst s1;
	(tag) =	ssettag s2;
	_ =	strace s9  }
0x27: {  	s1 =	sld [smem:$0x3FA9]  }
0x28: {  	s2 =	sld [smem:$0x3FAA]  }
0x29: {  	s4 =	sld [smem:$0x3FAC]  }
0x2a: {  	p0 =	seq.s32 s5, $0x0;
	s5 =	sld [smem:$0x3FAD]  }
0x2b: {  	s6 =	sld [smem:$0x3FAE]  }
0x2c: {  	s7 =	sld [smem:$0x3FAF]  }
0x2d: {  	s3 =	simm.s32 $0x108;
	s8 =	sld [smem:$0x3FB0]  }
0x2e: {  	s3 =	simm.s32 @!p0 $0x1082;
	s9 =	sld [smem:$0x3FB1]  }
0x2f: {  	lr =	sadd.s32 s0, s3;
	s0 =	sld [smem:$0x3FA8]  }
0x30: {  	s3 =	sld [smem:$0x3FAB]  }
0x31: {  	[smem:$0x3FB4] =	sst s10  }
0x32: {  	s10 =	sld [smem:$0x3FB2];
	_ =	sdelay $0x3  }
0x33: {  	p0 =	seq.s32 s10, $0x1;
	s10 =	sld [smem:$0x3FB4];
	_ =	sdelay $0x3  }
0x34: {  	[smem:$0x3FB4] =	sst s10  }
0x35: {  	s10 =	sld [smem:$0x3FB3];
	_ =	sdelay $0x3  }
0x36: {  	p1 =	seq.s32 s10, $0x1;
	s10 =	sld [smem:$0x3FB4];
	_ =	sdelay $0x3  }
0x37: {  	[smem:$0x3FB4] =	sst s10  }
0x38: {  	s10 =	sld [smem:$0x3FB5]  }
0x39: {  	_ = 	snop;
	(pc) =	sbr.ind lr, $3  }
0x3a: {  	_ = 	snop  }
0x3b: {  	_ = 	snop  }
0x3c: {  	p2 =	seq.s32 s10, $0x1;
	s10 =	sld [smem:$0x3FB4]  }
0x3d: {  	_ =	shalt  }
0x3e: {  	_ =	shalt  }
0x3f: {  	_ =	shalt  }
0x40: {  	_ =	shalt  }
0x41: {  	_ =	shalt  }
0x42: {  	_ =	shalt  }
0x43: {  	_ =	shalt  }
0x44: {  	_ =	shalt  }
0x45: {  	_ =	shalt  }
0x46: {  	_ =	shalt  }
0x47: {  	_ =	shalt  }
0x48: {  	_ =	shalt  }
0x49: {  	_ =	shalt  }
0x4a: {  	_ =	shalt  }
0x4b: {  	_ =	shalt  }
0x4c: {  	_ =	shalt  }
0x4d: {  	_ =	shalt  }
0x4e: {  	_ =	shalt  }
0x4f: {  	_ =	shalt  }
0x50: {  	_ =	shalt  }
0x51: {  	_ =	shalt  }
0x52: {  	_ =	shalt  }
0x53: {  	_ =	shalt  }
0x54: {  	_ =	shalt  }
0x55: {  	_ =	shalt  }
0x56: {  	_ =	shalt  }
0x57: {  	_ =	shalt  }
0x58: {  	_ =	shalt  }
0x59: {  	_ =	shalt  }
0x5a: {  	_ =	shalt  }
0x5b: {  	_ =	shalt  }
0x5c: {  	_ =	shalt  }
0x5d: {  	_ =	shalt  }
0x5e: {  	_ =	shalt  }
0x5f: {  	_ =	shalt  }
0x60: {  	_ =	shalt  }
0x61: {  	_ =	shalt  }
0x62: {  	_ =	shalt  }
0x63: {  	_ =	shalt  }
0x64: {  	_ =	shalt  }
0x65: {  	_ =	shalt  }
0x66: {  	_ =	shalt  }
0x67: {  	_ =	shalt  }
0x68: {  	_ =	shalt  }
0x69: {  	_ =	shalt  }
0x6a: {  	_ =	shalt  }
0x6b: {  	_ =	shalt  }
0x6c: {  	_ =	shalt  }
0x6d: {  	_ =	shalt  }
0x6e: {  	_ =	shalt  }
0x6f: {  	_ =	shalt  }
0x70: {  	_ =	shalt  }
0x71: {  	_ =	shalt  }
0x72: {  	_ =	shalt  }
0x73: {  	_ =	shalt  }
0x74: {  	_ =	shalt  }
0x75: {  	_ =	shalt  }
0x76: {  	_ =	shalt  }
0x77: {  	_ =	shalt  }
0x78: {  	_ =	shalt  }
0x79: {  	_ =	shalt  }
0x7a: {  	_ =	shalt  }
0x7b: {  	_ =	shalt  }
0x7c: {  	_ =	shalt  }
0x7d: {  	_ =	shalt  }
0x7e: {  	_ =	shalt  }
0x7f: {  	_ =	shalt  }
0x80: {  	_ =	shalt  }
0x81: {  	_ =	shalt  }
0x82: {  	_ =	shalt  }
0x83: {  	_ =	shalt  }
0x84: {  	_ =	shalt  }
0x85: {  	_ =	shalt  }
0x86: {  	_ =	shalt  }
0x87: {  	_ =	shalt  }
.Lfunc_end0:
.L_simem_size_0:
called_computation.1_lowered:
.L_overlay_start_0:
0x88: {  	s2 =	sld [smem:$0x3FD9]  }
0x89: {  	s3 =	sld [smem:$0x3FFE];
	_ =	sdelay $0x1  }
0x8a: {  	s1 =	srdreg.scid  }
0x8b: {  	s0 =	sand.u32 $0x1, s1  }
0x8c: {  	s17 =	sshll.u32 s0, $0xA;
	s2 =	sadd.s32 s3, s2  }
0x8d: {  	s2 =	sadd.s32 s2, s17  }
0x8e: {  	[smem:$0x3FC0] =	sst s2  }
0x8f: {  	_ = 	snop  }
0x90: {  	s2 =	sld [smem:$0x3FD0];
	(tm) =	ssettm $0x1  }
0x91: {  	s18 =	sld [smem:$0x3FFB];
	_ =	sdelay $0x3  }
0x92: {  	_ =	strace s18  }
0x93: {  	s3 =	sld [smem:$0x3FFC];
	_ =	sdelay $0x3  }
0x94: {  	_ =	strace s3  }
0x95: {  	s3 =	sld [smem:$0x3FFD];
	_ =	sdelay $0x3  }
0x96: {  	_ =	strace s3  }
0x97: {  	_ =	strace $0x8FFFFFFF  }
0x98: {  	s19 =	sld [smem:$0x3FDB];
	_ =	sdelay $0x1  }
0x99: {  	s4 =	simm.s32 $_scs_section_size  }
0x9a: {  	s5 =	simm.s32 $_size__tile_overlayer_lowered;
	s6 =	simm.s32 $_tile_overlayer_lowered  }
0x9b: {  	s22 =	simm.s32 $0x1BFF;
	s21 =	sshll.u32 s6, $0x1;
	s3 =	sadd.s32 s4, s19  }
0x9c: {  	s7 =	simm.s32 $0x0;
	s20 =	sshll.u32 s5, $0x1;
	s5 =	sadd.s32 s21, s3  }
0x9d: {  	[timem:s7], [sflag:s22] =	dma.local [hbm:s5], s20  }
0x9e: {  	_ =	swait.ge [sflag:s22], s20  }
0x9f: {  	s4 =	ssub.s32 $0x0, s20;
	[sflag:s22] =	ssyncset.done $0x0  }
0xa0: {  	[sflag:s22] =	ssyncadd.s32 s4;
	_ =	sdelay $0x1  }
0xa1: {  	s23 =	simm.s32 $0x1B8B  }
0xa2: {  	_ =	swait.ge [sflag:s23], $0x1  }
0xa3: {  	[sflag:s23] =	ssyncset.done $0x0  }
0xa4: {  	s25 =	simm.s32 $0x1B8E;
	s24 =	sld [smem:$0x3FFE];
	[sflag:s23] =	ssyncadd.s32 $0xFFFFFFFF  }
0xa5: {  	s26 =	simm.s32 $execute0_lowered;
	[smem:$0x3FD2] =	sst s25  }
0xa6: {  	s5 =	sshll.u32 s26, $0x1;
	_ =	strace $0x80000049;
	[dreg:$0x1] =	wrdreg $0xFFFFFFFF  }
0xa7: {  	s28 =	simm.s32 $_size_execute0_lowered;
	s3 =	sadd.s32 s3, s5;
	[dreg:$0x0] =	wrdreg $0x0  }
0xa8: {  	s5 =	sshll.u32 s28, $0x1;
	[dreg:$0x2] =	wrdreg s3  }
0xa9: {  	[dreg:$0x3] =	wrdreg s5  }
0xaa: {  	[dreg:$0x4] =	wrdreg $0xC0  }
0xab: {  	_ =	task [dreg:s7], $0x5FFFF  }
0xac: {  	[dreg:$0x1] =	wrdreg $0xFFFFFFFF  }
0xad: {  	[dreg:$0x0] =	wrdreg $0x60  }
0xae: {  	[dreg:$0x2] =	wrdreg s24  }
0xaf: {  	[dreg:$0x3] =	wrdreg s2  }
0xb0: {  	[dreg:$0x4] =	wrdreg $0xC0000  }
0xb1: {  	[dreg:$0x5] =	wrdreg $0x9  }
0xb2: {  	_ =	task.clear_ibuf [dreg:s7], $0x6FFFF;
	_ =	strace $0x90000049  }
0xb3: {  	s29 =	simm.s32 $0x9;
	_ =	strace $0x8000004B  }
0xb4: {  	_ =	swait.ge [sflag:s29], $0x1  }
0xb5: {  	[sflag:s29] =	ssyncadd.s32 $0xFFFFFFFF  }
0xb6: {  	_ =	strace $0x9000004B  }
0xb7: {  	_ =	sfence  }
0xb8: {  	s30 =	sld [smem:$0x0];
	_ =	sdelay $0x2  }
0xb9: {  	s31 =	sshll.u32 s1, $0xD;
	s1 =	sshrl.u32 s1, $0x2  }
0xba: {  	s3 =	sand.u32 $0x4000, s31;
	s1 =	sadd.s32 s1, s30  }
0xbb: {  	s0 =	sor.u32 s3, s0;
	s1 =	sshll.u32 s1, $0x11  }
0xbc: {  	s0 =	sor.u32 s1, s0  }
0xbd: {  	s0 =	sadd.s32 $0x8F2B, s0  }
0xbe: {  	[sflag:s0] =	ssyncadd.remote.s32 $0x1  }
0xbf: {  	_ =	sfence.sel $0xFFFF  }
0xc0: {  	[dreg:$0x0] =	wrdreg $0xFFFFFFFF;
	(pc) =	sbr.abs _section_cstart, $3  }
0xc1: {  	[dreg:$0x1] =	wrdreg $0xFFFFFFFF  }
0xc2: {  	_ =	task.clear_ibuf [dreg:s7], $0x2FFFF;
	_ =	strace $0x9FFFFFFF  }
0xc3: {  	(tm) =	ssettm $0x7FFFFFFF  }
tec
execute0_lowered:
.L_overlay_start_1:
0x0: {  	(tag) =	ssettag $0x1  }
0x1: {  	s0 =	rddreg [dreg:$0x0]  }
0x2: {  	s1 =	rddreg [dreg:$0x1];
	s3 =	srdreg.scid  }
0x3: {  	s2 =	rddreg [dreg:$0x2];
	s18 =	stileid.u32;
	s15 =	simm.s32 $0x7  }
0x4: {  	s17 =	simm.s32 $0x50;
	s5 =	sand.u32 $0x1, s3;
	s6 =	smul.u32 $0x2700, s18  }
0x5: {  	s3 =	simm.s32 $0x0;
	s12 =	sadd.s32 $0x6BA00, s0;
	s13 =	smul.u32 $0x4E000, s18  }
0x6: {  	s29 =	smul.u32 $0x13800, s18;
	p1 =	seq.s32 s18, $0xF;
	s4 =	sshll.u32 s5, $0x4  }
0x7: {  	[smem:$0x7FF] =	sst s3;
	s23 =	ssub.s32 $0x2, s5;
	s25 =	smul.u32 $0x138800, s5  }
0x8: {  	s16 =	sor.u32 s18, s4;
	_ =	strace $0x8000004A;
	s4 =	sadd.s32 $0x44800, s0  }
0x9: {  	s9 =	sadd.s32 s6, s0;
	s24 =	sshrl.u32 s23, $0x1;
	s28 =	sshrl.u32 s13, $0x2  }
0xa: {  	s7 =	smul.u32 $0x2800, s16;
	s8 =	sshll.u32 s16, $0xB;
	s14 =	ssub.s32 s23, s24  }
0xb: {  	s5 =	sadd.s32 s28, s2;
	s30 =	sadd.s32 $0x1D600, s9;
	s13 =	sadd.s32 s29, s25  }
0xc: {  	p6 =	seq.s32 s16, $0x1F;
	s23 =	simm.s32 $0x5;
	[dreg:$0x6] =	wrdreg s5  }
0xd: {  	s24 =	simm.s32 $0x6;
	s11 =	sadd.s32 s8, s0;
	[dreg:$0x7] =	wrdreg s30  }
0xe: {  	s5 =	sadd.s32 $0x124800, s2;
	s0 =	sadd.s32 $0x41F00, s0;
	s31 =	sshrl.u32 s13, $0x3  }
0xf: {  	s14 =	smax.u32 s14, $0x1;
	s22 =	ssub.s32 $0x4E200, s7;
	s7 =	sshrl.u32 s7, $0x3  }
0x10: {  	s26 =	sadd.s32 $0xD600, s11;
	[dreg:$0x8] =	wrdreg s0;
	s11 =	sadd.s32 $0xDA00, s11  }
0x11: {  	s0 =	sadd.s32 s12, s31;
	s20 =	sshrl.u32 @p1 s5, $0x3;
	[dreg:$0x5] =	wrdreg s26  }
0x12: {  	s10 =	smulhi.u32 $0x3333334, s22;
	s1 =	sadd.s32 s1, s7;
	[dreg:$0x9] =	wrdreg s0  }
0x13: {  	s0 =	sshll.u32 @!p1 s18, $0x6;
	s22 =	simm.s32 $0x4;
	[dreg:$0x4] =	wrdreg s1  }
0x14: {  	s1 =	sshrl.u32 s25, $0x3;
	s21 =	sor.u32 @!p1 $0x1C07, s0;
	s0 =	simm.s32 @!p1 $0x0  }
0x15: {  	s25 =	simm.s32 $0x0;
	s1 =	sadd.s32 s12, s1;
	s0 =	simm.s32 @p1 $0x1  }
0x16: {  	s7 =	smin.u32 s10, $0x80;
	s13 =	sadd.s32 $0x24900, s1;
	[smem:$0x7FD] =	sst s0  }
.LBB2_1:
0x17: {  	s0 =	rddreg [dreg:$0x4]  }
0x18: {  	[tilespmem:s3], [sflag:$0x7] =	stream.linear.gather [hbm4b:s0+s3], $0x2800, $0x38;
	[tilespmem:$0x1F8C0] =	vst v63  }
0x19: {  	_ =	swait.ge [sflag:s15], $0x2800  }
0x1a: {  	[sflag:s15] =	ssyncset.done $0x0  }
0x1b: {  	s1 =	simm.s32 $0x2800;
	s18 =	rddreg [dreg:$0x5];
	[sflag:s15] =	ssyncadd.s32 $0xFFFFD800  }
0x1c: {  	[tilespmem:s1], [sflag:$0x7] =	stream.linear.gather [hbm4b:s18+s3], $0x2000, $0x38;
	[tilespmem:$0x1F8C0] =	vst v63  }
0x1d: {  	_ =	swait.ge [sflag:s15], $0x2000  }
0x1e: {  	[sflag:s15] =	ssyncset.done $0x0  }
0x1f: {  	s19 =	simm.s32 $0x4800;
	[sflag:s15] =	ssyncadd.s32 $0xFFFFE000  }
0x20: {  	[tilespmem:s19], [sflag:$0x1] =	stream.indirect.gather [hbm4b:s4+s17], $0x80, s3, s17, $0xb8;
	[tilespmem:$0x1F8C0] =	vst v63  }
0x21: {  	s26 =	simm.s32 $0x7000;
	s0 =	simm.s32 @p1 $0x1FC7;
	s1 =	rddreg [dreg:$0x8]  }
0x22: {  	[tilespmem:s26], [sflag:$0x2] =	stream.indirect.gather [hbm4b:s4+s17], $0x80, s17, s17, $0xb8;
	[tilespmem:$0x1F8C0] =	vst v63  }
0x23: {  	[spmem:s20], [sflag:s0] =	dma.local @p1 [hbm:s1], $0x2800  }
0x24: {  	s0 =	simm.s32 @p1 $0x7  }
0x25: {  	_ =	swait.ge @p1 [sflag:s0], $0x2800  }
0x26: {  	[sflag:s0] =	ssyncset.done @p1 $0x0  }
0x27: {  	[sflag:s0] =	ssyncadd.s32 @p1 $0xFFFFD800;
	s0 =	rddreg [dreg:$0x6]  }
0x28: {  	s26 =	sshrl.u32 @!p1 s0, $0x3;
	s0 =	rddreg [dreg:$0x7]  }
0x29: {  	[spmem:s26], [sflag:s21] =	dma.local @!p1 [hbm:s0], $0x2700  }
0x2a: {  	s0 =	simm.s32 @!p1 $0x7  }
0x2b: {  	p2 =	sle.u32 s7, $0x2;
	_ =	swait.ge @!p1 [sflag:s0], $0x2700  }
0x2c: {  	p0 =	por @!p2 $0x1, $0x1;
	[sflag:s0] =	ssyncset.done @!p1 $0x0  }
0x2d: {  	p3 =	por p0, p2;
	[sflag:s0] =	ssyncadd.s32 @!p1 $0xFFFFD900  }
0x2e: {  	s0 =	simm.s32 @!p3 $0x6;
	[bflag:$0x0] =	sbarrier.arrive $0xFFFF  }
0x2f: {  	s5 =	simm.s32 $0xFFFFE000;
	s28 =	simm.s32 @!p2 $0x9800;
	_ =	swait.ge @!p3 [sflag:s0], $0x2800  }
0x30: {  	s29 =	simm.s32 @!p2 $0x50;
	p1 =	sle.u32 s7, $0x0;
	[sflag:s0] =	ssyncset.done @!p3 $0x0  }
0x31: {  	s1 =	simm.s32 @!p2 $0xA0;
	[sflag:s0] =	ssyncadd.s32 @!p3 $0xFFFFD800;
	p3 =	por @!p1 $0x0, $0x0  }
0x32: {  	s16 =	simm.s32 @!p1 $0x1;
	s0 =	simm.s32 @!p1 $0x0;
	p3 =	por !p3, p1  }
0x33: {  	[tilespmem:s28], [sflag:$0x3] =	stream.indirect.gather @!p2 [hbm4b:s4+s29], $0x80, s1, s29, $0xb8;
	[tilespmem:$0x1F8C0] =	vst v63  }
0x34: {  	s5 =	smov.u32 @p3 s0;
	p3 =	sle.u32 s7, $0x3;
	_ =	swait.ge @!p1 [sflag:s16], $0x2800  }
0x35: {  	s0 =	simm.s32 @!p1 $0x50;
	s1 =	sadd.s32 @!p1 $0x2800, s5;
	[sflag:s16] =	ssyncset.done @!p1 $0x0  }
0x36: {  	s5 =	simm.s32 @!p3 $0x4;
	[sflag:s16] =	ssyncadd.s32 @!p1 $0xFFFFD800;
	s16 =	simm.s32 @!p1 $0x4800  }
0x37: {  	[spmem:s2] =	stream.indirect.scatter.add.f32 @!p1 [tilespmem:s16], [sflag:$0x4], $0x80, s1, s0, $0xb8;
	[tilespmem:$0x1F8C0] =	vst v63  }
0x38: {  	p0 =	por @!p6 $0x1, $0x1;
	s18 =	simm.s32 @!p3 $0x50;
	_ =	swait.ge @!p3 [sflag:s5], $0x2800  }
0x39: {  	s0 =	simm.s32 @!p3 $0x4800;
	s1 =	simm.s32 @!p3 $0xF0;
	[sflag:s5] =	ssyncset.done @!p3 $0x0  }
0x3a: {  	p1 =	por p0, p6;
	p0 =	sle.u32 s7, $0x1;
	[sflag:s5] =	ssyncadd.s32 @!p3 $0xFFFFD800  }
0x3b: {  	[tilespmem:s0], [sflag:$0x1] =	stream.indirect.gather @!p3 [hbm4b:s4+s18], $0x80, s1, s18, $0xb8;
	[tilespmem:$0x1F8C0] =	vst v63  }
0x3c: {  	s19 =	simm.s32 @!p1 $0x0;
	s0 =	simm.s32 @!p1 $0x2800;
	s1 =	simm.s32 @!p1 $0x7  }
0x3d: {  	[tilespmem:s0], [sflag:$0x7] =	stream.linear.gather @!p1 [hbm4b:s11+s19], $0x2000, $0x38;
	[tilespmem:$0x1F8C0] =	vst v63  }
0x3e: {  	s16 =	simm.s32 $0x1;
	p3 =	por @!p0 $0x0, $0x0;
	_ =	swait.ge @!p1 [sflag:s1], $0x2000  }
0x3f: {  	p3 =	por !p3, p0;
	s0 =	simm.s32 @!p0 $0x7FFFC1;
	[sflag:s1] =	ssyncset.done @!p1 $0x0  }
0x40: {  	s0 =	smov.u32 @p3 s16;
	[sflag:s1] =	ssyncadd.s32 @!p1 $0xFFFFE000;
	s1 =	simm.s32 @!p0 $0x2  }
0x41: {  	s5 =	simm.s32 @!p0 $0x50;
	s0 =	sshll.u32 @!p0 s0, $0x9;
	_ =	swait.ge @!p0 [sflag:s1], $0x2800  }
0x42: {  	s16 =	simm.s32 @!p0 $0x7000;
	s0 =	sshra.s32 @!p0 s0, $0x2;
	[sflag:s1] =	ssyncset.done @!p0 $0x0  }
0x43: {  	p1 =	sle.u32 s7, $0x4;
	s0 =	sadd.s32 @!p0 $0x2800, s0;
	[sflag:s1] =	ssyncadd.s32 @!p0 $0xFFFFD800  }
0x44: {  	[spmem:s2] =	stream.indirect.scatter.add.f32 @!p0 [tilespmem:s16], [sflag:$0x5], $0x80, s0, s5, $0xb8;
	[tilespmem:$0x1F8C0] =	vst v63  }
0x45: {  	s30 =	simm.s32 $0xFFFFE000;
	s1 =	simm.s32 @!p1 $0x5;
	p0 =	por @!p2 $0x0, $0x0  }
0x46: {  	s0 =	simm.s32 $0x7FFFC2;
	s5 =	simm.s32 $0x2;
	p0 =	por !p0, p2  }
0x47: {  	s16 =	simm.s32 @!p1 $0x7000;
	_ =	swait.ge @!p1 [sflag:s1], $0x2800;
	s0 =	smov.u32 @p0 s5  }
0x48: {  	s5 =	simm.s32 $0x140;
	[sflag:s1] =	ssyncset.done @!p1 $0x0;
	p0 =	por @!p6 $0x1, $0x1  }
0x49: {  	[sflag:s1] =	ssyncadd.s32 @!p1 $0xFFFFD800;
	s1 =	simm.s32 @!p1 $0x50;
	s0 =	sshll.u32 @!p2 s0, $0x9  }
0x4a: {  	[tilespmem:s16], [sflag:$0x2] =	stream.indirect.gather @!p1 [hbm4b:s4+s1], $0x80, s5, s1, $0xb8;
	[tilespmem:$0x1F8C0] =	vst v63  }
0x4b: {  	p4 =	por p2, p2;
	p5 =	por p0, p6;
	s0 =	sshra.s32 @!p2 s0, $0x2  }
0x4c: {  	s1 =	simm.s32 @!p5 $0x0;
	s16 =	simm.s32 @!p5 $0x2800;
	s5 =	simm.s32 @!p5 $0x7  }
0x4d: {  	[tilespmem:s16], [sflag:$0x7] =	stream.linear.gather @!p5 [hbm4b:s11+s1], $0x2000, $0x38;
	[tilespmem:$0x1F8C0] =	vst v63  }
0x4e: {  	s31 =	simm.s32 $0x7FFFC5;
	s19 =	sadd.s32 @!p4 $0x2800, s0;
	_ =	swait.ge @!p5 [sflag:s5], $0x2000  }
0x4f: {  	s0 =	simm.s32 $0x230;
	s1 =	simm.s32 $0x0;
	[sflag:s5] =	ssyncset.done @!p5 $0x0  }
.LBB2_2:
0x50: {  	s16 =	smov.u32 s31;
	s31 =	sadd.s32 $0x3, s31  }
0x51: {  	s1 =	sadd.s32 $0x1, s1;
	s18 =	sadd.s32 $0xFF800040, s16;
	p0 =	sne.s32 s31, $0x800043  }
0x52: {  	s30 =	sadd.s32 $0x180, s30;
	s6 =	simm.s32 @!p0 $0x0;
	p3 =	sge.u32 s18, s7  }
0x53: {  	[sflag:s5] =	ssyncadd.s32 @!p5 $0xFFFFE000;
	s6 =	simm.s32 @p0 $0x1;
	p1 =	sgt.u32 @!p3 s1, $0x14  }
0x54: {  	s5 =	simm.s32 @!p4 $0x3;
	[smem:$0x7FC] =	sst s6;
	s6 =	simm.s32 @!p1 $0x0  }
0x55: {  	s8 =	sadd.s32 $0xFF800041, s16;
	s10 =	sadd.s32 $0xFF80003E, s16;
	s6 =	simm.s32 @p1 $0x1  }
0x56: {  	p5 =	por p6, p6;
	p0 =	seq.s32 @!p3 s16, $0x7FFFC2;
	[smem:$0x7FB] =	sst s6  }
0x57: {  	p1 =	por p0, p3;
	p0 =	sge.u32 s10, s7;
	_ =	swait.ge @!p4 [sflag:s5], $0x2800  }
0x58: {  	s6 =	simm.s32 @!p1 $0x6;
	p2 =	sgt.u32 @!p0 s1, $0x15;
	[sflag:s5] =	ssyncset.done @!p4 $0x0  }
0x59: {  	p2 =	por !p2, p0;
	[sflag:s5] =	ssyncadd.s32 @!p4 $0xFFFFD800;
	s5 =	simm.s32 @!p0 $0x1  }
0x5a: {  	[spmem:s2] =	stream.indirect.scatter.add.f32 @!p4 [tilespmem:s28], [sflag:$0x6], $0x80, s19, s29, $0xb8;
	[tilespmem:$0x1F8C0] =	vst v63  }
0x5b: {  	s28 =	simm.s32 @!p3 $0x9800;
	p4 =	sge.u32 s8, s7;
	_ =	swait.ge @!p1 [sflag:s6], $0x2800  }
0x5c: {  	s8 =	sadd.s32 @!p3 $0xFFFFFF60, s0;
	s19 =	sadd.s32 @!p0 $0x2000, s30;
	[sflag:s6] =	ssyncset.done @!p1 $0x0  }
0x5d: {  	s29 =	simm.s32 @!p3 $0x50;
	[sflag:s6] =	ssyncadd.s32 @!p1 $0xFFFFD800;
	s6 =	smov.u32 s30  }
0x5e: {  	[tilespmem:s28], [sflag:$0x3] =	stream.indirect.gather @!p3 [hbm4b:s4+s29], $0x80, s8, s29, $0xb8;
	[tilespmem:$0x1F8C0] =	vst v63  }
0x5f: {  	p6 =	sne.s32 @!p6 s16, $0x800001;
	s6 =	smov.u32 @p2 s19;
	_ =	swait.ge @!p0 [sflag:s5], $0x2800  }
0x60: {  	s19 =	simm.s32 @!p0 $0x50;
	s8 =	simm.s32 @!p4 $0x4;
	[sflag:s5] =	ssyncset.done @!p0 $0x0  }
0x61: {  	s6 =	sadd.s32 @!p0 $0x2800, s6;
	[sflag:s5] =	ssyncadd.s32 @!p0 $0xFFFFD800;
	s5 =	simm.s32 @!p0 $0x4800  }
0x62: {  	[spmem:s2] =	stream.indirect.scatter.add.f32 @!p0 [tilespmem:s5], [sflag:$0x4], $0x80, s6, s19, $0xb8;
	[tilespmem:$0x1F8C0] =	vst v63  }
0x63: {  	s9 =	simm.s32 @!p4 $0x50;
	s10 =	simm.s32 @!p4 $0x4800;
	_ =	swait.ge @!p4 [sflag:s8], $0x2800  }
0x64: {  	s12 =	sadd.s32 @!p4 $0xFFFFFFB0, s0;
	s5 =	sadd.s32 $0xFF80003F, s16;
	[sflag:s8] =	ssyncset.done @!p4 $0x0  }
0x65: {  	p0 =	por p6, p5;
	p6 =	sge.u32 s5, s7;
	[sflag:s8] =	ssyncadd.s32 @!p4 $0xFFFFD800  }
0x66: {  	[tilespmem:s10], [sflag:$0x1] =	stream.indirect.gather @!p4 [hbm4b:s4+s9], $0x80, s12, s9, $0xb8;
	[tilespmem:$0x1F8C0] =	vst v63  }
0x67: {  	s6 =	simm.s32 @!p0 $0x0;
	p1 =	sgt.u32 @!p6 s1, $0x14;
	s12 =	sld [smem:$0x7FB]  }
0x68: {  	s19 =	simm.s32 @!p0 $0x2800;
	s8 =	simm.s32 @!p0 $0x7;
	p1 =	por !p1, p6  }
0x69: {  	[tilespmem:s19], [sflag:$0x7] =	stream.linear.gather @!p0 [hbm4b:s11+s6], $0x2000, $0x38;
	[tilespmem:$0x1F8C0] =	vst v63  }
0x6a: {  	s9 =	sadd.s32 @!p6 $0xFFFFFFFF, s16;
	s10 =	simm.s32 @!p6 $0x7000;
	p4 =	seq.s32 s12, $0x1  }
0x6b: {  	s6 =	smov.u32 s16;
	_ =	swait.ge @!p0 [sflag:s8], $0x2000;
	p2 =	por !p4, p3  }
0x6c: {  	s9 =	smov.u32 @p1 s5;
	[sflag:s8] =	ssyncset.done @!p0 $0x0;
	s6 =	smov.u32 @p2 s18  }
0x6d: {  	[sflag:s8] =	ssyncadd.s32 @!p0 $0xFFFFE000;
	s5 =	sshll.u32 @!p3 s6, $0x9;
	s6 =	simm.s32 @!p6 $0x2  }
0x6e: {  	s19 =	sadd.s32 $0xFF800042, s16;
	s8 =	sshll.u32 @!p6 s9, $0x9;
	_ =	swait.ge @!p6 [sflag:s6], $0x2800  }
0x6f: {  	s9 =	simm.s32 @!p6 $0x50;
	s8 =	sshra.s32 @!p6 s8, $0x2;
	[sflag:s6] =	ssyncset.done @!p6 $0x0  }
0x70: {  	p0 =	sge.u32 s19, s7;
	[sflag:s6] =	ssyncadd.s32 @!p6 $0xFFFFD800;
	s6 =	sadd.s32 @!p6 $0x2800, s8  }
0x71: {  	[spmem:s2] =	stream.indirect.scatter.add.f32 @!p6 [tilespmem:s10], [sflag:$0x5], $0x80, s6, s9, $0xb8;
	[tilespmem:$0x1F8C0] =	vst v63  }
0x72: {  	p4 =	por p3, p3;
	s5 =	sshra.s32 @!p3 s5, $0x2;
	s6 =	simm.s32 @!p0 $0x5  }
0x73: {  	p1 =	sne.s32 @!p5 s16, $0x800000;
	s19 =	sadd.s32 @!p4 $0x2800, s5;
	_ =	swait.ge @!p0 [sflag:s6], $0x2800  }
0x74: {  	s5 =	simm.s32 @!p0 $0x7000;
	p6 =	por p5, p5;
	[sflag:s6] =	ssyncset.done @!p0 $0x0  }
0x75: {  	p5 =	por p1, p5;
	[sflag:s6] =	ssyncadd.s32 @!p0 $0xFFFFD800;
	s6 =	simm.s32 @!p0 $0x50  }
0x76: {  	[tilespmem:s5], [sflag:$0x2] =	stream.indirect.gather @!p0 [hbm4b:s4+s6], $0x80, s0, s6, $0xb8;
	[tilespmem:$0x1F8C0] =	vst v63  }
0x77: {  	s8 =	simm.s32 @!p5 $0x2800;
	s6 =	simm.s32 @!p5 $0x0;
	s5 =	simm.s32 @!p5 $0x7  }
0x78: {  	[tilespmem:s8], [sflag:$0x7] =	stream.linear.gather @!p5 [hbm4b:s11+s6], $0x2000, $0x38;
	[tilespmem:$0x1F8C0] =	vst v63  }
0x79: {  	_ =	swait.ge @!p5 [sflag:s5], $0x2000  }
0x7a: {  	s18 =	sld [smem:$0x7FC];
	_ =	sdelay $0x2  }
0x7b: {  	p0 =	seq.s32 s18, $0x1  }
.Ltmp0:
0x7c: {  	_ = 	snop;
	(pc) =	sbr.rel @p0 .LBB2_2-.Ltmp0, $2  }
0x7d: {  	_ =	sdelay $0x2  }
0x7e: {  	s0 =	sadd.s32 $0xF0, s0;
	[sflag:s5] =	ssyncset.done @!p5 $0x0  }
0x7f: {  	[sflag:s5] =	ssyncadd.s32 @!p5 $0xFFFFE000;
	s0 =	simm.s32 @!p4 $0x3  }
0x80: {  	_ =	swait.ge @!p4 [sflag:s0], $0x2800  }
0x81: {  	[sflag:s0] =	ssyncset.done @!p4 $0x0  }
0x82: {  	[sflag:s0] =	ssyncadd.s32 @!p4 $0xFFFFD800  }
0x83: {  	[spmem:s2] =	stream.indirect.scatter.add.f32 @!p4 [tilespmem:s28], [sflag:$0x6], $0x80, s19, s29, $0xb8;
	[tilespmem:$0x1F8C0] =	vst v63  }
0x84: {  	_ =	swait.ge [sflag:s22], $0x2800  }
0x85: {  	[sflag:s22] =	ssyncset.done $0x0  }
0x86: {  	[sflag:s22] =	ssyncadd.s32 $0xFFFFD800  }
0x87: {  	_ =	swait.ge [sflag:s23], $0x2800  }
0x88: {  	[sflag:s23] =	ssyncset.done $0x0  }
0x89: {  	[sflag:s23] =	ssyncadd.s32 $0xFFFFD800  }
0x8a: {  	_ =	swait.ge [sflag:s24], $0x2800  }
0x8b: {  	[sflag:s24] =	ssyncset.done $0x0  }
0x8c: {  	[sflag:s24] =	ssyncadd.s32 $0xFFFFD800  }
0x8d: {  	[bflag:$0x0] =	sbarrier.arrive $0xFFFF  }
0x8e: {  	s31 =	sld [smem:$0x7FD];
	_ =	sdelay $0x2  }
0x8f: {  	p1 =	seq.s32 s31, $0x1  }
0x90: {  	s0 =	simm.s32 @p1 $0x1FC7  }
0x91: {  	[hbm:s13], [sflag:s0] =	dma.local @p1 [spmem:s20], $0x2800  }
0x92: {  	s0 =	simm.s32 @p1 $0x7  }
0x93: {  	_ =	swait.ge @p1 [sflag:s0], $0x2800  }
0x94: {  	s25 =	sadd.s32 $0x1, s25;
	[sflag:s0] =	ssyncset.done @p1 $0x0  }
0x95: {  	p0 =	sne.s32 s25, s14;
	[sflag:s0] =	ssyncadd.s32 @p1 $0xFFFFD800;
	s0 =	rddreg [dreg:$0x9]  }
0x96: {  	[hbm:s0], [sflag:s21] =	dma.local @!p1 [spmem:s26], $0x2700  }
.Ltmp1:
0x97: {  	_ = 	snop;
	(pc) =	sbr.rel @p0 .LBB2_1-.Ltmp1, $4  }
0x98: {  	s0 =	simm.s32 @!p1 $0x7  }
0x99: {  	_ =	swait.ge @!p1 [sflag:s0], $0x2700  }
0x9a: {  	[sflag:s0] =	ssyncset.done @!p1 $0x0  }
0x9b: {  	[sflag:s0] =	ssyncadd.s32 @!p1 $0xFFFFD900  }
0x9c: {  	_ =	sfence.sel $0x180000  }
0x9d: {  	[bflag:$0x0] =	sbarrier.arrive $0xFFFF  }
0x9e: {  	_ =	strace $0x9000004A  }
0x9f: {  	s0 =	stileid.u32;
	[bflag:$0x2] =	sbarrier.arrive $0xFFFF  }
0xa0: {  	p0 =	sne.s32 s0, $0x0;
	s0 =	rddreg [dreg:$0x3]  }
0xa1: {  	s0 =	sadd.s32 @!p0 $0x100000, s0  }
0xa2: {  	[sflag:s0] =	ssyncadd.tile.s32 @!p0 $0x1;
	_ =	shalt  }
.Lfunc_end2:
_tile_overlayer_lowered:
.L_overlay_start_2:
0xa3: {  	(tag) =	ssettag $0x2  }
0xa4: {  	s0 =	rddreg [dreg:$0x0];
	s2 =	stileid.u32  }
0xa5: {  	s1 =	rddreg [dreg:$0x1];
	p0 =	sne.s32 s2, $0x0  }
0xa6: {  	s3 =	rddreg [dreg:$0x2];
	[bflag:$0x3] =	sbarrier.arrive $0xFFFF;
	s2 =	simm.s32 @!p0 $0x1C07  }
0xa7: {  	[timem:s3], [sflag:s2] =	dma.local @!p0 [hbm:s0], s1  }
0xa8: {  	s0 =	simm.s32 @!p0 $0x7  }
0xa9: {  	_ =	swait.ge @!p0 [sflag:s0], s1  }
0xaa: {  	s1 =	ssub.s32 @!p0 $0x0, s1;
	[sflag:s0] =	ssyncset.done @!p0 $0x0  }
0xab: {  	[sflag:s0] =	ssyncadd.s32 @!p0 s1  }
0xac: {  	[bflag:$0x3] =	sbarrier.arrive $0xFFFF  }
0xad: {  	_ =	shalt  }

// kernel: kernel.15.cloned.1.call-start
scs
__scs_entry_jumppad:
0x0: {  	(pc) =	sbr.rel $0x88, $3  }
0x1: {  	(tag) =	ssettag $0x0;
	lr =	simm.s32 $0x1  }
0x2: {  	[smem:$0x3F99] =	sst lr;
	_ =	strace $0xD0000000  }
0x3: {  	_ = 	snop  }
0x4: {  	_ = 	snop  }
0x5: {  	_ = 	snop  }
0x6: {  	_ = 	snop  }
0x7: {  	_ = 	snop  }
__scs_overlays_trampoline_lowered:
0x8: {  	[smem:$0x3FA8] =	sst s0  }
0x9: {  	[smem:$0x3FA9] =	sst s1  }
0xa: {  	[smem:$0x3FAA] =	sst s2  }
0xb: {  	[smem:$0x3FAB] =	sst s3  }
0xc: {  	[smem:$0x3FAC] =	sst s4  }
0xd: {  	[smem:$0x3FAD] =	sst s5  }
0xe: {  	[smem:$0x3FAE] =	sst s6  }
0xf: {  	[smem:$0x3FAF] =	sst s7  }
0x10: {  	[smem:$0x3FB0] =	sst s8  }
0x11: {  	[smem:$0x3FB1] =	sst s9;
	s0 =	simm.s32 @!p0 $0x0  }
0x12: {  	s1 =	sld [smem:$0x3F97];
	s0 =	simm.s32 @p0 $0x1  }
0x13: {  	[smem:$0x3FB2] =	sst s0;
	s0 =	simm.s32 @!p1 $0x0  }
0x14: {  	s2 =	sld [smem:$0x3F96];
	s0 =	simm.s32 @p1 $0x1  }
0x15: {  	[smem:$0x3FB3] =	sst s0;
	s0 =	simm.s32 @!p2 $0x0  }
0x16: {  	s3 =	sld [smem:$0x3FDB];
	s0 =	simm.s32 @p2 $0x1  }
0x17: {  	s4 =	simm.s32 $0x1BF5;
	[smem:$0x3FB5] =	sst s0  }
0x18: {  	s0 =	sld [smem:$0x3F98];
	_ =	swait.ge [sflag:s4], $0x0  }
0x19: {  	s7 =	sld [smem:$0x3F99]  }
0x1a: {  	s8 =	sadd.s32 $0xFFFFE003, lr  }
0x1b: {  	s9 =	sadd.s32 $0xFFFFFEF7, lr;
	s5 =	simm.s32 $0xFFFFFFFF;
	p2 =	slt.u32 s8, $0xFFFFF086  }
0x1c: {  	p1 =	slt.u32 s9, $0xF7A;
	s5 =	simm.s32 @!p2 $0x0  }
0x1d: {  	s5 =	simm.s32 @p1 $0x1;
	p0 =	seq.s32 s7, s2  }
0x1e: {  	s7 =	smul.u32 @!p0 $0xF7A, s2;
	p2 =	seq.s32 @!p0 s5, $0x0  }
0x1f: {  	s9 =	smul.u32 $0xF7A, s1;
	s8 =	simm.s32 @!p0 $0x1BF5;
	p2 =	por !p2, p0  }
0x20: {  	[sflag:s8] =	ssyncset.s32 @!p0 $0xFFFFF086;
	s6 =	sadd.s32 @!p0 s3, s7;
	s7 =	simm.s32 @!p0 $0x108  }
0x21: {  	s3 =	sadd.s32 s3, s9;
	s6 =	sadd.s32 @!p0 $0x88, s6;
	s7 =	simm.s32 @p2 $0x1082  }
0x22: {  	[simem:s7], [sflag:s8] =	dma.local @!p0 [hbm:s6], $0xF7A  }
0x23: {  	s9 =	sor.u32 $0xD0000000, s2;
	s6 =	simm.s32 $0x108;
	_ =	swait.ge @!p0 [sflag:s8], $0x0  }
0x24: {  	s3 =	sadd.s32 $0x88, s3;
	s6 =	simm.s32 @!p1 $0x1082;
	[sflag:s4] =	ssyncset.s32 $0xFFFFF086  }
0x25: {  	[simem:s6], [sflag:s4] =	dma.local [hbm:s3], $0xF7A  }
0x26: {  	[smem:$0x3F99] =	sst s1;
	(tag) =	ssettag s2;
	_ =	strace s9  }
0x27: {  	s1 =	sld [smem:$0x3FA9]  }
0x28: {  	s2 =	sld [smem:$0x3FAA]  }
0x29: {  	s4 =	sld [smem:$0x3FAC]  }
0x2a: {  	p0 =	seq.s32 s5, $0x0;
	s5 =	sld [smem:$0x3FAD]  }
0x2b: {  	s6 =	sld [smem:$0x3FAE]  }
0x2c: {  	s7 =	sld [smem:$0x3FAF]  }
0x2d: {  	s3 =	simm.s32 $0x108;
	s8 =	sld [smem:$0x3FB0]  }
0x2e: {  	s3 =	simm.s32 @!p0 $0x1082;
	s9 =	sld [smem:$0x3FB1]  }
0x2f: {  	lr =	sadd.s32 s0, s3;
	s0 =	sld [smem:$0x3FA8]  }
0x30: {  	s3 =	sld [smem:$0x3FAB]  }
0x31: {  	[smem:$0x3FB4] =	sst s10  }
0x32: {  	s10 =	sld [smem:$0x3FB2];
	_ =	sdelay $0x3  }
0x33: {  	p0 =	seq.s32 s10, $0x1;
	s10 =	sld [smem:$0x3FB4];
	_ =	sdelay $0x3  }
0x34: {  	[smem:$0x3FB4] =	sst s10  }
0x35: {  	s10 =	sld [smem:$0x3FB3];
	_ =	sdelay $0x3  }
0x36: {  	p1 =	seq.s32 s10, $0x1;
	s10 =	sld [smem:$0x3FB4];
	_ =	sdelay $0x3  }
0x37: {  	[smem:$0x3FB4] =	sst s10  }
0x38: {  	s10 =	sld [smem:$0x3FB5]  }
0x39: {  	_ = 	snop;
	(pc) =	sbr.ind lr, $3  }
0x3a: {  	_ = 	snop  }
0x3b: {  	_ = 	snop  }
0x3c: {  	p2 =	seq.s32 s10, $0x1;
	s10 =	sld [smem:$0x3FB4]  }
0x3d: {  	_ =	shalt  }
0x3e: {  	_ =	shalt  }
0x3f: {  	_ =	shalt  }
0x40: {  	_ =	shalt  }
0x41: {  	_ =	shalt  }
0x42: {  	_ =	shalt  }
0x43: {  	_ =	shalt  }
0x44: {  	_ =	shalt  }
0x45: {  	_ =	shalt  }
0x46: {  	_ =	shalt  }
0x47: {  	_ =	shalt  }
0x48: {  	_ =	shalt  }
0x49: {  	_ =	shalt  }
0x4a: {  	_ =	shalt  }
0x4b: {  	_ =	shalt  }
0x4c: {  	_ =	shalt  }
0x4d: {  	_ =	shalt  }
0x4e: {  	_ =	shalt  }
0x4f: {  	_ =	shalt  }
0x50: {  	_ =	shalt  }
0x51: {  	_ =	shalt  }
0x52: {  	_ =	shalt  }
0x53: {  	_ =	shalt  }
0x54: {  	_ =	shalt  }
0x55: {  	_ =	shalt  }
0x56: {  	_ =	shalt  }
0x57: {  	_ =	shalt  }
0x58: {  	_ =	shalt  }
0x59: {  	_ =	shalt  }
0x5a: {  	_ =	shalt  }
0x5b: {  	_ =	shalt  }
0x5c: {  	_ =	shalt  }
0x5d: {  	_ =	shalt  }
0x5e: {  	_ =	shalt  }
0x5f: {  	_ =	shalt  }
0x60: {  	_ =	shalt  }
0x61: {  	_ =	shalt  }
0x62: {  	_ =	shalt  }
0x63: {  	_ =	shalt  }
0x64: {  	_ =	shalt  }
0x65: {  	_ =	shalt  }
0x66: {  	_ =	shalt  }
0x67: {  	_ =	shalt  }
0x68: {  	_ =	shalt  }
0x69: {  	_ =	shalt  }
0x6a: {  	_ =	shalt  }
0x6b: {  	_ =	shalt  }
0x6c: {  	_ =	shalt  }
0x6d: {  	_ =	shalt  }
0x6e: {  	_ =	shalt  }
0x6f: {  	_ =	shalt  }
0x70: {  	_ =	shalt  }
0x71: {  	_ =	shalt  }
0x72: {  	_ =	shalt  }
0x73: {  	_ =	shalt  }
0x74: {  	_ =	shalt  }
0x75: {  	_ =	shalt  }
0x76: {  	_ =	shalt  }
0x77: {  	_ =	shalt  }
0x78: {  	_ =	shalt  }
0x79: {  	_ =	shalt  }
0x7a: {  	_ =	shalt  }
0x7b: {  	_ =	shalt  }
0x7c: {  	_ =	shalt  }
0x7d: {  	_ =	shalt  }
0x7e: {  	_ =	shalt  }
0x7f: {  	_ =	shalt  }
0x80: {  	_ =	shalt  }
0x81: {  	_ =	shalt  }
0x82: {  	_ =	shalt  }
0x83: {  	_ =	shalt  }
0x84: {  	_ =	shalt  }
0x85: {  	_ =	shalt  }
0x86: {  	_ =	shalt  }
0x87: {  	_ =	shalt  }
.Lfunc_end0:
.L_simem_size_0:
called_computation.2_lowered:
.L_overlay_start_0:
0x88: {  	s2 =	sld [smem:$0x3FD9]  }
0x89: {  	s3 =	sld [smem:$0x3FFE];
	_ =	sdelay $0x1  }
0x8a: {  	s1 =	srdreg.scid  }
0x8b: {  	s0 =	sand.u32 $0x1, s1  }
0x8c: {  	s17 =	sshll.u32 s0, $0xA;
	s2 =	sadd.s32 s3, s2  }
0x8d: {  	s2 =	sadd.s32 s2, s17  }
0x8e: {  	[smem:$0x3FC0] =	sst s2  }
0x8f: {  	_ = 	snop  }
0x90: {  	s2 =	sld [smem:$0x3FD0];
	(tm) =	ssettm $0x1  }
0x91: {  	s18 =	sld [smem:$0x3FFB];
	_ =	sdelay $0x3  }
0x92: {  	_ =	strace s18  }
0x93: {  	s3 =	sld [smem:$0x3FFC];
	_ =	sdelay $0x3  }
0x94: {  	_ =	strace s3  }
0x95: {  	s3 =	sld [smem:$0x3FFD];
	_ =	sdelay $0x3  }
0x96: {  	_ =	strace s3  }
0x97: {  	_ =	strace $0x8FFFFFFF  }
0x98: {  	s19 =	sld [smem:$0x3FDB];
	_ =	sdelay $0x1  }
0x99: {  	s4 =	simm.s32 $_scs_section_size  }
0x9a: {  	s5 =	simm.s32 $_size__tile_overlayer_lowered;
	s6 =	simm.s32 $_tile_overlayer_lowered  }
0x9b: {  	s22 =	simm.s32 $0x1BFF;
	s21 =	sshll.u32 s6, $0x1;
	s3 =	sadd.s32 s4, s19  }
0x9c: {  	s7 =	simm.s32 $0x0;
	s20 =	sshll.u32 s5, $0x1;
	s5 =	sadd.s32 s21, s3  }
0x9d: {  	[timem:s7], [sflag:s22] =	dma.local [hbm:s5], s20  }
0x9e: {  	_ =	swait.ge [sflag:s22], s20  }
0x9f: {  	s4 =	ssub.s32 $0x0, s20;
	[sflag:s22] =	ssyncset.done $0x0  }
0xa0: {  	[sflag:s22] =	ssyncadd.s32 s4;
	_ =	sdelay $0x1  }
0xa1: {  	s23 =	simm.s32 $0x1B8B  }
0xa2: {  	_ =	swait.ge [sflag:s23], $0x1  }
0xa3: {  	[sflag:s23] =	ssyncset.done $0x0  }
0xa4: {  	s25 =	simm.s32 $0x1B8E;
	s24 =	sld [smem:$0x3FFE];
	[sflag:s23] =	ssyncadd.s32 $0xFFFFFFFF  }
0xa5: {  	s26 =	simm.s32 $execute0_lowered;
	[smem:$0x3FD2] =	sst s25  }
0xa6: {  	s5 =	sshll.u32 s26, $0x1;
	_ =	strace $0x8000004C;
	[dreg:$0x1] =	wrdreg $0xFFFFFFFF  }
0xa7: {  	s28 =	simm.s32 $_size_execute0_lowered;
	s3 =	sadd.s32 s3, s5;
	[dreg:$0x0] =	wrdreg $0x0  }
0xa8: {  	s5 =	sshll.u32 s28, $0x1;
	[dreg:$0x2] =	wrdreg s3  }
0xa9: {  	[dreg:$0x3] =	wrdreg s5  }
0xaa: {  	[dreg:$0x4] =	wrdreg $0xC0  }
0xab: {  	_ =	task [dreg:s7], $0x5FFFF  }
0xac: {  	[dreg:$0x1] =	wrdreg $0xFFFFFFFF  }
0xad: {  	[dreg:$0x0] =	wrdreg $0x60  }
0xae: {  	[dreg:$0x2] =	wrdreg s24  }
0xaf: {  	[dreg:$0x3] =	wrdreg s2  }
0xb0: {  	[dreg:$0x4] =	wrdreg $0xC0000  }
0xb1: {  	[dreg:$0x5] =	wrdreg $0x9  }
0xb2: {  	_ =	task.clear_ibuf [dreg:s7], $0x6FFFF;
	_ =	strace $0x9000004C  }
0xb3: {  	s29 =	simm.s32 $0x9;
	_ =	strace $0x8000004E  }
0xb4: {  	_ =	swait.ge [sflag:s29], $0x1  }
0xb5: {  	[sflag:s29] =	ssyncadd.s32 $0xFFFFFFFF  }
0xb6: {  	_ =	strace $0x9000004E  }
0xb7: {  	_ =	sfence  }
0xb8: {  	s30 =	sld [smem:$0x0];
	_ =	sdelay $0x2  }
0xb9: {  	s31 =	sshll.u32 s1, $0xD;
	s1 =	sshrl.u32 s1, $0x2  }
0xba: {  	s3 =	sand.u32 $0x4000, s31;
	s1 =	sadd.s32 s1, s30  }
0xbb: {  	s0 =	sor.u32 s3, s0;
	s1 =	sshll.u32 s1, $0x11  }
0xbc: {  	s0 =	sor.u32 s1, s0  }
0xbd: {  	s0 =	sadd.s32 $0x8F2B, s0  }
0xbe: {  	[sflag:s0] =	ssyncadd.remote.s32 $0x1  }
0xbf: {  	_ =	sfence.sel $0xFFFF  }
0xc0: {  	[dreg:$0x0] =	wrdreg $0xFFFFFFFF;
	(pc) =	sbr.abs _section_cstart, $3  }
0xc1: {  	[dreg:$0x1] =	wrdreg $0xFFFFFFFF  }
0xc2: {  	_ =	task.clear_ibuf [dreg:s7], $0x2FFFF;
	_ =	strace $0x9FFFFFFF  }
0xc3: {  	(tm) =	ssettm $0x7FFFFFFF  }
tec
execute0_lowered:
.L_overlay_start_1:
0x0: {  	(tag) =	ssettag $0x1  }
0x1: {  	s0 =	rddreg [dreg:$0x0]  }
0x2: {  	s1 =	rddreg [dreg:$0x1];
	s3 =	srdreg.scid  }
0x3: {  	s2 =	rddreg [dreg:$0x2];
	s18 =	stileid.u32;
	s15 =	simm.s32 $0x7  }
0x4: {  	s17 =	simm.s32 $0x50;
	s5 =	sand.u32 $0x1, s3;
	s6 =	smul.u32 $0x2700, s18  }
0x5: {  	s3 =	simm.s32 $0x0;
	s12 =	sadd.s32 $0x6BA00, s0;
	s13 =	smul.u32 $0x4E000, s18  }
0x6: {  	s29 =	smul.u32 $0x13800, s18;
	p1 =	seq.s32 s18, $0xF;
	s4 =	sshll.u32 s5, $0x4  }
0x7: {  	[smem:$0x7FF] =	sst s3;
	s23 =	ssub.s32 $0x2, s5;
	s25 =	smul.u32 $0x138800, s5  }
0x8: {  	s16 =	sor.u32 s18, s4;
	_ =	strace $0x8000004D;
	s4 =	sadd.s32 $0x44800, s0  }
0x9: {  	s9 =	sadd.s32 s6, s0;
	s24 =	sshrl.u32 s23, $0x1;
	s28 =	sshrl.u32 s13, $0x2  }
0xa: {  	s7 =	smul.u32 $0x2800, s16;
	s8 =	sshll.u32 s16, $0xB;
	s14 =	ssub.s32 s23, s24  }
0xb: {  	s5 =	sadd.s32 s28, s2;
	s30 =	sadd.s32 $0x1D600, s9;
	s13 =	sadd.s32 s29, s25  }
0xc: {  	p6 =	seq.s32 s16, $0x1F;
	s23 =	simm.s32 $0x5;
	[dreg:$0x6] =	wrdreg s5  }
0xd: {  	s24 =	simm.s32 $0x6;
	s11 =	sadd.s32 s8, s0;
	[dreg:$0x7] =	wrdreg s30  }
0xe: {  	s5 =	sadd.s32 $0x124800, s2;
	s0 =	sadd.s32 $0x41F00, s0;
	s31 =	sshrl.u32 s13, $0x3  }
0xf: {  	s14 =	smax.u32 s14, $0x1;
	s22 =	ssub.s32 $0x4E200, s7;
	s7 =	sshrl.u32 s7, $0x3  }
0x10: {  	s26 =	sadd.s32 $0xD600, s11;
	[dreg:$0x8] =	wrdreg s0;
	s11 =	sadd.s32 $0xDA00, s11  }
0x11: {  	s0 =	sadd.s32 s12, s31;
	s20 =	sshrl.u32 @p1 s5, $0x3;
	[dreg:$0x5] =	wrdreg s26  }
0x12: {  	s10 =	smulhi.u32 $0x3333334, s22;
	s1 =	sadd.s32 s1, s7;
	[dreg:$0x9] =	wrdreg s0  }
0x13: {  	s0 =	sshll.u32 @!p1 s18, $0x6;
	s22 =	simm.s32 $0x4;
	[dreg:$0x4] =	wrdreg s1  }
0x14: {  	s1 =	sshrl.u32 s25, $0x3;
	s21 =	sor.u32 @!p1 $0x1C07, s0;
	s0 =	simm.s32 @!p1 $0x0  }
0x15: {  	s25 =	simm.s32 $0x0;
	s1 =	sadd.s32 s12, s1;
	s0 =	simm.s32 @p1 $0x1  }
0x16: {  	s7 =	smin.u32 s10, $0x80;
	s13 =	sadd.s32 $0x24900, s1;
	[smem:$0x7FD] =	sst s0  }
.LBB2_1:
0x17: {  	s0 =	rddreg [dreg:$0x4]  }
0x18: {  	[tilespmem:s3], [sflag:$0x7] =	stream.linear.gather [hbm4b:s0+s3], $0x2800, $0x38;
	[tilespmem:$0x1F8C0] =	vst v63  }
0x19: {  	_ =	swait.ge [sflag:s15], $0x2800  }
0x1a: {  	[sflag:s15] =	ssyncset.done $0x0  }
0x1b: {  	s1 =	simm.s32 $0x2800;
	s18 =	rddreg [dreg:$0x5];
	[sflag:s15] =	ssyncadd.s32 $0xFFFFD800  }
0x1c: {  	[tilespmem:s1], [sflag:$0x7] =	stream.linear.gather [hbm4b:s18+s3], $0x2000, $0x38;
	[tilespmem:$0x1F8C0] =	vst v63  }
0x1d: {  	_ =	swait.ge [sflag:s15], $0x2000  }
0x1e: {  	[sflag:s15] =	ssyncset.done $0x0  }
0x1f: {  	s19 =	simm.s32 $0x4800;
	[sflag:s15] =	ssyncadd.s32 $0xFFFFE000  }
0x20: {  	[tilespmem:s19], [sflag:$0x1] =	stream.indirect.gather [hbm4b:s4+s17], $0x80, s3, s17, $0xb8;
	[tilespmem:$0x1F8C0] =	vst v63  }
0x21: {  	s26 =	simm.s32 $0x7000;
	s0 =	simm.s32 @p1 $0x1FC7;
	s1 =	rddreg [dreg:$0x8]  }
0x22: {  	[tilespmem:s26], [sflag:$0x2] =	stream.indirect.gather [hbm4b:s4+s17], $0x80, s17, s17, $0xb8;
	[tilespmem:$0x1F8C0] =	vst v63  }
0x23: {  	[spmem:s20], [sflag:s0] =	dma.local @p1 [hbm:s1], $0x2800  }
0x24: {  	s0 =	simm.s32 @p1 $0x7  }
0x25: {  	_ =	swait.ge @p1 [sflag:s0], $0x2800  }
0x26: {  	[sflag:s0] =	ssyncset.done @p1 $0x0  }
0x27: {  	[sflag:s0] =	ssyncadd.s32 @p1 $0xFFFFD800;
	s0 =	rddreg [dreg:$0x6]  }
0x28: {  	s26 =	sshrl.u32 @!p1 s0, $0x3;
	s0 =	rddreg [dreg:$0x7]  }
0x29: {  	[spmem:s26], [sflag:s21] =	dma.local @!p1 [hbm:s0], $0x2700  }
0x2a: {  	s0 =	simm.s32 @!p1 $0x7  }
0x2b: {  	p2 =	sle.u32 s7, $0x2;
	_ =	swait.ge @!p1 [sflag:s0], $0x2700  }
0x2c: {  	p0 =	por @!p2 $0x1, $0x1;
	[sflag:s0] =	ssyncset.done @!p1 $0x0  }
0x2d: {  	p3 =	por p0, p2;
	[sflag:s0] =	ssyncadd.s32 @!p1 $0xFFFFD900  }
0x2e: {  	s0 =	simm.s32 @!p3 $0x6;
	[bflag:$0x0] =	sbarrier.arrive $0xFFFF  }
0x2f: {  	s5 =	simm.s32 $0xFFFFE000;
	s28 =	simm.s32 @!p2 $0x9800;
	_ =	swait.ge @!p3 [sflag:s0], $0x2800  }
0x30: {  	s29 =	simm.s32 @!p2 $0x50;
	p1 =	sle.u32 s7, $0x0;
	[sflag:s0] =	ssyncset.done @!p3 $0x0  }
0x31: {  	s1 =	simm.s32 @!p2 $0xA0;
	[sflag:s0] =	ssyncadd.s32 @!p3 $0xFFFFD800;
	p3 =	por @!p1 $0x0, $0x0  }
0x32: {  	s16 =	simm.s32 @!p1 $0x1;
	s0 =	simm.s32 @!p1 $0x0;
	p3 =	por !p3, p1  }
0x33: {  	[tilespmem:s28], [sflag:$0x3] =	stream.indirect.gather @!p2 [hbm4b:s4+s29], $0x80, s1, s29, $0xb8;
	[tilespmem:$0x1F8C0] =	vst v63  }
0x34: {  	s5 =	smov.u32 @p3 s0;
	p3 =	sle.u32 s7, $0x3;
	_ =	swait.ge @!p1 [sflag:s16], $0x2800  }
0x35: {  	s0 =	simm.s32 @!p1 $0x50;
	s1 =	sadd.s32 @!p1 $0x2800, s5;
	[sflag:s16] =	ssyncset.done @!p1 $0x0  }
0x36: {  	s5 =	simm.s32 @!p3 $0x4;
	[sflag:s16] =	ssyncadd.s32 @!p1 $0xFFFFD800;
	s16 =	simm.s32 @!p1 $0x4800  }
0x37: {  	[spmem:s2] =	stream.indirect.scatter.add.f32 @!p1 [tilespmem:s16], [sflag:$0x4], $0x80, s1, s0, $0xb8;
	[tilespmem:$0x1F8C0] =	vst v63  }
0x38: {  	p0 =	por @!p6 $0x1, $0x1;
	s18 =	simm.s32 @!p3 $0x50;
	_ =	swait.ge @!p3 [sflag:s5], $0x2800  }
0x39: {  	s0 =	simm.s32 @!p3 $0x4800;
	s1 =	simm.s32 @!p3 $0xF0;
	[sflag:s5] =	ssyncset.done @!p3 $0x0  }
0x3a: {  	p1 =	por p0, p6;
	p0 =	sle.u32 s7, $0x1;
	[sflag:s5] =	ssyncadd.s32 @!p3 $0xFFFFD800  }
0x3b: {  	[tilespmem:s0], [sflag:$0x1] =	stream.indirect.gather @!p3 [hbm4b:s4+s18], $0x80, s1, s18, $0xb8;
	[tilespmem:$0x1F8C0] =	vst v63  }
0x3c: {  	s19 =	simm.s32 @!p1 $0x0;
	s0 =	simm.s32 @!p1 $0x2800;
	s1 =	simm.s32 @!p1 $0x7  }
0x3d: {  	[tilespmem:s0], [sflag:$0x7] =	stream.linear.gather @!p1 [hbm4b:s11+s19], $0x2000, $0x38;
	[tilespmem:$0x1F8C0] =	vst v63  }
0x3e: {  	s16 =	simm.s32 $0x1;
	p3 =	por @!p0 $0x0, $0x0;
	_ =	swait.ge @!p1 [sflag:s1], $0x2000  }
0x3f: {  	p3 =	por !p3, p0;
	s0 =	simm.s32 @!p0 $0x7FFFC1;
	[sflag:s1] =	ssyncset.done @!p1 $0x0  }
0x40: {  	s0 =	smov.u32 @p3 s16;
	[sflag:s1] =	ssyncadd.s32 @!p1 $0xFFFFE000;
	s1 =	simm.s32 @!p0 $0x2  }
0x41: {  	s5 =	simm.s32 @!p0 $0x50;
	s0 =	sshll.u32 @!p0 s0, $0x9;
	_ =	swait.ge @!p0 [sflag:s1], $0x2800  }
0x42: {  	s16 =	simm.s32 @!p0 $0x7000;
	s0 =	sshra.s32 @!p0 s0, $0x2;
	[sflag:s1] =	ssyncset.done @!p0 $0x0  }
0x43: {  	p1 =	sle.u32 s7, $0x4;
	s0 =	sadd.s32 @!p0 $0x2800, s0;
	[sflag:s1] =	ssyncadd.s32 @!p0 $0xFFFFD800  }
0x44: {  	[spmem:s2] =	stream.indirect.scatter.add.f32 @!p0 [tilespmem:s16], [sflag:$0x5], $0x80, s0, s5, $0xb8;
	[tilespmem:$0x1F8C0] =	vst v63  }
0x45: {  	s30 =	simm.s32 $0xFFFFE000;
	s1 =	simm.s32 @!p1 $0x5;
	p0 =	por @!p2 $0x0, $0x0  }
0x46: {  	s0 =	simm.s32 $0x7FFFC2;
	s5 =	simm.s32 $0x2;
	p0 =	por !p0, p2  }
0x47: {  	s16 =	simm.s32 @!p1 $0x7000;
	_ =	swait.ge @!p1 [sflag:s1], $0x2800;
	s0 =	smov.u32 @p0 s5  }
0x48: {  	s5 =	simm.s32 $0x140;
	[sflag:s1] =	ssyncset.done @!p1 $0x0;
	p0 =	por @!p6 $0x1, $0x1  }
0x49: {  	[sflag:s1] =	ssyncadd.s32 @!p1 $0xFFFFD800;
	s1 =	simm.s32 @!p1 $0x50;
	s0 =	sshll.u32 @!p2 s0, $0x9  }
0x4a: {  	[tilespmem:s16], [sflag:$0x2] =	stream.indirect.gather @!p1 [hbm4b:s4+s1], $0x80, s5, s1, $0xb8;
	[tilespmem:$0x1F8C0] =	vst v63  }
0x4b: {  	p4 =	por p2, p2;
	p5 =	por p0, p6;
	s0 =	sshra.s32 @!p2 s0, $0x2  }
0x4c: {  	s1 =	simm.s32 @!p5 $0x0;
	s16 =	simm.s32 @!p5 $0x2800;
	s5 =	simm.s32 @!p5 $0x7  }
0x4d: {  	[tilespmem:s16], [sflag:$0x7] =	stream.linear.gather @!p5 [hbm4b:s11+s1], $0x2000, $0x38;
	[tilespmem:$0x1F8C0] =	vst v63  }
0x4e: {  	s31 =	simm.s32 $0x7FFFC5;
	s19 =	sadd.s32 @!p4 $0x2800, s0;
	_ =	swait.ge @!p5 [sflag:s5], $0x2000  }
0x4f: {  	s0 =	simm.s32 $0x230;
	s1 =	simm.s32 $0x0;
	[sflag:s5] =	ssyncset.done @!p5 $0x0  }
.LBB2_2:
0x50: {  	s16 =	smov.u32 s31;
	s31 =	sadd.s32 $0x3, s31  }
0x51: {  	s1 =	sadd.s32 $0x1, s1;
	s18 =	sadd.s32 $0xFF800040, s16;
	p0 =	sne.s32 s31, $0x800043  }
0x52: {  	s30 =	sadd.s32 $0x180, s30;
	s6 =	simm.s32 @!p0 $0x0;
	p3 =	sge.u32 s18, s7  }
0x53: {  	[sflag:s5] =	ssyncadd.s32 @!p5 $0xFFFFE000;
	s6 =	simm.s32 @p0 $0x1;
	p1 =	sgt.u32 @!p3 s1, $0x14  }
0x54: {  	s5 =	simm.s32 @!p4 $0x3;
	[smem:$0x7FC] =	sst s6;
	s6 =	simm.s32 @!p1 $0x0  }
0x55: {  	s8 =	sadd.s32 $0xFF800041, s16;
	s10 =	sadd.s32 $0xFF80003E, s16;
	s6 =	simm.s32 @p1 $0x1  }
0x56: {  	p5 =	por p6, p6;
	p0 =	seq.s32 @!p3 s16, $0x7FFFC2;
	[smem:$0x7FB] =	sst s6  }
0x57: {  	p1 =	por p0, p3;
	p0 =	sge.u32 s10, s7;
	_ =	swait.ge @!p4 [sflag:s5], $0x2800  }
0x58: {  	s6 =	simm.s32 @!p1 $0x6;
	p2 =	sgt.u32 @!p0 s1, $0x15;
	[sflag:s5] =	ssyncset.done @!p4 $0x0  }
0x59: {  	p2 =	por !p2, p0;
	[sflag:s5] =	ssyncadd.s32 @!p4 $0xFFFFD800;
	s5 =	simm.s32 @!p0 $0x1  }
0x5a: {  	[spmem:s2] =	stream.indirect.scatter.add.f32 @!p4 [tilespmem:s28], [sflag:$0x6], $0x80, s19, s29, $0xb8;
	[tilespmem:$0x1F8C0] =	vst v63  }
0x5b: {  	s28 =	simm.s32 @!p3 $0x9800;
	p4 =	sge.u32 s8, s7;
	_ =	swait.ge @!p1 [sflag:s6], $0x2800  }
0x5c: {  	s8 =	sadd.s32 @!p3 $0xFFFFFF60, s0;
	s19 =	sadd.s32 @!p0 $0x2000, s30;
	[sflag:s6] =	ssyncset.done @!p1 $0x0  }
0x5d: {  	s29 =	simm.s32 @!p3 $0x50;
	[sflag:s6] =	ssyncadd.s32 @!p1 $0xFFFFD800;
	s6 =	smov.u32 s30  }
0x5e: {  	[tilespmem:s28], [sflag:$0x3] =	stream.indirect.gather @!p3 [hbm4b:s4+s29], $0x80, s8, s29, $0xb8;
	[tilespmem:$0x1F8C0] =	vst v63  }
0x5f: {  	p6 =	sne.s32 @!p6 s16, $0x800001;
	s6 =	smov.u32 @p2 s19;
	_ =	swait.ge @!p0 [sflag:s5], $0x2800  }
0x60: {  	s19 =	simm.s32 @!p0 $0x50;
	s8 =	simm.s32 @!p4 $0x4;
	[sflag:s5] =	ssyncset.done @!p0 $0x0  }
0x61: {  	s6 =	sadd.s32 @!p0 $0x2800, s6;
	[sflag:s5] =	ssyncadd.s32 @!p0 $0xFFFFD800;
	s5 =	simm.s32 @!p0 $0x4800  }
0x62: {  	[spmem:s2] =	stream.indirect.scatter.add.f32 @!p0 [tilespmem:s5], [sflag:$0x4], $0x80, s6, s19, $0xb8;
	[tilespmem:$0x1F8C0] =	vst v63  }
0x63: {  	s9 =	simm.s32 @!p4 $0x50;
	s10 =	simm.s32 @!p4 $0x4800;
	_ =	swait.ge @!p4 [sflag:s8], $0x2800  }
0x64: {  	s12 =	sadd.s32 @!p4 $0xFFFFFFB0, s0;
	s5 =	sadd.s32 $0xFF80003F, s16;
	[sflag:s8] =	ssyncset.done @!p4 $0x0  }
0x65: {  	p0 =	por p6, p5;
	p6 =	sge.u32 s5, s7;
	[sflag:s8] =	ssyncadd.s32 @!p4 $0xFFFFD800  }
0x66: {  	[tilespmem:s10], [sflag:$0x1] =	stream.indirect.gather @!p4 [hbm4b:s4+s9], $0x80, s12, s9, $0xb8;
	[tilespmem:$0x1F8C0] =	vst v63  }
0x67: {  	s6 =	simm.s32 @!p0 $0x0;
	p1 =	sgt.u32 @!p6 s1, $0x14;
	s12 =	sld [smem:$0x7FB]  }
0x68: {  	s19 =	simm.s32 @!p0 $0x2800;
	s8 =	simm.s32 @!p0 $0x7;
	p1 =	por !p1, p6  }
0x69: {  	[tilespmem:s19], [sflag:$0x7] =	stream.linear.gather @!p0 [hbm4b:s11+s6], $0x2000, $0x38;
	[tilespmem:$0x1F8C0] =	vst v63  }
0x6a: {  	s9 =	sadd.s32 @!p6 $0xFFFFFFFF, s16;
	s10 =	simm.s32 @!p6 $0x7000;
	p4 =	seq.s32 s12, $0x1  }
0x6b: {  	s6 =	smov.u32 s16;
	_ =	swait.ge @!p0 [sflag:s8], $0x2000;
	p2 =	por !p4, p3  }
0x6c: {  	s9 =	smov.u32 @p1 s5;
	[sflag:s8] =	ssyncset.done @!p0 $0x0;
	s6 =	smov.u32 @p2 s18  }
0x6d: {  	[sflag:s8] =	ssyncadd.s32 @!p0 $0xFFFFE000;
	s5 =	sshll.u32 @!p3 s6, $0x9;
	s6 =	simm.s32 @!p6 $0x2  }
0x6e: {  	s19 =	sadd.s32 $0xFF800042, s16;
	s8 =	sshll.u32 @!p6 s9, $0x9;
	_ =	swait.ge @!p6 [sflag:s6], $0x2800  }
0x6f: {  	s9 =	simm.s32 @!p6 $0x50;
	s8 =	sshra.s32 @!p6 s8, $0x2;
	[sflag:s6] =	ssyncset.done @!p6 $0x0  }
0x70: {  	p0 =	sge.u32 s19, s7;
	[sflag:s6] =	ssyncadd.s32 @!p6 $0xFFFFD800;
	s6 =	sadd.s32 @!p6 $0x2800, s8  }
0x71: {  	[spmem:s2] =	stream.indirect.scatter.add.f32 @!p6 [tilespmem:s10], [sflag:$0x5], $0x80, s6, s9, $0xb8;
	[tilespmem:$0x1F8C0] =	vst v63  }
0x72: {  	p4 =	por p3, p3;
	s5 =	sshra.s32 @!p3 s5, $0x2;
	s6 =	simm.s32 @!p0 $0x5  }
0x73: {  	p1 =	sne.s32 @!p5 s16, $0x800000;
	s19 =	sadd.s32 @!p4 $0x2800, s5;
	_ =	swait.ge @!p0 [sflag:s6], $0x2800  }
0x74: {  	s5 =	simm.s32 @!p0 $0x7000;
	p6 =	por p5, p5;
	[sflag:s6] =	ssyncset.done @!p0 $0x0  }
0x75: {  	p5 =	por p1, p5;
	[sflag:s6] =	ssyncadd.s32 @!p0 $0xFFFFD800;
	s6 =	simm.s32 @!p0 $0x50  }
0x76: {  	[tilespmem:s5], [sflag:$0x2] =	stream.indirect.gather @!p0 [hbm4b:s4+s6], $0x80, s0, s6, $0xb8;
	[tilespmem:$0x1F8C0] =	vst v63  }
0x77: {  	s8 =	simm.s32 @!p5 $0x2800;
	s6 =	simm.s32 @!p5 $0x0;
	s5 =	simm.s32 @!p5 $0x7  }
0x78: {  	[tilespmem:s8], [sflag:$0x7] =	stream.linear.gather @!p5 [hbm4b:s11+s6], $0x2000, $0x38;
	[tilespmem:$0x1F8C0] =	vst v63  }
0x79: {  	_ =	swait.ge @!p5 [sflag:s5], $0x2000  }
0x7a: {  	s18 =	sld [smem:$0x7FC];
	_ =	sdelay $0x2  }
0x7b: {  	p0 =	seq.s32 s18, $0x1  }
.Ltmp0:
0x7c: {  	_ = 	snop;
	(pc) =	sbr.rel @p0 .LBB2_2-.Ltmp0, $2  }
0x7d: {  	_ =	sdelay $0x2  }
0x7e: {  	s0 =	sadd.s32 $0xF0, s0;
	[sflag:s5] =	ssyncset.done @!p5 $0x0  }
0x7f: {  	[sflag:s5] =	ssyncadd.s32 @!p5 $0xFFFFE000;
	s0 =	simm.s32 @!p4 $0x3  }
0x80: {  	_ =	swait.ge @!p4 [sflag:s0], $0x2800  }
0x81: {  	[sflag:s0] =	ssyncset.done @!p4 $0x0  }
0x82: {  	[sflag:s0] =	ssyncadd.s32 @!p4 $0xFFFFD800  }
0x83: {  	[spmem:s2] =	stream.indirect.scatter.add.f32 @!p4 [tilespmem:s28], [sflag:$0x6], $0x80, s19, s29, $0xb8;
	[tilespmem:$0x1F8C0] =	vst v63  }
0x84: {  	_ =	swait.ge [sflag:s22], $0x2800  }
0x85: {  	[sflag:s22] =	ssyncset.done $0x0  }
0x86: {  	[sflag:s22] =	ssyncadd.s32 $0xFFFFD800  }
0x87: {  	_ =	swait.ge [sflag:s23], $0x2800  }
0x88: {  	[sflag:s23] =	ssyncset.done $0x0  }
0x89: {  	[sflag:s23] =	ssyncadd.s32 $0xFFFFD800  }
0x8a: {  	_ =	swait.ge [sflag:s24], $0x2800  }
0x8b: {  	[sflag:s24] =	ssyncset.done $0x0  }
0x8c: {  	[sflag:s24] =	ssyncadd.s32 $0xFFFFD800  }
0x8d: {  	[bflag:$0x0] =	sbarrier.arrive $0xFFFF  }
0x8e: {  	s31 =	sld [smem:$0x7FD];
	_ =	sdelay $0x2  }
0x8f: {  	p1 =	seq.s32 s31, $0x1  }
0x90: {  	s0 =	simm.s32 @p1 $0x1FC7  }
0x91: {  	[hbm:s13], [sflag:s0] =	dma.local @p1 [spmem:s20], $0x2800  }
0x92: {  	s0 =	simm.s32 @p1 $0x7  }
0x93: {  	_ =	swait.ge @p1 [sflag:s0], $0x2800  }
0x94: {  	s25 =	sadd.s32 $0x1, s25;
	[sflag:s0] =	ssyncset.done @p1 $0x0  }
0x95: {  	p0 =	sne.s32 s25, s14;
	[sflag:s0] =	ssyncadd.s32 @p1 $0xFFFFD800;
	s0 =	rddreg [dreg:$0x9]  }
0x96: {  	[hbm:s0], [sflag:s21] =	dma.local @!p1 [spmem:s26], $0x2700  }
.Ltmp1:
0x97: {  	_ = 	snop;
	(pc) =	sbr.rel @p0 .LBB2_1-.Ltmp1, $4  }
0x98: {  	s0 =	simm.s32 @!p1 $0x7  }
0x99: {  	_ =	swait.ge @!p1 [sflag:s0], $0x2700  }
0x9a: {  	[sflag:s0] =	ssyncset.done @!p1 $0x0  }
0x9b: {  	[sflag:s0] =	ssyncadd.s32 @!p1 $0xFFFFD900  }
0x9c: {  	_ =	sfence.sel $0x180000  }
0x9d: {  	[bflag:$0x0] =	sbarrier.arrive $0xFFFF  }
0x9e: {  	_ =	strace $0x9000004D  }
0x9f: {  	s0 =	stileid.u32;
	[bflag:$0x2] =	sbarrier.arrive $0xFFFF  }
0xa0: {  	p0 =	sne.s32 s0, $0x0;
	s0 =	rddreg [dreg:$0x3]  }
0xa1: {  	s0 =	sadd.s32 @!p0 $0x100000, s0  }
0xa2: {  	[sflag:s0] =	ssyncadd.tile.s32 @!p0 $0x1;
	_ =	shalt  }
.Lfunc_end2:
_tile_overlayer_lowered:
.L_overlay_start_2:
0xa3: {  	(tag) =	ssettag $0x2  }
0xa4: {  	s0 =	rddreg [dreg:$0x0];
	s2 =	stileid.u32  }
0xa5: {  	s1 =	rddreg [dreg:$0x1];
	p0 =	sne.s32 s2, $0x0  }
0xa6: {  	s3 =	rddreg [dreg:$0x2];
	[bflag:$0x3] =	sbarrier.arrive $0xFFFF;
	s2 =	simm.s32 @!p0 $0x1C07  }
0xa7: {  	[timem:s3], [sflag:s2] =	dma.local @!p0 [hbm:s0], s1  }
0xa8: {  	s0 =	simm.s32 @!p0 $0x7  }
0xa9: {  	_ =	swait.ge @!p0 [sflag:s0], s1  }
0xaa: {  	s1 =	ssub.s32 @!p0 $0x0, s1;
	[sflag:s0] =	ssyncset.done @!p0 $0x0  }
0xab: {  	[sflag:s0] =	ssyncadd.s32 @!p0 s1  }
0xac: {  	[bflag:$0x3] =	sbarrier.arrive $0xFFFF  }
0xad: {  	_ =	shalt  }

// kernel: kernel.9.cloned.1.call-start
scs
__scs_entry_jumppad:
0x0: {  	(pc) =	sbr.rel $0x88, $3  }
0x1: {  	(tag) =	ssettag $0x0;
	lr =	simm.s32 $0x1  }
0x2: {  	[smem:$0x3F99] =	sst lr;
	_ =	strace $0xD0000000  }
0x3: {  	_ = 	snop  }
0x4: {  	_ = 	snop  }
0x5: {  	_ = 	snop  }
0x6: {  	_ = 	snop  }
0x7: {  	_ = 	snop  }
__scs_overlays_trampoline_lowered:
0x8: {  	[smem:$0x3FA8] =	sst s0  }
0x9: {  	[smem:$0x3FA9] =	sst s1  }
0xa: {  	[smem:$0x3FAA] =	sst s2  }
0xb: {  	[smem:$0x3FAB] =	sst s3  }
0xc: {  	[smem:$0x3FAC] =	sst s4  }
0xd: {  	[smem:$0x3FAD] =	sst s5  }
0xe: {  	[smem:$0x3FAE] =	sst s6  }
0xf: {  	[smem:$0x3FAF] =	sst s7  }
0x10: {  	[smem:$0x3FB0] =	sst s8  }
0x11: {  	[smem:$0x3FB1] =	sst s9;
	s0 =	simm.s32 @!p0 $0x0  }
0x12: {  	s1 =	sld [smem:$0x3F97];
	s0 =	simm.s32 @p0 $0x1  }
0x13: {  	[smem:$0x3FB2] =	sst s0;
	s0 =	simm.s32 @!p1 $0x0  }
0x14: {  	s2 =	sld [smem:$0x3F96];
	s0 =	simm.s32 @p1 $0x1  }
0x15: {  	[smem:$0x3FB3] =	sst s0;
	s0 =	simm.s32 @!p2 $0x0  }
0x16: {  	s3 =	sld [smem:$0x3FDB];
	s0 =	simm.s32 @p2 $0x1  }
0x17: {  	s4 =	simm.s32 $0x1BF5;
	[smem:$0x3FB5] =	sst s0  }
0x18: {  	s0 =	sld [smem:$0x3F98];
	_ =	swait.ge [sflag:s4], $0x0  }
0x19: {  	s7 =	sld [smem:$0x3F99]  }
0x1a: {  	s8 =	sadd.s32 $0xFFFFE003, lr  }
0x1b: {  	s9 =	sadd.s32 $0xFFFFFEF7, lr;
	s5 =	simm.s32 $0xFFFFFFFF;
	p2 =	slt.u32 s8, $0xFFFFF086  }
0x1c: {  	p1 =	slt.u32 s9, $0xF7A;
	s5 =	simm.s32 @!p2 $0x0  }
0x1d: {  	s5 =	simm.s32 @p1 $0x1;
	p0 =	seq.s32 s7, s2  }
0x1e: {  	s7 =	smul.u32 @!p0 $0xF7A, s2;
	p2 =	seq.s32 @!p0 s5, $0x0  }
0x1f: {  	s9 =	smul.u32 $0xF7A, s1;
	s8 =	simm.s32 @!p0 $0x1BF5;
	p2 =	por !p2, p0  }
0x20: {  	[sflag:s8] =	ssyncset.s32 @!p0 $0xFFFFF086;
	s6 =	sadd.s32 @!p0 s3, s7;
	s7 =	simm.s32 @!p0 $0x108  }
0x21: {  	s3 =	sadd.s32 s3, s9;
	s6 =	sadd.s32 @!p0 $0x88, s6;
	s7 =	simm.s32 @p2 $0x1082  }
0x22: {  	[simem:s7], [sflag:s8] =	dma.local @!p0 [hbm:s6], $0xF7A  }
0x23: {  	s9 =	sor.u32 $0xD0000000, s2;
	s6 =	simm.s32 $0x108;
	_ =	swait.ge @!p0 [sflag:s8], $0x0  }
0x24: {  	s3 =	sadd.s32 $0x88, s3;
	s6 =	simm.s32 @!p1 $0x1082;
	[sflag:s4] =	ssyncset.s32 $0xFFFFF086  }
0x25: {  	[simem:s6], [sflag:s4] =	dma.local [hbm:s3], $0xF7A  }
0x26: {  	[smem:$0x3F99] =	sst s1;
	(tag) =	ssettag s2;
	_ =	strace s9  }
0x27: {  	s1 =	sld [smem:$0x3FA9]  }
0x28: {  	s2 =	sld [smem:$0x3FAA]  }
0x29: {  	s4 =	sld [smem:$0x3FAC]  }
0x2a: {  	p0 =	seq.s32 s5, $0x0;
	s5 =	sld [smem:$0x3FAD]  }
0x2b: {  	s6 =	sld [smem:$0x3FAE]  }
0x2c: {  	s7 =	sld [smem:$0x3FAF]  }
0x2d: {  	s3 =	simm.s32 $0x108;
	s8 =	sld [smem:$0x3FB0]  }
0x2e: {  	s3 =	simm.s32 @!p0 $0x1082;
	s9 =	sld [smem:$0x3FB1]  }
0x2f: {  	lr =	sadd.s32 s0, s3;
	s0 =	sld [smem:$0x3FA8]  }
0x30: {  	s3 =	sld [smem:$0x3FAB]  }
0x31: {  	[smem:$0x3FB4] =	sst s10  }
0x32: {  	s10 =	sld [smem:$0x3FB2];
	_ =	sdelay $0x3  }
0x33: {  	p0 =	seq.s32 s10, $0x1;
	s10 =	sld [smem:$0x3FB4];
	_ =	sdelay $0x3  }
0x34: {  	[smem:$0x3FB4] =	sst s10  }
0x35: {  	s10 =	sld [smem:$0x3FB3];
	_ =	sdelay $0x3  }
0x36: {  	p1 =	seq.s32 s10, $0x1;
	s10 =	sld [smem:$0x3FB4];
	_ =	sdelay $0x3  }
0x37: {  	[smem:$0x3FB4] =	sst s10  }
0x38: {  	s10 =	sld [smem:$0x3FB5]  }
0x39: {  	_ = 	snop;
	(pc) =	sbr.ind lr, $3  }
0x3a: {  	_ = 	snop  }
0x3b: {  	_ = 	snop  }
0x3c: {  	p2 =	seq.s32 s10, $0x1;
	s10 =	sld [smem:$0x3FB4]  }
0x3d: {  	_ =	shalt  }
0x3e: {  	_ =	shalt  }
0x3f: {  	_ =	shalt  }
0x40: {  	_ =	shalt  }
0x41: {  	_ =	shalt  }
0x42: {  	_ =	shalt  }
0x43: {  	_ =	shalt  }
0x44: {  	_ =	shalt  }
0x45: {  	_ =	shalt  }
0x46: {  	_ =	shalt  }
0x47: {  	_ =	shalt  }
0x48: {  	_ =	shalt  }
0x49: {  	_ =	shalt  }
0x4a: {  	_ =	shalt  }
0x4b: {  	_ =	shalt  }
0x4c: {  	_ =	shalt  }
0x4d: {  	_ =	shalt  }
0x4e: {  	_ =	shalt  }
0x4f: {  	_ =	shalt  }
0x50: {  	_ =	shalt  }
0x51: {  	_ =	shalt  }
0x52: {  	_ =	shalt  }
0x53: {  	_ =	shalt  }
0x54: {  	_ =	shalt  }
0x55: {  	_ =	shalt  }
0x56: {  	_ =	shalt  }
0x57: {  	_ =	shalt  }
0x58: {  	_ =	shalt  }
0x59: {  	_ =	shalt  }
0x5a: {  	_ =	shalt  }
0x5b: {  	_ =	shalt  }
0x5c: {  	_ =	shalt  }
0x5d: {  	_ =	shalt  }
0x5e: {  	_ =	shalt  }
0x5f: {  	_ =	shalt  }
0x60: {  	_ =	shalt  }
0x61: {  	_ =	shalt  }
0x62: {  	_ =	shalt  }
0x63: {  	_ =	shalt  }
0x64: {  	_ =	shalt  }
0x65: {  	_ =	shalt  }
0x66: {  	_ =	shalt  }
0x67: {  	_ =	shalt  }
0x68: {  	_ =	shalt  }
0x69: {  	_ =	shalt  }
0x6a: {  	_ =	shalt  }
0x6b: {  	_ =	shalt  }
0x6c: {  	_ =	shalt  }
0x6d: {  	_ =	shalt  }
0x6e: {  	_ =	shalt  }
0x6f: {  	_ =	shalt  }
0x70: {  	_ =	shalt  }
0x71: {  	_ =	shalt  }
0x72: {  	_ =	shalt  }
0x73: {  	_ =	shalt  }
0x74: {  	_ =	shalt  }
0x75: {  	_ =	shalt  }
0x76: {  	_ =	shalt  }
0x77: {  	_ =	shalt  }
0x78: {  	_ =	shalt  }
0x79: {  	_ =	shalt  }
0x7a: {  	_ =	shalt  }
0x7b: {  	_ =	shalt  }
0x7c: {  	_ =	shalt  }
0x7d: {  	_ =	shalt  }
0x7e: {  	_ =	shalt  }
0x7f: {  	_ =	shalt  }
0x80: {  	_ =	shalt  }
0x81: {  	_ =	shalt  }
0x82: {  	_ =	shalt  }
0x83: {  	_ =	shalt  }
0x84: {  	_ =	shalt  }
0x85: {  	_ =	shalt  }
0x86: {  	_ =	shalt  }
0x87: {  	_ =	shalt  }
.Lfunc_end0:
.L_simem_size_0:
called_computation_lowered:
.L_overlay_start_0:
0x88: {  	s2 =	sld [smem:$0x3FD9]  }
0x89: {  	s3 =	sld [smem:$0x3FFE];
	_ =	sdelay $0x1  }
0x8a: {  	s1 =	srdreg.scid  }
0x8b: {  	s0 =	sand.u32 $0x1, s1  }
0x8c: {  	s16 =	sshll.u32 s0, $0xA;
	s2 =	sadd.s32 s3, s2  }
0x8d: {  	s2 =	sadd.s32 s2, s16  }
0x8e: {  	[smem:$0x3FC0] =	sst s2  }
0x8f: {  	_ = 	snop  }
0x90: {  	(tm) =	ssettm $0x1  }
0x91: {  	s17 =	sld [smem:$0x3FFB];
	_ =	sdelay $0x3  }
0x92: {  	_ =	strace s17  }
0x93: {  	s2 =	sld [smem:$0x3FFC];
	_ =	sdelay $0x3  }
0x94: {  	_ =	strace s2  }
0x95: {  	s2 =	sld [smem:$0x3FFD];
	_ =	sdelay $0x3  }
0x96: {  	_ =	strace s2  }
0x97: {  	_ =	strace $0x8FFFFFFF  }
0x98: {  	s18 =	sld [smem:$0x3FDB];
	_ =	sdelay $0x1  }
0x99: {  	s19 =	simm.s32 $_scs_section_size  }
0x9a: {  	s4 =	simm.s32 $_size__tile_overlayer_lowered;
	s5 =	simm.s32 $_tile_overlayer_lowered  }
0x9b: {  	s22 =	simm.s32 $0x1BFF;
	s21 =	sshll.u32 s5, $0x1;
	s2 =	sadd.s32 s19, s18  }
0x9c: {  	s6 =	simm.s32 $0x0;
	s20 =	sshll.u32 s4, $0x1;
	s4 =	sadd.s32 s21, s2  }
0x9d: {  	[timem:s6], [sflag:s22] =	dma.local [hbm:s4], s20  }
0x9e: {  	_ =	swait.ge [sflag:s22], s20  }
0x9f: {  	s3 =	ssub.s32 $0x0, s20;
	[sflag:s22] =	ssyncset.done $0x0  }
0xa0: {  	[sflag:s22] =	ssyncadd.s32 s3;
	_ =	sdelay $0x1  }
0xa1: {  	s23 =	simm.s32 $0x1B8B  }
0xa2: {  	_ =	swait.ge [sflag:s23], $0x1  }
0xa3: {  	[sflag:s23] =	ssyncset.done $0x0  }
0xa4: {  	s25 =	simm.s32 $0x1B8E;
	s24 =	sld [smem:$0x3FFE];
	[sflag:s23] =	ssyncadd.s32 $0xFFFFFFFF  }
0xa5: {  	s26 =	simm.s32 $execute0_lowered;
	[smem:$0x3FD2] =	sst s25  }
0xa6: {  	s4 =	sshll.u32 s26, $0x1;
	_ =	strace $0x80000046;
	[dreg:$0x1] =	wrdreg $0xFFFFFFFF  }
0xa7: {  	s28 =	simm.s32 $_size_execute0_lowered;
	s2 =	sadd.s32 s2, s4;
	[dreg:$0x0] =	wrdreg $0x0  }
0xa8: {  	s4 =	sshll.u32 s28, $0x1;
	[dreg:$0x2] =	wrdreg s2  }
0xa9: {  	[dreg:$0x3] =	wrdreg s4  }
0xaa: {  	[dreg:$0x4] =	wrdreg $0xC0  }
0xab: {  	_ =	task [dreg:s6], $0x5FFFF  }
0xac: {  	[dreg:$0x1] =	wrdreg $0xFFFFFFFF  }
0xad: {  	[dreg:$0x0] =	wrdreg $0x60  }
0xae: {  	[dreg:$0x2] =	wrdreg s24  }
0xaf: {  	[dreg:$0x3] =	wrdreg $0x7A000  }
0xb0: {  	[dreg:$0x4] =	wrdreg $0x9  }
0xb1: {  	_ =	task.clear_ibuf [dreg:s6], $0x5FFFF;
	_ =	strace $0x90000046  }
0xb2: {  	s29 =	simm.s32 $0x9;
	_ =	strace $0x80000048  }
0xb3: {  	_ =	swait.ge [sflag:s29], $0x1  }
0xb4: {  	[sflag:s29] =	ssyncadd.s32 $0xFFFFFFFF  }
0xb5: {  	_ =	strace $0x90000048  }
0xb6: {  	_ =	sfence  }
0xb7: {  	s30 =	sld [smem:$0x0];
	_ =	sdelay $0x2  }
0xb8: {  	s31 =	sshll.u32 s1, $0xD;
	s1 =	sshrl.u32 s1, $0x2  }
0xb9: {  	s3 =	sand.u32 $0x4000, s31;
	s1 =	sadd.s32 s1, s30  }
0xba: {  	s0 =	sor.u32 s3, s0;
	s1 =	sshll.u32 s1, $0x11  }
0xbb: {  	s0 =	sor.u32 s1, s0  }
0xbc: {  	s0 =	sadd.s32 $0x8F2B, s0  }
0xbd: {  	[sflag:s0] =	ssyncadd.remote.s32 $0x1  }
0xbe: {  	_ =	sfence.sel $0xFFFF  }
0xbf: {  	[dreg:$0x0] =	wrdreg $0xFFFFFFFF;
	(pc) =	sbr.abs _section_cstart, $3  }
0xc0: {  	[dreg:$0x1] =	wrdreg $0xFFFFFFFF  }
0xc1: {  	_ =	task.clear_ibuf [dreg:s6], $0x2FFFF;
	_ =	strace $0x9FFFFFFF  }
0xc2: {  	(tm) =	ssettm $0x7FFFFFFF  }
0xc3: {  	_ =	shalt  }
tec
execute0_lowered:
.L_overlay_start_1:
0x0: {  	(tag) =	ssettag $0x1  }
0x1: {  	s0 =	srdreg.scid;
	s4 =	rddreg [dreg:$0x0]  }
0x2: {  	s5 =	rddreg [dreg:$0x1];
	s2 =	simm.s32 $0x0;
	s11 =	simm.s32 $0x400  }
0x3: {  	s12 =	simm.s32 $0x1400;
	s13 =	simm.s32 $0x14000;
	s14 =	simm.s32 $0x4F80  }
0x4: {  	s15 =	simm.s32 $0x100;
	s16 =	simm.s32 $0x7780;
	s17 =	simm.s32 $0x0  }
0x5: {  	s3 =	sand.u32 $0x1, s0;
	s0 =	stileid.u32;
	[smem:$0x7FF] =	sst s2  }
0x6: {  	s1 =	sshll.u32 s3, $0x4;
	s7 =	smul.u32 $0x500, s0;
	s8 =	sshll.u32 s3, $0x7  }
0x7: {  	s26 =	sshrl.u32 s0, $0x3;
	s3 =	ssub.s32 $0x2, s3;
	s9 =	smul.u32 $0x5000, s0  }
0x8: {  	s29 =	sshll.u32 s0, $0x7;
	s6 =	sor.u32 s0, s1;
	s1 =	rddreg [dreg:$0x2]  }
0x9: {  	_ =	strace $0x80000047;
	s28 =	sshrl.u32 s3, $0x1;
	s6 =	smul.u32 $0x4E2, s6  }
0xa: {  	s31 =	sand.u32 $0x380, s29;
	s7 =	sor.u32 s8, s7;
	s8 =	smul.u32 $0x50000, s26  }
0xb: {  	s10 =	ssub.s32 s3, s28;
	s9 =	sshrl.u32 s9, $0x2;
	s7 =	sshrl.u32 s7, $0x3  }
0xc: {  	s6 =	sadd.s32 s6, s4;
	s7 =	sadd.s32 s7, s4;
	s30 =	sshrl.u32 s8, $0x2  }
0xd: {  	s8 =	simm.s32 $0x1;
	s4 =	sadd.s32 s30, s5;
	s3 =	sadd.s32 $0x2E00, s6  }
0xe: {  	s5 =	sadd.s32 s9, s5;
	s6 =	sadd.s32 $0xCC00, s7;
	s7 =	smax.u32 s10, $0x1  }
0xf: {  	v0 =	vimm.f32 $0.0e+00;
	v1 =	vimm.f32 $1.000000000e+00;
	s9 =	simm.s32 $0x2780;
	s10 =	simm.s32 $0x80;
	s4 =	sadd.s32 s31, s4  }
.LBB2_1:
0x10: {  	[tilespmem:s2], [sflag:$0x1] =	stream.linear.gather [hbm4b:s3+s2], $0x2710, $0x38;
	[tilespmem:$0xA200] =	vst v63  }
0x11: {  	_ =	swait.ge [sflag:s8], $0x2710  }
0x12: {  	[sflag:s8] =	ssyncset.done $0x0  }
0x13: {  	s18 =	simm.s32 $0x0;
	[sflag:s8] =	ssyncadd.s32 $0xFFFFD8F0  }
.LBB2_2:
0x14: {  	p0 =	sne.s32 s18, $0x9FC0  }
.Ltmp0:
0x15: {  	_ = 	snop;
	(pc) =	sbr.rel @p0 .LBB2_2-.Ltmp0, $3  }
0x16: {  	_ =	sdelay $0x1  }
0x17: {  	s19 =	sshra.s32 s18, $0x2  }
0x18: {  	s18 =	sadd.s32 $0x40, s18;
	[tilespmem:s19+$0x2780] =	vst v0  }
0x19: {  	s19 =	simm.s32 $0x0;
	s18 =	simm.s32 $0x40  }
.LBB2_4:
0x1a: {  	p0 =	sne.s32 s18, $0x9C00;
	v2 =	vld [tilespmem:s19+$0x0];
	_ =	sdelay $0x3  }
.Ltmp1:
0x1b: {  	(pc) =	sbr.rel @p0 .LBB2_4-.Ltmp1, $2  }
0x1c: {  	_ =	sdelay $0x2  }
0x1d: {  	s19 =	sshra.s32 s18, $0x2;
	s18 =	sadd.s32 $0x40, s18;
	[tilespmem:v2+s9+$0x0] =	vst.idx.add.f32.msk $0xffff, v1  }
0x1e: {  	v2 =	vld [tilespmem:s19+$0x0];
	_ =	sdelay $0x7  }
0x1f: {  	[tilespmem:v2+s9+$0x0] =	vst.idx.add.f32.msk $0xffff, v1  }
0x20: {  	[spmem:s4] =	stream.strided.scatter [tilespmem:s9], [sflag:$0x1], $0x2800, s11, s10, $0x38;
	[tilespmem:$0xA200] =	vst v63  }
0x21: {  	_ =	swait.ge [sflag:s8], $0x2800  }
0x22: {  	[sflag:s8] =	ssyncset.done $0x0  }
0x23: {  	[sflag:s8] =	ssyncadd.s32 $0xFFFFD800  }
0x24: {  	[bflag:$0x0] =	sbarrier.arrive $0xFFFF  }
0x25: {  	[tilespmem:s14], [sflag:$0x1] =	stream.strided.gather [spmem:s5], $0x2800, s13, s12, $0x38;
	[tilespmem:$0xA200] =	vst v63  }
0x26: {  	s18 =	simm.s32 $0x0;
	_ =	swait.ge [sflag:s8], $0x2800  }
0x27: {  	s30 =	sand.u32 $0x70, s18;
	s18 =	sand.u32 $0x1C00, s18;
	[sflag:s8] =	ssyncset.done $0x0  }
0x28: {  	s18 =	sor.u32 s30, s18;
	[sflag:s8] =	ssyncadd.s32 $0xFFFFD800  }
0x29: {  	v2 =	vld [tilespmem:s18+$0x5000]  }
0x2a: {  	v3 =	vld [tilespmem:s18+$0x4F80];
	_ =	sdelay $0x1  }
0x2b: {  	v4 =	vld [tilespmem:s18+$0x5080];
	_ =	sdelay $0x1  }
0x2c: {  	v5 =	vld [tilespmem:s18+$0x5100]  }
0x2d: {  	v2 =	vadd.f32 v2, v3  }
0x2e: {  	v3 =	vld [tilespmem:s18+$0x5180]  }
0x2f: {  	v2 =	vadd.f32 v4, v2  }
0x30: {  	v56 =	vld [tilespmem:s18+$0x5200]  }
0x31: {  	v2 =	vadd.f32 v5, v2  }
0x32: {  	v57 =	vld [tilespmem:s18+$0x5280]  }
0x33: {  	v2 =	vadd.f32 v3, v2  }
0x34: {  	v3 =	vld [tilespmem:s18+$0x5300]  }
0x35: {  	v2 =	vadd.f32 v56, v2  }
0x36: {  	v58 =	vld [tilespmem:s18+$0x6380]  }
0x37: {  	v2 =	vadd.f32 v57, v2  }
0x38: {  	v59 =	vld [tilespmem:s18+$0x6400]  }
0x39: {  	v2 =	vadd.f32 v3, v2  }
0x3a: {  	v3 =	vld [tilespmem:s18+$0x6480]  }
0x3b: {  	v2 =	vadd.f32 v58, v2  }
0x3c: {  	v60 =	vld [tilespmem:s18+$0x6500]  }
0x3d: {  	v2 =	vadd.f32 v59, v2  }
0x3e: {  	v61 =	vld [tilespmem:s18+$0x6580]  }
0x3f: {  	v2 =	vadd.f32 v3, v2  }
0x40: {  	v3 =	vld [tilespmem:s18+$0x6600]  }
0x41: {  	v2 =	vadd.f32 v60, v2  }
0x42: {  	v62 =	vld [tilespmem:s18+$0x6680]  }
0x43: {  	v2 =	vadd.f32 v61, v2  }
0x44: {  	v63 =	vld [tilespmem:s18+$0x6700]  }
0x45: {  	v2 =	vadd.f32 v3, v2;
	_ =	sdelay $0x1  }
0x46: {  	v2 =	vadd.f32 v62, v2;
	_ =	sdelay $0x1  }
0x47: {  	s31 =	simm.s32 $0x10;
	s20 =	simm.s32 $0x80;
	v2 =	vadd.f32 v63, v2  }
0x48: {  	s19 =	sand.u32 $0x70, s31;
	s21 =	sand.u32 $0x1C00, s20;
	s18 =	simm.s32 $0x7780  }
0x49: {  	s19 =	sor.u32 s19, s21;
	s21 =	simm.s32 $0x20;
	[tilespmem:s18+$0x0] =	vst v2  }
.LBB2_6:
0x4a: {  	p0 =	sne.s32 s21, $0x270;
	v2 =	vld [tilespmem:s19+$0x5000]  }
0x4b: {  	v3 =	vld [tilespmem:s19+$0x4F80];
	_ =	sdelay $0x1  }
0x4c: {  	v4 =	vld [tilespmem:s19+$0x5080];
	_ =	sdelay $0x1  }
0x4d: {  	v5 =	vld [tilespmem:s19+$0x5100]  }
0x4e: {  	v2 =	vadd.f32 v2, v3  }
0x4f: {  	v3 =	vld [tilespmem:s19+$0x5180]  }
0x50: {  	v2 =	vadd.f32 v4, v2  }
0x51: {  	v4 =	vld [tilespmem:s19+$0x5200]  }
0x52: {  	v2 =	vadd.f32 v5, v2  }
0x53: {  	v5 =	vld [tilespmem:s19+$0x5280]  }
0x54: {  	v2 =	vadd.f32 v3, v2  }
0x55: {  	v3 =	vld [tilespmem:s19+$0x5300]  }
0x56: {  	v2 =	vadd.f32 v4, v2  }
0x57: {  	v4 =	vld [tilespmem:s19+$0x6380]  }
0x58: {  	v2 =	vadd.f32 v5, v2  }
0x59: {  	v5 =	vld [tilespmem:s19+$0x6400]  }
0x5a: {  	v2 =	vadd.f32 v3, v2  }
0x5b: {  	v3 =	vld [tilespmem:s19+$0x6480]  }
0x5c: {  	v2 =	vadd.f32 v4, v2  }
0x5d: {  	v4 =	vld [tilespmem:s19+$0x6500]  }
0x5e: {  	v2 =	vadd.f32 v5, v2  }
0x5f: {  	v5 =	vld [tilespmem:s19+$0x6580]  }
0x60: {  	v2 =	vadd.f32 v3, v2  }
0x61: {  	v3 =	vld [tilespmem:s19+$0x6600]  }
0x62: {  	v2 =	vadd.f32 v4, v2  }
0x63: {  	v4 =	vld [tilespmem:s19+$0x6680]  }
0x64: {  	v2 =	vadd.f32 v5, v2  }
0x65: {  	v5 =	vld [tilespmem:s19+$0x6700]  }
0x66: {  	v2 =	vadd.f32 v3, v2;
	_ =	sdelay $0x1  }
.Ltmp2:
0x67: {  	v2 =	vadd.f32 v4, v2;
	(pc) =	sbr.rel @p0 .LBB2_6-.Ltmp2, $4  }
0x68: {  	_ = 	snop  }
0x69: {  	s20 =	sadd.s32 $0x80, s20;
	v2 =	vadd.f32 v5, v2  }
0x6a: {  	s18 =	sadd.s32 $0x10, s18;
	s22 =	sand.u32 $0x1C00, s20;
	s19 =	sand.u32 $0x70, s21  }
0x6b: {  	s21 =	sadd.s32 $0x10, s21;
	s19 =	sor.u32 s19, s22;
	[tilespmem:s18+$0x0] =	vst v2  }
0x6c: {  	v2 =	vld [tilespmem:s19+$0x5000]  }
0x6d: {  	v3 =	vld [tilespmem:s19+$0x4F80];
	_ =	sdelay $0x1  }
0x6e: {  	v4 =	vld [tilespmem:s19+$0x5080];
	_ =	sdelay $0x1  }
0x6f: {  	v5 =	vld [tilespmem:s19+$0x5100]  }
0x70: {  	v2 =	vadd.f32 v2, v3  }
0x71: {  	v3 =	vld [tilespmem:s19+$0x5180]  }
0x72: {  	v2 =	vadd.f32 v4, v2  }
0x73: {  	v56 =	vld [tilespmem:s19+$0x5200]  }
0x74: {  	v2 =	vadd.f32 v5, v2  }
0x75: {  	v57 =	vld [tilespmem:s19+$0x5280]  }
0x76: {  	v2 =	vadd.f32 v3, v2  }
0x77: {  	v3 =	vld [tilespmem:s19+$0x5300]  }
0x78: {  	v2 =	vadd.f32 v56, v2  }
0x79: {  	v58 =	vld [tilespmem:s19+$0x6380]  }
0x7a: {  	v2 =	vadd.f32 v57, v2  }
0x7b: {  	v59 =	vld [tilespmem:s19+$0x6400]  }
0x7c: {  	v2 =	vadd.f32 v3, v2  }
0x7d: {  	v3 =	vld [tilespmem:s19+$0x6480]  }
0x7e: {  	v2 =	vadd.f32 v58, v2  }
0x7f: {  	v60 =	vld [tilespmem:s19+$0x6500]  }
0x80: {  	v2 =	vadd.f32 v59, v2  }
0x81: {  	v61 =	vld [tilespmem:s19+$0x6580]  }
0x82: {  	v2 =	vadd.f32 v3, v2  }
0x83: {  	v3 =	vld [tilespmem:s19+$0x6600]  }
0x84: {  	v2 =	vadd.f32 v60, v2  }
0x85: {  	v62 =	vld [tilespmem:s19+$0x6680]  }
0x86: {  	v2 =	vadd.f32 v61, v2  }
0x87: {  	v63 =	vld [tilespmem:s19+$0x6700]  }
0x88: {  	v2 =	vadd.f32 v3, v2;
	_ =	sdelay $0x1  }
0x89: {  	v2 =	vadd.f32 v62, v2;
	_ =	sdelay $0x1  }
0x8a: {  	s17 =	sadd.s32 $0x1, s17;
	v2 =	vadd.f32 v63, v2  }
0x8b: {  	s18 =	sadd.s32 $0x10, s18;
	p0 =	sne.s32 s17, s7  }
.Ltmp3:
0x8c: {  	[tilespmem:s18+$0x0] =	vst v2;
	(pc) =	sbr.rel @p0 .LBB2_1-.Ltmp3, $4  }
0x8d: {  	[hbm4b:s6+s10] =	stream.strided.scatter [tilespmem:s16], [sflag:$0x1], $0x280, s15, s10, $0x38;
	[tilespmem:$0xA200] =	vst v63  }
0x8e: {  	_ =	swait.ge [sflag:s8], $0x280  }
0x8f: {  	[sflag:s8] =	ssyncset.done $0x0  }
0x90: {  	[sflag:s8] =	ssyncadd.s32 $0xFFFFFD80  }
0x91: {  	_ =	sfence.sel $0x180000  }
0x92: {  	[bflag:$0x0] =	sbarrier.arrive $0xFFFF  }
0x93: {  	p0 =	sne.s32 s0, $0x0;
	_ =	strace $0x90000047  }
0x94: {  	s0 =	sadd.s32 @!p0 $0x100000, s1;
	[bflag:$0x2] =	sbarrier.arrive $0xFFFF  }
0x95: {  	[sflag:s0] =	ssyncadd.tile.s32 @!p0 $0x1;
	_ =	shalt  }
.Lfunc_end2:
_tile_overlayer_lowered:
.L_overlay_start_2:
0x96: {  	(tag) =	ssettag $0x2  }
0x97: {  	s0 =	rddreg [dreg:$0x0];
	s2 =	stileid.u32  }
0x98: {  	s1 =	rddreg [dreg:$0x1];
	p0 =	sne.s32 s2, $0x0  }
0x99: {  	s3 =	rddreg [dreg:$0x2];
	[bflag:$0x3] =	sbarrier.arrive $0xFFFF;
	s2 =	simm.s32 @!p0 $0x1C01  }
0x9a: {  	[timem:s3], [sflag:s2] =	dma.local @!p0 [hbm:s0], s1  }
0x9b: {  	s0 =	simm.s32 @!p0 $0x1  }
0x9c: {  	_ =	swait.ge @!p0 [sflag:s0], s1  }
0x9d: {  	s1 =	ssub.s32 @!p0 $0x0, s1;
	[sflag:s0] =	ssyncset.done @!p0 $0x0  }
0x9e: {  	[sflag:s0] =	ssyncadd.s32 @!p0 s1  }
0x9f: {  	[bflag:$0x3] =	sbarrier.arrive $0xFFFF  }
0xa0: {  	_ =	shalt  }

</sc_bundles>
